<compile_context>
chip_gen: v7x
topology: tpu7x:2x2x1
jax: 0.10.2.dev20260603
libtpu: 0.0.44.dev20260713+nightly
codegen_flags: <defaults>
</compile_context>

<pallas_src>
import functools

import jax
import jax.numpy as jnp
from jax import lax
from jax.experimental import pallas as pl
from jax.experimental.pallas import tpu as pltpu
from jax.experimental.pallas import tpu_sc as plsc

B, S, D = 512, 50, 64
NMOD = 14
NSLOT = 26
NOUT = 27
PAIRS = B * S
PSUB, PLANE = 32, 128
PBLK = PSUB * PLANE

NC, NS = 2, 16
NW = NC * NS
PPW = PAIRS // NW
CP = 8
NCH = PPW // CP
ROWS = CP * NOUT
NG = (ROWS + 15) // 16
INW = CP * NMOD * D
IDXW = CP * NSLOT
MASKROW = CP * NMOD


def _body(tb, ri, mt, out,
          idx_a, idx_b, in_a, in_b, out_a, out_b, mt_v,
          sem_in_a, sem_in_b, sem_out_a, sem_out_b):
    wid = lax.axis_index("s") * NC + lax.axis_index("c")
    iota = lax.iota(jnp.int32, 16)

    def fire_in(c, in_v, idx_v, sem):
        pair0 = pl.multiple_of(wid * PPW + c * CP, CP)
        pltpu.make_async_copy(
            ri.at[pl.ds(pair0 * NSLOT, IDXW)], idx_v, sem).start()
        pltpu.make_async_copy(
            tb.at[pl.ds(pair0 * NMOD * D, INW)], in_v.at[pl.ds(0, INW)], sem
        ).start()

    def wait_in(in_v, idx_v, sem):
        pltpu.make_async_copy(ri.at[pl.ds(0, IDXW)], idx_v, sem).wait()
        pltpu.make_async_copy(
            tb.at[pl.ds(0, INW)], in_v.at[pl.ds(0, INW)], sem).wait()

    OUTW = NOUT * PLANE

    def fire_out(c, out_v, sem):
        pair0 = pl.multiple_of(wid * PPW + c * CP, CP)
        for p in range(CP):
            src = pl.multiple_of(p * PBLK, PBLK)
            dst = pl.multiple_of((pair0 + p) * PBLK, PBLK)
            pltpu.make_async_copy(
                out_v.at[pl.ds(src, OUTW)], out.at[pl.ds(dst, OUTW)], sem
            ).start()

    def drain_out(out_v, sem):
        pltpu.make_async_copy(
            out_v.at[pl.ds(0, CP * OUTW)],
            out.at[pl.ds(0, CP * OUTW)], sem).wait()

    def compute(in_v, idx_v, out_v):
        def group_body(g, gc):
            rowid = iota + g * 16
            rid = jnp.minimum(rowid, ROWS - 1)
            p_rel = lax.div(rid, NOUT)
            n = rid - p_rel * NOUT
            off = jnp.maximum(p_rel * NSLOT + n - 1, 0)
            idx = plsc.load_gather(idx_v, [off])
            keep = idx < (NMOD - 1)
            base = p_rel * NMOD
            src_rel = jnp.where(
                n == 0, base, jnp.where(keep, base + 1 + idx, MASKROW)
            )
            srcf = src_rel * D
            dstf = p_rel * PBLK + n * PLANE
            valid = rowid < ROWS
            for d in range(D):
                col = (iota + d) & (D - 1)
                val = plsc.load_gather(in_v, [srcf + col])
                plsc.store_scatter(out_v, [dstf + col], val, mask=valid)
            return gc
        lax.fori_loop(0, NG, group_body, 0)

    pltpu.sync_copy(mt, mt_v)
    for k in range(4):
        mtk = mt_v[pl.ds(k * 16, 16)]
        in_a[pl.ds(MASKROW * D + k * 16, 16)] = mtk
        in_b[pl.ds(MASKROW * D + k * 16, 16)] = mtk

    fire_in(0, in_a, idx_a, sem_in_a)
    fire_in(1, in_b, idx_b, sem_in_b)

    def round_body(cc, carry):
        ca = cc * 2
        cb = ca + 1
        wait_in(in_a, idx_a, sem_in_a)

        @pl.when(cc > 0)
        def _():
            drain_out(out_a, sem_out_a)
        compute(in_a, idx_a, out_a)
        fire_out(ca, out_a, sem_out_a)

        @pl.when(cc < NCH // 2 - 1)
        def _():
            fire_in(ca + 2, in_a, idx_a, sem_in_a)

        wait_in(in_b, idx_b, sem_in_b)

        @pl.when(cc > 0)
        def _():
            drain_out(out_b, sem_out_b)
        compute(in_b, idx_b, out_b)
        fire_out(cb, out_b, sem_out_b)

        @pl.when(cc < NCH // 2 - 1)
        def _():
            fire_in(cb + 2, in_b, idx_b, sem_in_b)
        return carry

    lax.fori_loop(0, NCH // 2, round_body, 0)
    drain_out(out_a, sem_out_a)
    drain_out(out_b, sem_out_b)


_revert = functools.partial(
    pl.kernel,
    _body,
    out_type=jax.ShapeDtypeStruct((PAIRS * PBLK,), jnp.float32),
    mesh=plsc.VectorSubcoreMesh(core_axis_name="c", subcore_axis_name="s"),
    compiler_params=pltpu.CompilerParams(needs_layout_passes=False),
    scratch_types=[
        pltpu.VMEM((IDXW,), jnp.int32),
        pltpu.VMEM((IDXW,), jnp.int32),
        pltpu.VMEM((INW + D,), jnp.float32),
        pltpu.VMEM((INW + D,), jnp.float32),
        pltpu.VMEM((CP * PBLK,), jnp.float32),
        pltpu.VMEM((CP * PBLK,), jnp.float32),
        pltpu.VMEM((D,), jnp.float32),
        pltpu.SemaphoreType.DMA,
        pltpu.SemaphoreType.DMA,
        pltpu.SemaphoreType.DMA,
        pltpu.SemaphoreType.DMA,
    ],
)


def kernel(temporal_block, revert_idx, mask_token):
    tb = temporal_block.reshape(PAIRS * NMOD * D)
    ri = revert_idx.reshape(PAIRS * NSLOT)
    out = _revert()(tb, ri, mask_token)
    out = out.reshape(B, S, PSUB, PLANE)
    return out[:, :, :NOUT, :D]

# --- scband reference (transcript-rebuilt; emitter-appended) ---
"""Pipeline reference for scband-temporal-revert-4715874091591 (READ-ONLY COPY).

The authoritative reference and input builder live on the scoring server;
editing this copy changes nothing except your own understanding.
"""

import jax, jax.numpy as jnp
import numpy as np

B, S, M_KEEP, D = 512, 50, 13, 64
M_TOTAL = 26


def setup_inputs(seed: int = 0) -> dict:
    key = jax.random.key(seed)
    k1, k2, k3 = jax.random.split(key, 3)
    temporal_block = jax.random.normal(k1, (B, S, 1 + M_KEEP, D), dtype=jnp.float32)
    revert_idx = jax.random.randint(k2, (B, S, M_TOTAL), 0, M_TOTAL, dtype=jnp.int32)
    mask_token = jax.random.normal(k3, (D,), dtype=jnp.float32)
    return {
        "temporal_block": temporal_block,
        "revert_idx": revert_idx,
        "mask_token": mask_token,
    }


def reference(temporal_block, revert_idx, mask_token):
    # global token slot kept separate
    global_seq = temporal_block[:, :, :1, :]
    valid_seq = temporal_block[:, :, 1:, :]
    b, s, num_modality, d_model = valid_seq.shape
    n_mask = revert_idx.shape[-1] - num_modality
    # append mask tokens for the masked-out modality slots
    mt = jnp.broadcast_to(
        mask_token[None, None, None, :], (b, s, n_mask, d_model)
    )
    valid_seq = jnp.concatenate([valid_seq, mt], axis=-2)
    # gather: revert shuffled (kept + masked) slots back to original order
    idx = jnp.broadcast_to(
        revert_idx[..., None], revert_idx.shape + (d_model,)
    )
    reverted_valid_seq = jnp.take_along_axis(valid_seq, idx, axis=-2)
    revert_seq = jnp.concatenate([global_seq, reverted_valid_seq], axis=-2)
    # original module returns a dict of per-column slices revert_seq[:, :, n, :];
    # we return the stacked tensor, which contains exactly the same values.
    return revert_seq

if __name__ == "__main__":
    import jax
    _d = setup_inputs()
    print(jax.jit(kernel)(*tuple(_d.values())))

</pallas_src>

<mosaic_0001>
#map = affine_map<(d0, d1) -> (0)>
module attributes {stable_mosaic.version = 14 : i64} {
  func.func @_body(%arg0: i32, %arg1: i32, %arg2: memref<22937600xf32, #tpu.memory_space<hbm>>, %arg3: memref<665600xi32, #tpu.memory_space<hbm>>, %arg4: memref<64xf32, #tpu.memory_space<hbm>>, %arg5: memref<104857600xf32, #tpu.memory_space<hbm>>, %arg6: memref<208xi32, #tpu.memory_space<vmem>>, %arg7: memref<208xi32, #tpu.memory_space<vmem>>, %arg8: memref<7232xf32, #tpu.memory_space<vmem>>, %arg9: memref<7232xf32, #tpu.memory_space<vmem>>, %arg10: memref<32768xf32, #tpu.memory_space<vmem>>, %arg11: memref<32768xf32, #tpu.memory_space<vmem>>, %arg12: memref<64xf32, #tpu.memory_space<vmem>>, %arg13: memref<!tpu.dma_semaphore, #tpu.memory_space<semaphore_mem>>, %arg14: memref<!tpu.dma_semaphore, #tpu.memory_space<semaphore_mem>>, %arg15: memref<!tpu.dma_semaphore, #tpu.memory_space<semaphore_mem>>, %arg16: memref<!tpu.dma_semaphore, #tpu.memory_space<semaphore_mem>>) attributes {dimension_semantics = [#tpu.dimension_semantics<core_parallel>, #tpu.dimension_semantics<subcore_parallel>], iteration_bounds = array<i64: 2, 16>, scalar_prefetch = 0 : i64, scratch_operands = 11 : i64, tpu.core_type = #tpu.core_type<sc_vector_subcore>, window_params = [{transform_indices = #map}, {transform_indices = #map}, {transform_indices = #map}, {transform_indices = #map}]} {
    %mul3A = arith.constant 2 : i32
    %mul3A_0 = arith.muli %arg1, %mul3A : i32
    %add3A = arith.addi %mul3A_0, %arg0 : i32
    %iota3A = tpu.iota {dimensions = array<i32: 0>} : vector<16xi32>
    "tpu.region"() ({
      %run_scoped3A = tpu.sem_alloc : memref<!tpu.dma_semaphore, #tpu.memory_space<semaphore_mem>>
      tpu.enqueue_dma source(%arg4 : memref<64xf32, #tpu.memory_space<hbm>>) target(%arg12 : memref<64xf32, #tpu.memory_space<vmem>>) target_semaphore(%run_scoped3A : memref<!tpu.dma_semaphore, #tpu.memory_space<semaphore_mem>>)
      tpu.wait_dma2 semaphore(%run_scoped3A : memref<!tpu.dma_semaphore, #tpu.memory_space<semaphore_mem>>) src(%arg4 : memref<64xf32, #tpu.memory_space<hbm>>) dst(%arg12 : memref<64xf32, #tpu.memory_space<vmem>>)
      tpu.yield
    }) : () -> ()
    %get3A = arith.constant 0 : index
    %get3A_1 = tpu.vector_load %arg12[%get3A] {strides = array<i32>} : memref<64xf32, #tpu.memory_space<vmem>>, vector<16xf32>,
    %swap3A = arith.constant 7168 : index
    %swap3A_2 = tpu.vector_load %arg8[%swap3A] {strides = array<i32>} : memref<7232xf32, #tpu.memory_space<vmem>>, vector<16xf32>,
    tpu.vector_store %arg8[%swap3A], %get3A_1 {strides = array<i32>} : memref<7232xf32, #tpu.memory_space<vmem>>, vector<16xf32>,
    %swap3A_3 = arith.constant 7168 : index
    %swap3A_4 = tpu.vector_load %arg9[%swap3A_3] {strides = array<i32>} : memref<7232xf32, #tpu.memory_space<vmem>>, vector<16xf32>,
    tpu.vector_store %arg9[%swap3A_3], %get3A_1 {strides = array<i32>} : memref<7232xf32, #tpu.memory_space<vmem>>, vector<16xf32>,
    %get3A_5 = arith.constant 16 : index
    %get3A_6 = tpu.vector_load %arg12[%get3A_5] {strides = array<i32>} : memref<64xf32, #tpu.memory_space<vmem>>, vector<16xf32>,
    %swap3A_7 = arith.constant 7184 : index
    %swap3A_8 = tpu.vector_load %arg8[%swap3A_7] {strides = array<i32>} : memref<7232xf32, #tpu.memory_space<vmem>>, vector<16xf32>,
    tpu.vector_store %arg8[%swap3A_7], %get3A_6 {strides = array<i32>} : memref<7232xf32, #tpu.memory_space<vmem>>, vector<16xf32>,
    %swap3A_9 = arith.constant 7184 : index
    %swap3A_10 = tpu.vector_load %arg9[%swap3A_9] {strides = array<i32>} : memref<7232xf32, #tpu.memory_space<vmem>>, vector<16xf32>,
    tpu.vector_store %arg9[%swap3A_9], %get3A_6 {strides = array<i32>} : memref<7232xf32, #tpu.memory_space<vmem>>, vector<16xf32>,
    %get3A_11 = arith.constant 32 : index
    %get3A_12 = tpu.vector_load %arg12[%get3A_11] {strides = array<i32>} : memref<64xf32, #tpu.memory_space<vmem>>, vector<16xf32>,
    %swap3A_13 = arith.constant 7200 : index
    %swap3A_14 = tpu.vector_load %arg8[%swap3A_13] {strides = array<i32>} : memref<7232xf32, #tpu.memory_space<vmem>>, vector<16xf32>,
    tpu.vector_store %arg8[%swap3A_13], %get3A_12 {strides = array<i32>} : memref<7232xf32, #tpu.memory_space<vmem>>, vector<16xf32>,
    %swap3A_15 = arith.constant 7200 : index
    %swap3A_16 = tpu.vector_load %arg9[%swap3A_15] {strides = array<i32>} : memref<7232xf32, #tpu.memory_space<vmem>>, vector<16xf32>,
    tpu.vector_store %arg9[%swap3A_15], %get3A_12 {strides = array<i32>} : memref<7232xf32, #tpu.memory_space<vmem>>, vector<16xf32>,
    %get3A_17 = arith.constant 48 : index
    %get3A_18 = tpu.vector_load %arg12[%get3A_17] {strides = array<i32>} : memref<64xf32, #tpu.memory_space<vmem>>, vector<16xf32>,
    %swap3A_19 = arith.constant 7216 : index
    %swap3A_20 = tpu.vector_load %arg8[%swap3A_19] {strides = array<i32>} : memref<7232xf32, #tpu.memory_space<vmem>>, vector<16xf32>,
    tpu.vector_store %arg8[%swap3A_19], %get3A_18 {strides = array<i32>} : memref<7232xf32, #tpu.memory_space<vmem>>, vector<16xf32>,
    %swap3A_21 = arith.constant 7216 : index
    %swap3A_22 = tpu.vector_load %arg9[%swap3A_21] {strides = array<i32>} : memref<7232xf32, #tpu.memory_space<vmem>>, vector<16xf32>,
    tpu.vector_store %arg9[%swap3A_21], %get3A_18 {strides = array<i32>} : memref<7232xf32, #tpu.memory_space<vmem>>, vector<16xf32>,
    %mul3A_23 = arith.constant 800 : i32
    %mul3A_24 = arith.muli %add3A, %mul3A_23 : i32
    %add3A_25 = arith.constant 0 : i32
    %add3A_26 = arith.addi %mul3A_24, %add3A_25 : i32
    %multiple_of3A = tpu.assume_multiple %add3A_26, 8 : i32
    %mul3A_27 = arith.constant 26 : i32
    %mul3A_28 = arith.muli %multiple_of3A, %mul3A_27 : i32
    %dma_start3A = tpu.memref_slice %arg3[%mul3A_28] : memref<665600xi32, #tpu.memory_space<hbm>> -> memref<208xi32, #tpu.memory_space<hbm>>
    %dma_start3A_29 = tpu.memref_slice %arg3[%mul3A_28] : memref<665600xi32, #tpu.memory_space<hbm>> -> memref<208xi32, #tpu.memory_space<hbm>>
    tpu.enqueue_dma source(%dma_start3A_29 : memref<208xi32, #tpu.memory_space<hbm>>) target(%arg6 : memref<208xi32, #tpu.memory_space<vmem>>) target_semaphore(%arg13 : memref<!tpu.dma_semaphore, #tpu.memory_space<semaphore_mem>>)
    %mul3A_30 = arith.constant 14 : i32
    %mul3A_31 = arith.muli %multiple_of3A, %mul3A_30 : i32
    %mul3A_32 = arith.constant 64 : i32
    %mul3A_33 = arith.muli %mul3A_31, %mul3A_32 : i32
    %dma_start3A_34 = arith.constant 0 : i32
    %dma_start3A_35 = tpu.memref_slice %arg8[%dma_start3A_34] : memref<7232xf32, #tpu.memory_space<vmem>> -> memref<7168xf32, #tpu.memory_space<vmem>>
    %dma_start3A_36 = tpu.memref_slice %arg2[%mul3A_33] : memref<22937600xf32, #tpu.memory_space<hbm>> -> memref<7168xf32, #tpu.memory_space<hbm>>
    %dma_start3A_37 = arith.constant 0 : i32
    %dma_start3A_38 = tpu.memref_slice %arg8[%dma_start3A_37] : memref<7232xf32, #tpu.memory_space<vmem>> -> memref<7168xf32, #tpu.memory_space<vmem>>
    %dma_start3A_39 = tpu.memref_slice %arg2[%mul3A_33] : memref<22937600xf32, #tpu.memory_space<hbm>> -> memref<7168xf32, #tpu.memory_space<hbm>>
    tpu.enqueue_dma source(%dma_start3A_39 : memref<7168xf32, #tpu.memory_space<hbm>>) target(%dma_start3A_38 : memref<7168xf32, #tpu.memory_space<vmem>>) target_semaphore(%arg13 : memref<!tpu.dma_semaphore, #tpu.memory_space<semaphore_mem>>)
    %mul3A_40 = arith.constant 800 : i32
    %mul3A_41 = arith.muli %add3A, %mul3A_40 : i32
    %add3A_42 = arith.constant 8 : i32
    %add3A_43 = arith.addi %mul3A_41, %add3A_42 : i32
    %multiple_of3A_44 = tpu.assume_multiple %add3A_43, 8 : i32
    %mul3A_45 = arith.constant 26 : i32
    %mul3A_46 = arith.muli %multiple_of3A_44, %mul3A_45 : i32
    %dma_start3A_47 = tpu.memref_slice %arg3[%mul3A_46] : memref<665600xi32, #tpu.memory_space<hbm>> -> memref<208xi32, #tpu.memory_space<hbm>>
    %dma_start3A_48 = tpu.memref_slice %arg3[%mul3A_46] : memref<665600xi32, #tpu.memory_space<hbm>> -> memref<208xi32, #tpu.memory_space<hbm>>
    tpu.enqueue_dma source(%dma_start3A_48 : memref<208xi32, #tpu.memory_space<hbm>>) target(%arg7 : memref<208xi32, #tpu.memory_space<vmem>>) target_semaphore(%arg14 : memref<!tpu.dma_semaphore, #tpu.memory_space<semaphore_mem>>)
    %mul3A_49 = arith.constant 14 : i32
    %mul3A_50 = arith.muli %multiple_of3A_44, %mul3A_49 : i32
    %mul3A_51 = arith.constant 64 : i32
    %mul3A_52 = arith.muli %mul3A_50, %mul3A_51 : i32
    %dma_start3A_53 = arith.constant 0 : i32
    %dma_start3A_54 = tpu.memref_slice %arg9[%dma_start3A_53] : memref<7232xf32, #tpu.memory_space<vmem>> -> memref<7168xf32, #tpu.memory_space<vmem>>
    %dma_start3A_55 = tpu.memref_slice %arg2[%mul3A_52] : memref<22937600xf32, #tpu.memory_space<hbm>> -> memref<7168xf32, #tpu.memory_space<hbm>>
    %dma_start3A_56 = arith.constant 0 : i32
    %dma_start3A_57 = tpu.memref_slice %arg9[%dma_start3A_56] : memref<7232xf32, #tpu.memory_space<vmem>> -> memref<7168xf32, #tpu.memory_space<vmem>>
    %dma_start3A_58 = tpu.memref_slice %arg2[%mul3A_52] : memref<22937600xf32, #tpu.memory_space<hbm>> -> memref<7168xf32, #tpu.memory_space<hbm>>
    tpu.enqueue_dma source(%dma_start3A_58 : memref<7168xf32, #tpu.memory_space<hbm>>) target(%dma_start3A_57 : memref<7168xf32, #tpu.memory_space<vmem>>) target_semaphore(%arg14 : memref<!tpu.dma_semaphore, #tpu.memory_space<semaphore_mem>>)
    %scan3A = arith.constant 0 : i32
    %scan3A_59 = arith.constant 0 : i32
    %scan3A_60 = arith.constant 50 : i32
    %scan3A_61 = arith.addi %scan3A_59, %scan3A_60 : i32
    %scan3A_62 = arith.constant 1 : i32
    scf.for %scan3A_79 = %scan3A_59 to %scan3A_61 step %scan3A_62  : i32 {
      %mul3A_80 = arith.constant 2 : i32
      %mul3A_81 = arith.muli %scan3A_79, %mul3A_80 : i32
      %add3A_82 = arith.constant 1 : i32
      %add3A_83 = arith.addi %mul3A_81, %add3A_82 : i32
      %dma_wait3A_84 = arith.constant 0 : i32
      %dma_wait3A_85 = tpu.memref_slice %arg3[%dma_wait3A_84] : memref<665600xi32, #tpu.memory_space<hbm>> -> memref<208xi32, #tpu.memory_space<hbm>>
      %dma_wait3A_86 = arith.constant 0 : i32
      %dma_wait3A_87 = tpu.memref_slice %arg3[%dma_wait3A_86] : memref<665600xi32, #tpu.memory_space<hbm>> -> memref<208xi32, #tpu.memory_space<hbm>>
      tpu.wait_dma2 semaphore(%arg13 : memref<!tpu.dma_semaphore, #tpu.memory_space<semaphore_mem>>) src(%dma_wait3A_87 : memref<208xi32, #tpu.memory_space<hbm>>) dst(%arg6 : memref<208xi32, #tpu.memory_space<vmem>>)
      %dma_wait3A_88 = arith.constant 0 : i32
      %dma_wait3A_89 = tpu.memref_slice %arg8[%dma_wait3A_88] : memref<7232xf32, #tpu.memory_space<vmem>> -> memref<7168xf32, #tpu.memory_space<vmem>>
      %dma_wait3A_90 = arith.constant 0 : i32
      %dma_wait3A_91 = tpu.memref_slice %arg2[%dma_wait3A_90] : memref<22937600xf32, #tpu.memory_space<hbm>> -> memref<7168xf32, #tpu.memory_space<hbm>>
      %dma_wait3A_92 = arith.constant 0 : i32
      %dma_wait3A_93 = tpu.memref_slice %arg8[%dma_wait3A_92] : memref<7232xf32, #tpu.memory_space<vmem>> -> memref<7168xf32, #tpu.memory_space<vmem>>
      %dma_wait3A_94 = arith.constant 0 : i32
      %dma_wait3A_95 = tpu.memref_slice %arg2[%dma_wait3A_94] : memref<22937600xf32, #tpu.memory_space<hbm>> -> memref<7168xf32, #tpu.memory_space<hbm>>
      tpu.wait_dma2 semaphore(%arg13 : memref<!tpu.dma_semaphore, #tpu.memory_space<semaphore_mem>>) src(%dma_wait3A_95 : memref<7168xf32, #tpu.memory_space<hbm>>) dst(%dma_wait3A_93 : memref<7168xf32, #tpu.memory_space<vmem>>)
      %gt3A = arith.constant 0 : i32
      %gt3A_96 = arith.cmpi sgt, %scan3A_79, %gt3A : i32
      %convert_element_type3A = arith.extui %gt3A_96 : i1 to i32
      %cond3A = arith.constant 0 : i32
      %cond3A_97 = arith.cmpi ne, %convert_element_type3A, %cond3A : i32
      scf.if %cond3A_97 {
        %dma_wait3A_324 = arith.constant 0 : i32
        %dma_wait3A_325 = tpu.memref_slice %arg10[%dma_wait3A_324] : memref<32768xf32, #tpu.memory_space<vmem>> -> memref<27648xf32, #tpu.memory_space<vmem>>
        %dma_wait3A_326 = arith.constant 0 : i32
        %dma_wait3A_327 = tpu.memref_slice %arg5[%dma_wait3A_326] : memref<104857600xf32, #tpu.memory_space<hbm>> -> memref<27648xf32, #tpu.memory_space<hbm>>
        %dma_wait3A_328 = arith.constant 0 : i32
        %dma_wait3A_329 = tpu.memref_slice %arg5[%dma_wait3A_328] : memref<104857600xf32, #tpu.memory_space<hbm>> -> memref<27648xf32, #tpu.memory_space<hbm>>
        %dma_wait3A_330 = arith.constant 0 : i32
        %dma_wait3A_331 = tpu.memref_slice %arg10[%dma_wait3A_330] : memref<32768xf32, #tpu.memory_space<vmem>> -> memref<27648xf32, #tpu.memory_space<vmem>>
        tpu.wait_dma2 semaphore(%arg15 : memref<!tpu.dma_semaphore, #tpu.memory_space<semaphore_mem>>) src(%dma_wait3A_331 : memref<27648xf32, #tpu.memory_space<vmem>>) dst(%dma_wait3A_329 : memref<27648xf32, #tpu.memory_space<hbm>>)
      } else {
      }
      %scan3A_98 = arith.constant 0 : i32
      %scan3A_99 = arith.constant 0 : i32
      %scan3A_100 = arith.constant 14 : i32
      %scan3A_101 = arith.addi %scan3A_99, %scan3A_100 : i32
      %scan3A_102 = arith.constant 1 : i32
      scf.for %scan3A_324 = %scan3A_99 to %scan3A_101 step %scan3A_102  : i32 {
        %mul3A_325 = arith.constant 16 : i32
        %mul3A_326 = arith.muli %scan3A_324, %mul3A_325 : i32
        %add3A_327 = vector.broadcast %mul3A_326 : i32 to vector<16xi32>
        %add3A_328 = arith.addi %iota3A, %add3A_327 : vector<16xi32>
        %min3A = arith.constant 215 : i32
        %min3A_329 = vector.broadcast %min3A : i32 to vector<16xi32>
        %min3A_330 = arith.minsi %add3A_328, %min3A_329 : vector<16xi32>
        %div3A = arith.constant 27 : i32
        %div3A_331 = vector.broadcast %div3A : i32 to vector<16xi32>
        %div3A_332 = arith.divsi %min3A_330, %div3A_331 : vector<16xi32>
        %mul3A_333 = arith.constant 27 : i32
        %mul3A_334 = vector.broadcast %mul3A_333 : i32 to vector<16xi32>
        %mul3A_335 = arith.muli %div3A_332, %mul3A_334 : vector<16xi32>
        %sub3A = arith.subi %min3A_330, %mul3A_335 : vector<16xi32>
        %mul3A_336 = arith.constant 26 : i32
        %mul3A_337 = vector.broadcast %mul3A_336 : i32 to vector<16xi32>
        %mul3A_338 = arith.muli %div3A_332, %mul3A_337 : vector<16xi32>
        %add3A_339 = arith.addi %mul3A_338, %sub3A : vector<16xi32>
        %sub3A_340 = arith.constant 1 : i32
        %sub3A_341 = vector.broadcast %sub3A_340 : i32 to vector<16xi32>
        %sub3A_342 = arith.subi %add3A_339, %sub3A_341 : vector<16xi32>
        %max3A = arith.constant 0 : i32
        %max3A_343 = vector.broadcast %max3A : i32 to vector<16xi32>
        %max3A_344 = arith.maxsi %sub3A_342, %max3A_343 : vector<16xi32>
        %gather3A = tpu.vector_load_idx %arg6[%max3A_344] : memref<208xi32, #tpu.memory_space<vmem>>[vector<16xi32>], vector<16xi32>,
        %lt3A_345 = arith.constant 13 : i32
        %lt3A_346 = vector.broadcast %lt3A_345 : i32 to vector<16xi32>
        %lt3A_347 = arith.cmpi slt, %gather3A, %lt3A_346 : vector<16xi32>
        %mul3A_348 = arith.constant 14 : i32
        %mul3A_349 = vector.broadcast %mul3A_348 : i32 to vector<16xi32>
        %mul3A_350 = arith.muli %div3A_332, %mul3A_349 : vector<16xi32>
        %eq3A = arith.constant 0 : i32
        %eq3A_351 = vector.broadcast %eq3A : i32 to vector<16xi32>
        %eq3A_352 = arith.cmpi eq, %sub3A, %eq3A_351 : vector<16xi32>
        %add3A_353 = arith.constant 1 : i32
        %add3A_354 = vector.broadcast %add3A_353 : i32 to vector<16xi32>
        %add3A_355 = arith.addi %mul3A_350, %add3A_354 : vector<16xi32>
        %add3A_356 = arith.addi %add3A_355, %gather3A : vector<16xi32>
        %jit3A = arith.constant 112 : i32
        %broadcast_in_dim3A = vector.broadcast %jit3A : i32 to vector<16xi32>
        %select_n3A = arith.select %lt3A_347, %add3A_356, %broadcast_in_dim3A : vector<16xi1>, vector<16xi32>
        %select_n3A_357 = arith.select %eq3A_352, %mul3A_350, %select_n3A : vector<16xi1>, vector<16xi32>
        %mul3A_358 = arith.constant 64 : i32
        %mul3A_359 = vector.broadcast %mul3A_358 : i32 to vector<16xi32>
        %mul3A_360 = arith.muli %select_n3A_357, %mul3A_359 : vector<16xi32>
        %mul3A_361 = arith.constant 4096 : i32
        %mul3A_362 = vector.broadcast %mul3A_361 : i32 to vector<16xi32>
        %mul3A_363 = arith.muli %div3A_332, %mul3A_362 : vector<16xi32>
        %mul3A_364 = arith.constant 128 : i32
        %mul3A_365 = vector.broadcast %mul3A_364 : i32 to vector<16xi32>
        %mul3A_366 = arith.muli %sub3A, %mul3A_365 : vector<16xi32>
        %add3A_367 = arith.addi %mul3A_363, %mul3A_366 : vector<16xi32>
        %lt3A_368 = arith.constant 216 : i32
        %lt3A_369 = vector.broadcast %lt3A_368 : i32 to vector<16xi32>
        %lt3A_370 = arith.cmpi slt, %add3A_328, %lt3A_369 : vector<16xi32>
        %add3A_371 = arith.constant 0 : i32
        %add3A_372 = vector.broadcast %add3A_371 : i32 to vector<16xi32>
        %add3A_373 = arith.addi %iota3A, %add3A_372 : vector<16xi32>
        %and3A = arith.constant 63 : i32
        %and3A_374 = vector.broadcast %and3A : i32 to vector<16xi32>
        %and3A_375 = arith.andi %add3A_373, %and3A_374 : vector<16xi32>
        %add3A_376 = arith.addi %mul3A_360, %and3A_375 : vector<16xi32>
        %gather3A_377 = tpu.vector_load_idx %arg8[%add3A_376] : memref<7232xf32, #tpu.memory_space<vmem>>[vector<16xi32>], vector<16xf32>,
        %add3A_378 = arith.addi %add3A_367, %and3A_375 : vector<16xi32>
        tpu.vector_store_idx %arg10[%add3A_378], %gather3A_377 masked %lt3A_370 : memref<32768xf32, #tpu.memory_space<vmem>>[vector<16xi32>], vector<16xf32>, vector<16xi1>
        %add3A_379 = arith.constant 1 : i32
        %add3A_380 = vector.broadcast %add3A_379 : i32 to vector<16xi32>
        %add3A_381 = arith.addi %iota3A, %add3A_380 : vector<16xi32>
        %and3A_382 = arith.constant 63 : i32
        %and3A_383 = vector.broadcast %and3A_382 : i32 to vector<16xi32>
        %and3A_384 = arith.andi %add3A_381, %and3A_383 : vector<16xi32>
        %add3A_385 = arith.addi %mul3A_360, %and3A_384 : vector<16xi32>
        %gather3A_386 = tpu.vector_load_idx %arg8[%add3A_385] : memref<7232xf32, #tpu.memory_space<vmem>>[vector<16xi32>], vector<16xf32>,
        %add3A_387 = arith.addi %add3A_367, %and3A_384 : vector<16xi32>
        tpu.vector_store_idx %arg10[%add3A_387], %gather3A_386 masked %lt3A_370 : memref<32768xf32, #tpu.memory_space<vmem>>[vector<16xi32>], vector<16xf32>, vector<16xi1>
        %add3A_388 = arith.constant 2 : i32
        %add3A_389 = vector.broadcast %add3A_388 : i32 to vector<16xi32>
        %add3A_390 = arith.addi %iota3A, %add3A_389 : vector<16xi32>
        %and3A_391 = arith.constant 63 : i32
        %and3A_392 = vector.broadcast %and3A_391 : i32 to vector<16xi32>
        %and3A_393 = arith.andi %add3A_390, %and3A_392 : vector<16xi32>
        %add3A_394 = arith.addi %mul3A_360, %and3A_393 : vector<16xi32>
        %gather3A_395 = tpu.vector_load_idx %arg8[%add3A_394] : memref<7232xf32, #tpu.memory_space<vmem>>[vector<16xi32>], vector<16xf32>,
        %add3A_396 = arith.addi %add3A_367, %and3A_393 : vector<16xi32>
        tpu.vector_store_idx %arg10[%add3A_396], %gather3A_395 masked %lt3A_370 : memref<32768xf32, #tpu.memory_space<vmem>>[vector<16xi32>], vector<16xf32>, vector<16xi1>
        %add3A_397 = arith.constant 3 : i32
        %add3A_398 = vector.broadcast %add3A_397 : i32 to vector<16xi32>
        %add3A_399 = arith.addi %iota3A, %add3A_398 : vector<16xi32>
        %and3A_400 = arith.constant 63 : i32
        %and3A_401 = vector.broadcast %and3A_400 : i32 to vector<16xi32>
        %and3A_402 = arith.andi %add3A_399, %and3A_401 : vector<16xi32>
        %add3A_403 = arith.addi %mul3A_360, %and3A_402 : vector<16xi32>
        %gather3A_404 = tpu.vector_load_idx %arg8[%add3A_403] : memref<7232xf32, #tpu.memory_space<vmem>>[vector<16xi32>], vector<16xf32>,
        %add3A_405 = arith.addi %add3A_367, %and3A_402 : vector<16xi32>
        tpu.vector_store_idx %arg10[%add3A_405], %gather3A_404 masked %lt3A_370 : memref<32768xf32, #tpu.memory_space<vmem>>[vector<16xi32>], vector<16xf32>, vector<16xi1>
        %add3A_406 = arith.constant 4 : i32
        %add3A_407 = vector.broadcast %add3A_406 : i32 to vector<16xi32>
        %add3A_408 = arith.addi %iota3A, %add3A_407 : vector<16xi32>
        %and3A_409 = arith.constant 63 : i32
        %and3A_410 = vector.broadcast %and3A_409 : i32 to vector<16xi32>
        %and3A_411 = arith.andi %add3A_408, %and3A_410 : vector<16xi32>
        %add3A_412 = arith.addi %mul3A_360, %and3A_411 : vector<16xi32>
        %gather3A_413 = tpu.vector_load_idx %arg8[%add3A_412] : memref<7232xf32, #tpu.memory_space<vmem>>[vector<16xi32>], vector<16xf32>,
        %add3A_414 = arith.addi %add3A_367, %and3A_411 : vector<16xi32>
        tpu.vector_store_idx %arg10[%add3A_414], %gather3A_413 masked %lt3A_370 : memref<32768xf32, #tpu.memory_space<vmem>>[vector<16xi32>], vector<16xf32>, vector<16xi1>
        %add3A_415 = arith.constant 5 : i32
        %add3A_416 = vector.broadcast %add3A_415 : i32 to vector<16xi32>
        %add3A_417 = arith.addi %iota3A, %add3A_416 : vector<16xi32>
        %and3A_418 = arith.constant 63 : i32
        %and3A_419 = vector.broadcast %and3A_418 : i32 to vector<16xi32>
        %and3A_420 = arith.andi %add3A_417, %and3A_419 : vector<16xi32>
        %add3A_421 = arith.addi %mul3A_360, %and3A_420 : vector<16xi32>
        %gather3A_422 = tpu.vector_load_idx %arg8[%add3A_421] : memref<7232xf32, #tpu.memory_space<vmem>>[vector<16xi32>], vector<16xf32>,
        %add3A_423 = arith.addi %add3A_367, %and3A_420 : vector<16xi32>
        tpu.vector_store_idx %arg10[%add3A_423], %gather3A_422 masked %lt3A_370 : memref<32768xf32, #tpu.memory_space<vmem>>[vector<16xi32>], vector<16xf32>, vector<16xi1>
        %add3A_424 = arith.constant 6 : i32
        %add3A_425 = vector.broadcast %add3A_424 : i32 to vector<16xi32>
        %add3A_426 = arith.addi %iota3A, %add3A_425 : vector<16xi32>
        %and3A_427 = arith.constant 63 : i32
        %and3A_428 = vector.broadcast %and3A_427 : i32 to vector<16xi32>
        %and3A_429 = arith.andi %add3A_426, %and3A_428 : vector<16xi32>
        %add3A_430 = arith.addi %mul3A_360, %and3A_429 : vector<16xi32>
        %gather3A_431 = tpu.vector_load_idx %arg8[%add3A_430] : memref<7232xf32, #tpu.memory_space<vmem>>[vector<16xi32>], vector<16xf32>,
        %add3A_432 = arith.addi %add3A_367, %and3A_429 : vector<16xi32>
        tpu.vector_store_idx %arg10[%add3A_432], %gather3A_431 masked %lt3A_370 : memref<32768xf32, #tpu.memory_space<vmem>>[vector<16xi32>], vector<16xf32>, vector<16xi1>
        %add3A_433 = arith.constant 7 : i32
        %add3A_434 = vector.broadcast %add3A_433 : i32 to vector<16xi32>
        %add3A_435 = arith.addi %iota3A, %add3A_434 : vector<16xi32>
        %and3A_436 = arith.constant 63 : i32
        %and3A_437 = vector.broadcast %and3A_436 : i32 to vector<16xi32>
        %and3A_438 = arith.andi %add3A_435, %and3A_437 : vector<16xi32>
        %add3A_439 = arith.addi %mul3A_360, %and3A_438 : vector<16xi32>
        %gather3A_440 = tpu.vector_load_idx %arg8[%add3A_439] : memref<7232xf32, #tpu.memory_space<vmem>>[vector<16xi32>], vector<16xf32>,
        %add3A_441 = arith.addi %add3A_367, %and3A_438 : vector<16xi32>
        tpu.vector_store_idx %arg10[%add3A_441], %gather3A_440 masked %lt3A_370 : memref<32768xf32, #tpu.memory_space<vmem>>[vector<16xi32>], vector<16xf32>, vector<16xi1>
        %add3A_442 = arith.constant 8 : i32
        %add3A_443 = vector.broadcast %add3A_442 : i32 to vector<16xi32>
        %add3A_444 = arith.addi %iota3A, %add3A_443 : vector<16xi32>
        %and3A_445 = arith.constant 63 : i32
        %and3A_446 = vector.broadcast %and3A_445 : i32 to vector<16xi32>
        %and3A_447 = arith.andi %add3A_444, %and3A_446 : vector<16xi32>
        %add3A_448 = arith.addi %mul3A_360, %and3A_447 : vector<16xi32>
        %gather3A_449 = tpu.vector_load_idx %arg8[%add3A_448] : memref<7232xf32, #tpu.memory_space<vmem>>[vector<16xi32>], vector<16xf32>,
        %add3A_450 = arith.addi %add3A_367, %and3A_447 : vector<16xi32>
        tpu.vector_store_idx %arg10[%add3A_450], %gather3A_449 masked %lt3A_370 : memref<32768xf32, #tpu.memory_space<vmem>>[vector<16xi32>], vector<16xf32>, vector<16xi1>
        %add3A_451 = arith.constant 9 : i32
        %add3A_452 = vector.broadcast %add3A_451 : i32 to vector<16xi32>
        %add3A_453 = arith.addi %iota3A, %add3A_452 : vector<16xi32>
        %and3A_454 = arith.constant 63 : i32
        %and3A_455 = vector.broadcast %and3A_454 : i32 to vector<16xi32>
        %and3A_456 = arith.andi %add3A_453, %and3A_455 : vector<16xi32>
        %add3A_457 = arith.addi %mul3A_360, %and3A_456 : vector<16xi32>
        %gather3A_458 = tpu.vector_load_idx %arg8[%add3A_457] : memref<7232xf32, #tpu.memory_space<vmem>>[vector<16xi32>], vector<16xf32>,
        %add3A_459 = arith.addi %add3A_367, %and3A_456 : vector<16xi32>
        tpu.vector_store_idx %arg10[%add3A_459], %gather3A_458 masked %lt3A_370 : memref<32768xf32, #tpu.memory_space<vmem>>[vector<16xi32>], vector<16xf32>, vector<16xi1>
        %add3A_460 = arith.constant 10 : i32
        %add3A_461 = vector.broadcast %add3A_460 : i32 to vector<16xi32>
        %add3A_462 = arith.addi %iota3A, %add3A_461 : vector<16xi32>
        %and3A_463 = arith.constant 63 : i32
        %and3A_464 = vector.broadcast %and3A_463 : i32 to vector<16xi32>
        %and3A_465 = arith.andi %add3A_462, %and3A_464 : vector<16xi32>
        %add3A_466 = arith.addi %mul3A_360, %and3A_465 : vector<16xi32>
        %gather3A_467 = tpu.vector_load_idx %arg8[%add3A_466] : memref<7232xf32, #tpu.memory_space<vmem>>[vector<16xi32>], vector<16xf32>,
        %add3A_468 = arith.addi %add3A_367, %and3A_465 : vector<16xi32>
        tpu.vector_store_idx %arg10[%add3A_468], %gather3A_467 masked %lt3A_370 : memref<32768xf32, #tpu.memory_space<vmem>>[vector<16xi32>], vector<16xf32>, vector<16xi1>
        %add3A_469 = arith.constant 11 : i32
        %add3A_470 = vector.broadcast %add3A_469 : i32 to vector<16xi32>
        %add3A_471 = arith.addi %iota3A, %add3A_470 : vector<16xi32>
        %and3A_472 = arith.constant 63 : i32
        %and3A_473 = vector.broadcast %and3A_472 : i32 to vector<16xi32>
        %and3A_474 = arith.andi %add3A_471, %and3A_473 : vector<16xi32>
        %add3A_475 = arith.addi %mul3A_360, %and3A_474 : vector<16xi32>
        %gather3A_476 = tpu.vector_load_idx %arg8[%add3A_475] : memref<7232xf32, #tpu.memory_space<vmem>>[vector<16xi32>], vector<16xf32>,
        %add3A_477 = arith.addi %add3A_367, %and3A_474 : vector<16xi32>
        tpu.vector_store_idx %arg10[%add3A_477], %gather3A_476 masked %lt3A_370 : memref<32768xf32, #tpu.memory_space<vmem>>[vector<16xi32>], vector<16xf32>, vector<16xi1>
        %add3A_478 = arith.constant 12 : i32
        %add3A_479 = vector.broadcast %add3A_478 : i32 to vector<16xi32>
        %add3A_480 = arith.addi %iota3A, %add3A_479 : vector<16xi32>
        %and3A_481 = arith.constant 63 : i32
        %and3A_482 = vector.broadcast %and3A_481 : i32 to vector<16xi32>
        %and3A_483 = arith.andi %add3A_480, %and3A_482 : vector<16xi32>
        %add3A_484 = arith.addi %mul3A_360, %and3A_483 : vector<16xi32>
        %gather3A_485 = tpu.vector_load_idx %arg8[%add3A_484] : memref<7232xf32, #tpu.memory_space<vmem>>[vector<16xi32>], vector<16xf32>,
        %add3A_486 = arith.addi %add3A_367, %and3A_483 : vector<16xi32>
        tpu.vector_store_idx %arg10[%add3A_486], %gather3A_485 masked %lt3A_370 : memref<32768xf32, #tpu.memory_space<vmem>>[vector<16xi32>], vector<16xf32>, vector<16xi1>
        %add3A_487 = arith.constant 13 : i32
        %add3A_488 = vector.broadcast %add3A_487 : i32 to vector<16xi32>
        %add3A_489 = arith.addi %iota3A, %add3A_488 : vector<16xi32>
        %and3A_490 = arith.constant 63 : i32
        %and3A_491 = vector.broadcast %and3A_490 : i32 to vector<16xi32>
        %and3A_492 = arith.andi %add3A_489, %and3A_491 : vector<16xi32>
        %add3A_493 = arith.addi %mul3A_360, %and3A_492 : vector<16xi32>
        %gather3A_494 = tpu.vector_load_idx %arg8[%add3A_493] : memref<7232xf32, #tpu.memory_space<vmem>>[vector<16xi32>], vector<16xf32>,
        %add3A_495 = arith.addi %add3A_367, %and3A_492 : vector<16xi32>
        tpu.vector_store_idx %arg10[%add3A_495], %gather3A_494 masked %lt3A_370 : memref<32768xf32, #tpu.memory_space<vmem>>[vector<16xi32>], vector<16xf32>, vector<16xi1>
        %add3A_496 = arith.constant 14 : i32
        %add3A_497 = vector.broadcast %add3A_496 : i32 to vector<16xi32>
        %add3A_498 = arith.addi %iota3A, %add3A_497 : vector<16xi32>
        %and3A_499 = arith.constant 63 : i32
        %and3A_500 = vector.broadcast %and3A_499 : i32 to vector<16xi32>
        %and3A_501 = arith.andi %add3A_498, %and3A_500 : vector<16xi32>
        %add3A_502 = arith.addi %mul3A_360, %and3A_501 : vector<16xi32>
        %gather3A_503 = tpu.vector_load_idx %arg8[%add3A_502] : memref<7232xf32, #tpu.memory_space<vmem>>[vector<16xi32>], vector<16xf32>,
        %add3A_504 = arith.addi %add3A_367, %and3A_501 : vector<16xi32>
        tpu.vector_store_idx %arg10[%add3A_504], %gather3A_503 masked %lt3A_370 : memref<32768xf32, #tpu.memory_space<vmem>>[vector<16xi32>], vector<16xf32>, vector<16xi1>
        %add3A_505 = arith.constant 15 : i32
        %add3A_506 = vector.broadcast %add3A_505 : i32 to vector<16xi32>
        %add3A_507 = arith.addi %iota3A, %add3A_506 : vector<16xi32>
        %and3A_508 = arith.constant 63 : i32
        %and3A_509 = vector.broadcast %and3A_508 : i32 to vector<16xi32>
        %and3A_510 = arith.andi %add3A_507, %and3A_509 : vector<16xi32>
        %add3A_511 = arith.addi %mul3A_360, %and3A_510 : vector<16xi32>
        %gather3A_512 = tpu.vector_load_idx %arg8[%add3A_511] : memref<7232xf32, #tpu.memory_space<vmem>>[vector<16xi32>], vector<16xf32>,
        %add3A_513 = arith.addi %add3A_367, %and3A_510 : vector<16xi32>
        tpu.vector_store_idx %arg10[%add3A_513], %gather3A_512 masked %lt3A_370 : memref<32768xf32, #tpu.memory_space<vmem>>[vector<16xi32>], vector<16xf32>, vector<16xi1>
        %add3A_514 = arith.constant 16 : i32
        %add3A_515 = vector.broadcast %add3A_514 : i32 to vector<16xi32>
        %add3A_516 = arith.addi %iota3A, %add3A_515 : vector<16xi32>
        %and3A_517 = arith.constant 63 : i32
        %and3A_518 = vector.broadcast %and3A_517 : i32 to vector<16xi32>
        %and3A_519 = arith.andi %add3A_516, %and3A_518 : vector<16xi32>
        %add3A_520 = arith.addi %mul3A_360, %and3A_519 : vector<16xi32>
        %gather3A_521 = tpu.vector_load_idx %arg8[%add3A_520] : memref<7232xf32, #tpu.memory_space<vmem>>[vector<16xi32>], vector<16xf32>,
        %add3A_522 = arith.addi %add3A_367, %and3A_519 : vector<16xi32>
        tpu.vector_store_idx %arg10[%add3A_522], %gather3A_521 masked %lt3A_370 : memref<32768xf32, #tpu.memory_space<vmem>>[vector<16xi32>], vector<16xf32>, vector<16xi1>
        %add3A_523 = arith.constant 17 : i32
        %add3A_524 = vector.broadcast %add3A_523 : i32 to vector<16xi32>
        %add3A_525 = arith.addi %iota3A, %add3A_524 : vector<16xi32>
        %and3A_526 = arith.constant 63 : i32
        %and3A_527 = vector.broadcast %and3A_526 : i32 to vector<16xi32>
        %and3A_528 = arith.andi %add3A_525, %and3A_527 : vector<16xi32>
        %add3A_529 = arith.addi %mul3A_360, %and3A_528 : vector<16xi32>
        %gather3A_530 = tpu.vector_load_idx %arg8[%add3A_529] : memref<7232xf32, #tpu.memory_space<vmem>>[vector<16xi32>], vector<16xf32>,
        %add3A_531 = arith.addi %add3A_367, %and3A_528 : vector<16xi32>
        tpu.vector_store_idx %arg10[%add3A_531], %gather3A_530 masked %lt3A_370 : memref<32768xf32, #tpu.memory_space<vmem>>[vector<16xi32>], vector<16xf32>, vector<16xi1>
        %add3A_532 = arith.constant 18 : i32
        %add3A_533 = vector.broadcast %add3A_532 : i32 to vector<16xi32>
        %add3A_534 = arith.addi %iota3A, %add3A_533 : vector<16xi32>
        %and3A_535 = arith.constant 63 : i32
        %and3A_536 = vector.broadcast %and3A_535 : i32 to vector<16xi32>
        %and3A_537 = arith.andi %add3A_534, %and3A_536 : vector<16xi32>
        %add3A_538 = arith.addi %mul3A_360, %and3A_537 : vector<16xi32>
        %gather3A_539 = tpu.vector_load_idx %arg8[%add3A_538] : memref<7232xf32, #tpu.memory_space<vmem>>[vector<16xi32>], vector<16xf32>,
        %add3A_540 = arith.addi %add3A_367, %and3A_537 : vector<16xi32>
        tpu.vector_store_idx %arg10[%add3A_540], %gather3A_539 masked %lt3A_370 : memref<32768xf32, #tpu.memory_space<vmem>>[vector<16xi32>], vector<16xf32>, vector<16xi1>
        %add3A_541 = arith.constant 19 : i32
        %add3A_542 = vector.broadcast %add3A_541 : i32 to vector<16xi32>
        %add3A_543 = arith.addi %iota3A, %add3A_542 : vector<16xi32>
        %and3A_544 = arith.constant 63 : i32
        %and3A_545 = vector.broadcast %and3A_544 : i32 to vector<16xi32>
        %and3A_546 = arith.andi %add3A_543, %and3A_545 : vector<16xi32>
        %add3A_547 = arith.addi %mul3A_360, %and3A_546 : vector<16xi32>
        %gather3A_548 = tpu.vector_load_idx %arg8[%add3A_547] : memref<7232xf32, #tpu.memory_space<vmem>>[vector<16xi32>], vector<16xf32>,
        %add3A_549 = arith.addi %add3A_367, %and3A_546 : vector<16xi32>
        tpu.vector_store_idx %arg10[%add3A_549], %gather3A_548 masked %lt3A_370 : memref<32768xf32, #tpu.memory_space<vmem>>[vector<16xi32>], vector<16xf32>, vector<16xi1>
        %add3A_550 = arith.constant 20 : i32
        %add3A_551 = vector.broadcast %add3A_550 : i32 to vector<16xi32>
        %add3A_552 = arith.addi %iota3A, %add3A_551 : vector<16xi32>
        %and3A_553 = arith.constant 63 : i32
        %and3A_554 = vector.broadcast %and3A_553 : i32 to vector<16xi32>
        %and3A_555 = arith.andi %add3A_552, %and3A_554 : vector<16xi32>
        %add3A_556 = arith.addi %mul3A_360, %and3A_555 : vector<16xi32>
        %gather3A_557 = tpu.vector_load_idx %arg8[%add3A_556] : memref<7232xf32, #tpu.memory_space<vmem>>[vector<16xi32>], vector<16xf32>,
        %add3A_558 = arith.addi %add3A_367, %and3A_555 : vector<16xi32>
        tpu.vector_store_idx %arg10[%add3A_558], %gather3A_557 masked %lt3A_370 : memref<32768xf32, #tpu.memory_space<vmem>>[vector<16xi32>], vector<16xf32>, vector<16xi1>
        %add3A_559 = arith.constant 21 : i32
        %add3A_560 = vector.broadcast %add3A_559 : i32 to vector<16xi32>
        %add3A_561 = arith.addi %iota3A, %add3A_560 : vector<16xi32>
        %and3A_562 = arith.constant 63 : i32
        %and3A_563 = vector.broadcast %and3A_562 : i32 to vector<16xi32>
        %and3A_564 = arith.andi %add3A_561, %and3A_563 : vector<16xi32>
        %add3A_565 = arith.addi %mul3A_360, %and3A_564 : vector<16xi32>
        %gather3A_566 = tpu.vector_load_idx %arg8[%add3A_565] : memref<7232xf32, #tpu.memory_space<vmem>>[vector<16xi32>], vector<16xf32>,
        %add3A_567 = arith.addi %add3A_367, %and3A_564 : vector<16xi32>
        tpu.vector_store_idx %arg10[%add3A_567], %gather3A_566 masked %lt3A_370 : memref<32768xf32, #tpu.memory_space<vmem>>[vector<16xi32>], vector<16xf32>, vector<16xi1>
        %add3A_568 = arith.constant 22 : i32
        %add3A_569 = vector.broadcast %add3A_568 : i32 to vector<16xi32>
        %add3A_570 = arith.addi %iota3A, %add3A_569 : vector<16xi32>
        %and3A_571 = arith.constant 63 : i32
        %and3A_572 = vector.broadcast %and3A_571 : i32 to vector<16xi32>
        %and3A_573 = arith.andi %add3A_570, %and3A_572 : vector<16xi32>
        %add3A_574 = arith.addi %mul3A_360, %and3A_573 : vector<16xi32>
        %gather3A_575 = tpu.vector_load_idx %arg8[%add3A_574] : memref<7232xf32, #tpu.memory_space<vmem>>[vector<16xi32>], vector<16xf32>,
        %add3A_576 = arith.addi %add3A_367, %and3A_573 : vector<16xi32>
        tpu.vector_store_idx %arg10[%add3A_576], %gather3A_575 masked %lt3A_370 : memref<32768xf32, #tpu.memory_space<vmem>>[vector<16xi32>], vector<16xf32>, vector<16xi1>
        %add3A_577 = arith.constant 23 : i32
        %add3A_578 = vector.broadcast %add3A_577 : i32 to vector<16xi32>
        %add3A_579 = arith.addi %iota3A, %add3A_578 : vector<16xi32>
        %and3A_580 = arith.constant 63 : i32
        %and3A_581 = vector.broadcast %and3A_580 : i32 to vector<16xi32>
        %and3A_582 = arith.andi %add3A_579, %and3A_581 : vector<16xi32>
        %add3A_583 = arith.addi %mul3A_360, %and3A_582 : vector<16xi32>
        %gather3A_584 = tpu.vector_load_idx %arg8[%add3A_583] : memref<7232xf32, #tpu.memory_space<vmem>>[vector<16xi32>], vector<16xf32>,
        %add3A_585 = arith.addi %add3A_367, %and3A_582 : vector<16xi32>
        tpu.vector_store_idx %arg10[%add3A_585], %gather3A_584 masked %lt3A_370 : memref<32768xf32, #tpu.memory_space<vmem>>[vector<16xi32>], vector<16xf32>, vector<16xi1>
        %add3A_586 = arith.constant 24 : i32
        %add3A_587 = vector.broadcast %add3A_586 : i32 to vector<16xi32>
        %add3A_588 = arith.addi %iota3A, %add3A_587 : vector<16xi32>
        %and3A_589 = arith.constant 63 : i32
        %and3A_590 = vector.broadcast %and3A_589 : i32 to vector<16xi32>
        %and3A_591 = arith.andi %add3A_588, %and3A_590 : vector<16xi32>
        %add3A_592 = arith.addi %mul3A_360, %and3A_591 : vector<16xi32>
        %gather3A_593 = tpu.vector_load_idx %arg8[%add3A_592] : memref<7232xf32, #tpu.memory_space<vmem>>[vector<16xi32>], vector<16xf32>,
        %add3A_594 = arith.addi %add3A_367, %and3A_591 : vector<16xi32>
        tpu.vector_store_idx %arg10[%add3A_594], %gather3A_593 masked %lt3A_370 : memref<32768xf32, #tpu.memory_space<vmem>>[vector<16xi32>], vector<16xf32>, vector<16xi1>
        %add3A_595 = arith.constant 25 : i32
        %add3A_596 = vector.broadcast %add3A_595 : i32 to vector<16xi32>
        %add3A_597 = arith.addi %iota3A, %add3A_596 : vector<16xi32>
        %and3A_598 = arith.constant 63 : i32
        %and3A_599 = vector.broadcast %and3A_598 : i32 to vector<16xi32>
        %and3A_600 = arith.andi %add3A_597, %and3A_599 : vector<16xi32>
        %add3A_601 = arith.addi %mul3A_360, %and3A_600 : vector<16xi32>
        %gather3A_602 = tpu.vector_load_idx %arg8[%add3A_601] : memref<7232xf32, #tpu.memory_space<vmem>>[vector<16xi32>], vector<16xf32>,
        %add3A_603 = arith.addi %add3A_367, %and3A_600 : vector<16xi32>
        tpu.vector_store_idx %arg10[%add3A_603], %gather3A_602 masked %lt3A_370 : memref<32768xf32, #tpu.memory_space<vmem>>[vector<16xi32>], vector<16xf32>, vector<16xi1>
        %add3A_604 = arith.constant 26 : i32
        %add3A_605 = vector.broadcast %add3A_604 : i32 to vector<16xi32>
        %add3A_606 = arith.addi %iota3A, %add3A_605 : vector<16xi32>
        %and3A_607 = arith.constant 63 : i32
        %and3A_608 = vector.broadcast %and3A_607 : i32 to vector<16xi32>
        %and3A_609 = arith.andi %add3A_606, %and3A_608 : vector<16xi32>
        %add3A_610 = arith.addi %mul3A_360, %and3A_609 : vector<16xi32>
        %gather3A_611 = tpu.vector_load_idx %arg8[%add3A_610] : memref<7232xf32, #tpu.memory_space<vmem>>[vector<16xi32>], vector<16xf32>,
        %add3A_612 = arith.addi %add3A_367, %and3A_609 : vector<16xi32>
        tpu.vector_store_idx %arg10[%add3A_612], %gather3A_611 masked %lt3A_370 : memref<32768xf32, #tpu.memory_space<vmem>>[vector<16xi32>], vector<16xf32>, vector<16xi1>
        %add3A_613 = arith.constant 27 : i32
        %add3A_614 = vector.broadcast %add3A_613 : i32 to vector<16xi32>
        %add3A_615 = arith.addi %iota3A, %add3A_614 : vector<16xi32>
        %and3A_616 = arith.constant 63 : i32
        %and3A_617 = vector.broadcast %and3A_616 : i32 to vector<16xi32>
        %and3A_618 = arith.andi %add3A_615, %and3A_617 : vector<16xi32>
        %add3A_619 = arith.addi %mul3A_360, %and3A_618 : vector<16xi32>
        %gather3A_620 = tpu.vector_load_idx %arg8[%add3A_619] : memref<7232xf32, #tpu.memory_space<vmem>>[vector<16xi32>], vector<16xf32>,
        %add3A_621 = arith.addi %add3A_367, %and3A_618 : vector<16xi32>
        tpu.vector_store_idx %arg10[%add3A_621], %gather3A_620 masked %lt3A_370 : memref<32768xf32, #tpu.memory_space<vmem>>[vector<16xi32>], vector<16xf32>, vector<16xi1>
        %add3A_622 = arith.constant 28 : i32
        %add3A_623 = vector.broadcast %add3A_622 : i32 to vector<16xi32>
        %add3A_624 = arith.addi %iota3A, %add3A_623 : vector<16xi32>
        %and3A_625 = arith.constant 63 : i32
        %and3A_626 = vector.broadcast %and3A_625 : i32 to vector<16xi32>
        %and3A_627 = arith.andi %add3A_624, %and3A_626 : vector<16xi32>
        %add3A_628 = arith.addi %mul3A_360, %and3A_627 : vector<16xi32>
        %gather3A_629 = tpu.vector_load_idx %arg8[%add3A_628] : memref<7232xf32, #tpu.memory_space<vmem>>[vector<16xi32>], vector<16xf32>,
        %add3A_630 = arith.addi %add3A_367, %and3A_627 : vector<16xi32>
        tpu.vector_store_idx %arg10[%add3A_630], %gather3A_629 masked %lt3A_370 : memref<32768xf32, #tpu.memory_space<vmem>>[vector<16xi32>], vector<16xf32>, vector<16xi1>
        %add3A_631 = arith.constant 29 : i32
        %add3A_632 = vector.broadcast %add3A_631 : i32 to vector<16xi32>
        %add3A_633 = arith.addi %iota3A, %add3A_632 : vector<16xi32>
        %and3A_634 = arith.constant 63 : i32
        %and3A_635 = vector.broadcast %and3A_634 : i32 to vector<16xi32>
        %and3A_636 = arith.andi %add3A_633, %and3A_635 : vector<16xi32>
        %add3A_637 = arith.addi %mul3A_360, %and3A_636 : vector<16xi32>
        %gather3A_638 = tpu.vector_load_idx %arg8[%add3A_637] : memref<7232xf32, #tpu.memory_space<vmem>>[vector<16xi32>], vector<16xf32>,
        %add3A_639 = arith.addi %add3A_367, %and3A_636 : vector<16xi32>
        tpu.vector_store_idx %arg10[%add3A_639], %gather3A_638 masked %lt3A_370 : memref<32768xf32, #tpu.memory_space<vmem>>[vector<16xi32>], vector<16xf32>, vector<16xi1>
        %add3A_640 = arith.constant 30 : i32
        %add3A_641 = vector.broadcast %add3A_640 : i32 to vector<16xi32>
        %add3A_642 = arith.addi %iota3A, %add3A_641 : vector<16xi32>
        %and3A_643 = arith.constant 63 : i32
        %and3A_644 = vector.broadcast %and3A_643 : i32 to vector<16xi32>
        %and3A_645 = arith.andi %add3A_642, %and3A_644 : vector<16xi32>
        %add3A_646 = arith.addi %mul3A_360, %and3A_645 : vector<16xi32>
        %gather3A_647 = tpu.vector_load_idx %arg8[%add3A_646] : memref<7232xf32, #tpu.memory_space<vmem>>[vector<16xi32>], vector<16xf32>,
        %add3A_648 = arith.addi %add3A_367, %and3A_645 : vector<16xi32>
        tpu.vector_store_idx %arg10[%add3A_648], %gather3A_647 masked %lt3A_370 : memref<32768xf32, #tpu.memory_space<vmem>>[vector<16xi32>], vector<16xf32>, vector<16xi1>
        %add3A_649 = arith.constant 31 : i32
        %add3A_650 = vector.broadcast %add3A_649 : i32 to vector<16xi32>
        %add3A_651 = arith.addi %iota3A, %add3A_650 : vector<16xi32>
        %and3A_652 = arith.constant 63 : i32
        %and3A_653 = vector.broadcast %and3A_652 : i32 to vector<16xi32>
        %and3A_654 = arith.andi %add3A_651, %and3A_653 : vector<16xi32>
        %add3A_655 = arith.addi %mul3A_360, %and3A_654 : vector<16xi32>
        %gather3A_656 = tpu.vector_load_idx %arg8[%add3A_655] : memref<7232xf32, #tpu.memory_space<vmem>>[vector<16xi32>], vector<16xf32>,
        %add3A_657 = arith.addi %add3A_367, %and3A_654 : vector<16xi32>
        tpu.vector_store_idx %arg10[%add3A_657], %gather3A_656 masked %lt3A_370 : memref<32768xf32, #tpu.memory_space<vmem>>[vector<16xi32>], vector<16xf32>, vector<16xi1>
        %add3A_658 = arith.constant 32 : i32
        %add3A_659 = vector.broadcast %add3A_658 : i32 to vector<16xi32>
        %add3A_660 = arith.addi %iota3A, %add3A_659 : vector<16xi32>
        %and3A_661 = arith.constant 63 : i32
        %and3A_662 = vector.broadcast %and3A_661 : i32 to vector<16xi32>
        %and3A_663 = arith.andi %add3A_660, %and3A_662 : vector<16xi32>
        %add3A_664 = arith.addi %mul3A_360, %and3A_663 : vector<16xi32>
        %gather3A_665 = tpu.vector_load_idx %arg8[%add3A_664] : memref<7232xf32, #tpu.memory_space<vmem>>[vector<16xi32>], vector<16xf32>,
        %add3A_666 = arith.addi %add3A_367, %and3A_663 : vector<16xi32>
        tpu.vector_store_idx %arg10[%add3A_666], %gather3A_665 masked %lt3A_370 : memref<32768xf32, #tpu.memory_space<vmem>>[vector<16xi32>], vector<16xf32>, vector<16xi1>
        %add3A_667 = arith.constant 33 : i32
        %add3A_668 = vector.broadcast %add3A_667 : i32 to vector<16xi32>
        %add3A_669 = arith.addi %iota3A, %add3A_668 : vector<16xi32>
        %and3A_670 = arith.constant 63 : i32
        %and3A_671 = vector.broadcast %and3A_670 : i32 to vector<16xi32>
        %and3A_672 = arith.andi %add3A_669, %and3A_671 : vector<16xi32>
        %add3A_673 = arith.addi %mul3A_360, %and3A_672 : vector<16xi32>
        %gather3A_674 = tpu.vector_load_idx %arg8[%add3A_673] : memref<7232xf32, #tpu.memory_space<vmem>>[vector<16xi32>], vector<16xf32>,
        %add3A_675 = arith.addi %add3A_367, %and3A_672 : vector<16xi32>
        tpu.vector_store_idx %arg10[%add3A_675], %gather3A_674 masked %lt3A_370 : memref<32768xf32, #tpu.memory_space<vmem>>[vector<16xi32>], vector<16xf32>, vector<16xi1>
        %add3A_676 = arith.constant 34 : i32
        %add3A_677 = vector.broadcast %add3A_676 : i32 to vector<16xi32>
        %add3A_678 = arith.addi %iota3A, %add3A_677 : vector<16xi32>
        %and3A_679 = arith.constant 63 : i32
        %and3A_680 = vector.broadcast %and3A_679 : i32 to vector<16xi32>
        %and3A_681 = arith.andi %add3A_678, %and3A_680 : vector<16xi32>
        %add3A_682 = arith.addi %mul3A_360, %and3A_681 : vector<16xi32>
        %gather3A_683 = tpu.vector_load_idx %arg8[%add3A_682] : memref<7232xf32, #tpu.memory_space<vmem>>[vector<16xi32>], vector<16xf32>,
        %add3A_684 = arith.addi %add3A_367, %and3A_681 : vector<16xi32>
        tpu.vector_store_idx %arg10[%add3A_684], %gather3A_683 masked %lt3A_370 : memref<32768xf32, #tpu.memory_space<vmem>>[vector<16xi32>], vector<16xf32>, vector<16xi1>
        %add3A_685 = arith.constant 35 : i32
        %add3A_686 = vector.broadcast %add3A_685 : i32 to vector<16xi32>
        %add3A_687 = arith.addi %iota3A, %add3A_686 : vector<16xi32>
        %and3A_688 = arith.constant 63 : i32
        %and3A_689 = vector.broadcast %and3A_688 : i32 to vector<16xi32>
        %and3A_690 = arith.andi %add3A_687, %and3A_689 : vector<16xi32>
        %add3A_691 = arith.addi %mul3A_360, %and3A_690 : vector<16xi32>
        %gather3A_692 = tpu.vector_load_idx %arg8[%add3A_691] : memref<7232xf32, #tpu.memory_space<vmem>>[vector<16xi32>], vector<16xf32>,
        %add3A_693 = arith.addi %add3A_367, %and3A_690 : vector<16xi32>
        tpu.vector_store_idx %arg10[%add3A_693], %gather3A_692 masked %lt3A_370 : memref<32768xf32, #tpu.memory_space<vmem>>[vector<16xi32>], vector<16xf32>, vector<16xi1>
        %add3A_694 = arith.constant 36 : i32
        %add3A_695 = vector.broadcast %add3A_694 : i32 to vector<16xi32>
        %add3A_696 = arith.addi %iota3A, %add3A_695 : vector<16xi32>
        %and3A_697 = arith.constant 63 : i32
        %and3A_698 = vector.broadcast %and3A_697 : i32 to vector<16xi32>
        %and3A_699 = arith.andi %add3A_696, %and3A_698 : vector<16xi32>
        %add3A_700 = arith.addi %mul3A_360, %and3A_699 : vector<16xi32>
        %gather3A_701 = tpu.vector_load_idx %arg8[%add3A_700] : memref<7232xf32, #tpu.memory_space<vmem>>[vector<16xi32>], vector<16xf32>,
        %add3A_702 = arith.addi %add3A_367, %and3A_699 : vector<16xi32>
        tpu.vector_store_idx %arg10[%add3A_702], %gather3A_701 masked %lt3A_370 : memref<32768xf32, #tpu.memory_space<vmem>>[vector<16xi32>], vector<16xf32>, vector<16xi1>
        %add3A_703 = arith.constant 37 : i32
        %add3A_704 = vector.broadcast %add3A_703 : i32 to vector<16xi32>
        %add3A_705 = arith.addi %iota3A, %add3A_704 : vector<16xi32>
        %and3A_706 = arith.constant 63 : i32
        %and3A_707 = vector.broadcast %and3A_706 : i32 to vector<16xi32>
        %and3A_708 = arith.andi %add3A_705, %and3A_707 : vector<16xi32>
        %add3A_709 = arith.addi %mul3A_360, %and3A_708 : vector<16xi32>
        %gather3A_710 = tpu.vector_load_idx %arg8[%add3A_709] : memref<7232xf32, #tpu.memory_space<vmem>>[vector<16xi32>], vector<16xf32>,
        %add3A_711 = arith.addi %add3A_367, %and3A_708 : vector<16xi32>
        tpu.vector_store_idx %arg10[%add3A_711], %gather3A_710 masked %lt3A_370 : memref<32768xf32, #tpu.memory_space<vmem>>[vector<16xi32>], vector<16xf32>, vector<16xi1>
        %add3A_712 = arith.constant 38 : i32
        %add3A_713 = vector.broadcast %add3A_712 : i32 to vector<16xi32>
        %add3A_714 = arith.addi %iota3A, %add3A_713 : vector<16xi32>
        %and3A_715 = arith.constant 63 : i32
        %and3A_716 = vector.broadcast %and3A_715 : i32 to vector<16xi32>
        %and3A_717 = arith.andi %add3A_714, %and3A_716 : vector<16xi32>
        %add3A_718 = arith.addi %mul3A_360, %and3A_717 : vector<16xi32>
        %gather3A_719 = tpu.vector_load_idx %arg8[%add3A_718] : memref<7232xf32, #tpu.memory_space<vmem>>[vector<16xi32>], vector<16xf32>,
        %add3A_720 = arith.addi %add3A_367, %and3A_717 : vector<16xi32>
        tpu.vector_store_idx %arg10[%add3A_720], %gather3A_719 masked %lt3A_370 : memref<32768xf32, #tpu.memory_space<vmem>>[vector<16xi32>], vector<16xf32>, vector<16xi1>
        %add3A_721 = arith.constant 39 : i32
        %add3A_722 = vector.broadcast %add3A_721 : i32 to vector<16xi32>
        %add3A_723 = arith.addi %iota3A, %add3A_722 : vector<16xi32>
        %and3A_724 = arith.constant 63 : i32
        %and3A_725 = vector.broadcast %and3A_724 : i32 to vector<16xi32>
        %and3A_726 = arith.andi %add3A_723, %and3A_725 : vector<16xi32>
        %add3A_727 = arith.addi %mul3A_360, %and3A_726 : vector<16xi32>
        %gather3A_728 = tpu.vector_load_idx %arg8[%add3A_727] : memref<7232xf32, #tpu.memory_space<vmem>>[vector<16xi32>], vector<16xf32>,
        %add3A_729 = arith.addi %add3A_367, %and3A_726 : vector<16xi32>
        tpu.vector_store_idx %arg10[%add3A_729], %gather3A_728 masked %lt3A_370 : memref<32768xf32, #tpu.memory_space<vmem>>[vector<16xi32>], vector<16xf32>, vector<16xi1>
        %add3A_730 = arith.constant 40 : i32
        %add3A_731 = vector.broadcast %add3A_730 : i32 to vector<16xi32>
        %add3A_732 = arith.addi %iota3A, %add3A_731 : vector<16xi32>
        %and3A_733 = arith.constant 63 : i32
        %and3A_734 = vector.broadcast %and3A_733 : i32 to vector<16xi32>
        %and3A_735 = arith.andi %add3A_732, %and3A_734 : vector<16xi32>
        %add3A_736 = arith.addi %mul3A_360, %and3A_735 : vector<16xi32>
        %gather3A_737 = tpu.vector_load_idx %arg8[%add3A_736] : memref<7232xf32, #tpu.memory_space<vmem>>[vector<16xi32>], vector<16xf32>,
        %add3A_738 = arith.addi %add3A_367, %and3A_735 : vector<16xi32>
        tpu.vector_store_idx %arg10[%add3A_738], %gather3A_737 masked %lt3A_370 : memref<32768xf32, #tpu.memory_space<vmem>>[vector<16xi32>], vector<16xf32>, vector<16xi1>
        %add3A_739 = arith.constant 41 : i32
        %add3A_740 = vector.broadcast %add3A_739 : i32 to vector<16xi32>
        %add3A_741 = arith.addi %iota3A, %add3A_740 : vector<16xi32>
        %and3A_742 = arith.constant 63 : i32
        %and3A_743 = vector.broadcast %and3A_742 : i32 to vector<16xi32>
        %and3A_744 = arith.andi %add3A_741, %and3A_743 : vector<16xi32>
        %add3A_745 = arith.addi %mul3A_360, %and3A_744 : vector<16xi32>
        %gather3A_746 = tpu.vector_load_idx %arg8[%add3A_745] : memref<7232xf32, #tpu.memory_space<vmem>>[vector<16xi32>], vector<16xf32>,
        %add3A_747 = arith.addi %add3A_367, %and3A_744 : vector<16xi32>
        tpu.vector_store_idx %arg10[%add3A_747], %gather3A_746 masked %lt3A_370 : memref<32768xf32, #tpu.memory_space<vmem>>[vector<16xi32>], vector<16xf32>, vector<16xi1>
        %add3A_748 = arith.constant 42 : i32
        %add3A_749 = vector.broadcast %add3A_748 : i32 to vector<16xi32>
        %add3A_750 = arith.addi %iota3A, %add3A_749 : vector<16xi32>
        %and3A_751 = arith.constant 63 : i32
        %and3A_752 = vector.broadcast %and3A_751 : i32 to vector<16xi32>
        %and3A_753 = arith.andi %add3A_750, %and3A_752 : vector<16xi32>
        %add3A_754 = arith.addi %mul3A_360, %and3A_753 : vector<16xi32>
        %gather3A_755 = tpu.vector_load_idx %arg8[%add3A_754] : memref<7232xf32, #tpu.memory_space<vmem>>[vector<16xi32>], vector<16xf32>,
        %add3A_756 = arith.addi %add3A_367, %and3A_753 : vector<16xi32>
        tpu.vector_store_idx %arg10[%add3A_756], %gather3A_755 masked %lt3A_370 : memref<32768xf32, #tpu.memory_space<vmem>>[vector<16xi32>], vector<16xf32>, vector<16xi1>
        %add3A_757 = arith.constant 43 : i32
        %add3A_758 = vector.broadcast %add3A_757 : i32 to vector<16xi32>
        %add3A_759 = arith.addi %iota3A, %add3A_758 : vector<16xi32>
        %and3A_760 = arith.constant 63 : i32
        %and3A_761 = vector.broadcast %and3A_760 : i32 to vector<16xi32>
        %and3A_762 = arith.andi %add3A_759, %and3A_761 : vector<16xi32>
        %add3A_763 = arith.addi %mul3A_360, %and3A_762 : vector<16xi32>
        %gather3A_764 = tpu.vector_load_idx %arg8[%add3A_763] : memref<7232xf32, #tpu.memory_space<vmem>>[vector<16xi32>], vector<16xf32>,
        %add3A_765 = arith.addi %add3A_367, %and3A_762 : vector<16xi32>
        tpu.vector_store_idx %arg10[%add3A_765], %gather3A_764 masked %lt3A_370 : memref<32768xf32, #tpu.memory_space<vmem>>[vector<16xi32>], vector<16xf32>, vector<16xi1>
        %add3A_766 = arith.constant 44 : i32
        %add3A_767 = vector.broadcast %add3A_766 : i32 to vector<16xi32>
        %add3A_768 = arith.addi %iota3A, %add3A_767 : vector<16xi32>
        %and3A_769 = arith.constant 63 : i32
        %and3A_770 = vector.broadcast %and3A_769 : i32 to vector<16xi32>
        %and3A_771 = arith.andi %add3A_768, %and3A_770 : vector<16xi32>
        %add3A_772 = arith.addi %mul3A_360, %and3A_771 : vector<16xi32>
        %gather3A_773 = tpu.vector_load_idx %arg8[%add3A_772] : memref<7232xf32, #tpu.memory_space<vmem>>[vector<16xi32>], vector<16xf32>,
        %add3A_774 = arith.addi %add3A_367, %and3A_771 : vector<16xi32>
        tpu.vector_store_idx %arg10[%add3A_774], %gather3A_773 masked %lt3A_370 : memref<32768xf32, #tpu.memory_space<vmem>>[vector<16xi32>], vector<16xf32>, vector<16xi1>
        %add3A_775 = arith.constant 45 : i32
        %add3A_776 = vector.broadcast %add3A_775 : i32 to vector<16xi32>
        %add3A_777 = arith.addi %iota3A, %add3A_776 : vector<16xi32>
        %and3A_778 = arith.constant 63 : i32
        %and3A_779 = vector.broadcast %and3A_778 : i32 to vector<16xi32>
        %and3A_780 = arith.andi %add3A_777, %and3A_779 : vector<16xi32>
        %add3A_781 = arith.addi %mul3A_360, %and3A_780 : vector<16xi32>
        %gather3A_782 = tpu.vector_load_idx %arg8[%add3A_781] : memref<7232xf32, #tpu.memory_space<vmem>>[vector<16xi32>], vector<16xf32>,
        %add3A_783 = arith.addi %add3A_367, %and3A_780 : vector<16xi32>
        tpu.vector_store_idx %arg10[%add3A_783], %gather3A_782 masked %lt3A_370 : memref<32768xf32, #tpu.memory_space<vmem>>[vector<16xi32>], vector<16xf32>, vector<16xi1>
        %add3A_784 = arith.constant 46 : i32
        %add3A_785 = vector.broadcast %add3A_784 : i32 to vector<16xi32>
        %add3A_786 = arith.addi %iota3A, %add3A_785 : vector<16xi32>
        %and3A_787 = arith.constant 63 : i32
        %and3A_788 = vector.broadcast %and3A_787 : i32 to vector<16xi32>
        %and3A_789 = arith.andi %add3A_786, %and3A_788 : vector<16xi32>
        %add3A_790 = arith.addi %mul3A_360, %and3A_789 : vector<16xi32>
        %gather3A_791 = tpu.vector_load_idx %arg8[%add3A_790] : memref<7232xf32, #tpu.memory_space<vmem>>[vector<16xi32>], vector<16xf32>,
        %add3A_792 = arith.addi %add3A_367, %and3A_789 : vector<16xi32>
        tpu.vector_store_idx %arg10[%add3A_792], %gather3A_791 masked %lt3A_370 : memref<32768xf32, #tpu.memory_space<vmem>>[vector<16xi32>], vector<16xf32>, vector<16xi1>
        %add3A_793 = arith.constant 47 : i32
        %add3A_794 = vector.broadcast %add3A_793 : i32 to vector<16xi32>
        %add3A_795 = arith.addi %iota3A, %add3A_794 : vector<16xi32>
        %and3A_796 = arith.constant 63 : i32
        %and3A_797 = vector.broadcast %and3A_796 : i32 to vector<16xi32>
        %and3A_798 = arith.andi %add3A_795, %and3A_797 : vector<16xi32>
        %add3A_799 = arith.addi %mul3A_360, %and3A_798 : vector<16xi32>
        %gather3A_800 = tpu.vector_load_idx %arg8[%add3A_799] : memref<7232xf32, #tpu.memory_space<vmem>>[vector<16xi32>], vector<16xf32>,
        %add3A_801 = arith.addi %add3A_367, %and3A_798 : vector<16xi32>
        tpu.vector_store_idx %arg10[%add3A_801], %gather3A_800 masked %lt3A_370 : memref<32768xf32, #tpu.memory_space<vmem>>[vector<16xi32>], vector<16xf32>, vector<16xi1>
        %add3A_802 = arith.constant 48 : i32
        %add3A_803 = vector.broadcast %add3A_802 : i32 to vector<16xi32>
        %add3A_804 = arith.addi %iota3A, %add3A_803 : vector<16xi32>
        %and3A_805 = arith.constant 63 : i32
        %and3A_806 = vector.broadcast %and3A_805 : i32 to vector<16xi32>
        %and3A_807 = arith.andi %add3A_804, %and3A_806 : vector<16xi32>
        %add3A_808 = arith.addi %mul3A_360, %and3A_807 : vector<16xi32>
        %gather3A_809 = tpu.vector_load_idx %arg8[%add3A_808] : memref<7232xf32, #tpu.memory_space<vmem>>[vector<16xi32>], vector<16xf32>,
        %add3A_810 = arith.addi %add3A_367, %and3A_807 : vector<16xi32>
        tpu.vector_store_idx %arg10[%add3A_810], %gather3A_809 masked %lt3A_370 : memref<32768xf32, #tpu.memory_space<vmem>>[vector<16xi32>], vector<16xf32>, vector<16xi1>
        %add3A_811 = arith.constant 49 : i32
        %add3A_812 = vector.broadcast %add3A_811 : i32 to vector<16xi32>
        %add3A_813 = arith.addi %iota3A, %add3A_812 : vector<16xi32>
        %and3A_814 = arith.constant 63 : i32
        %and3A_815 = vector.broadcast %and3A_814 : i32 to vector<16xi32>
        %and3A_816 = arith.andi %add3A_813, %and3A_815 : vector<16xi32>
        %add3A_817 = arith.addi %mul3A_360, %and3A_816 : vector<16xi32>
        %gather3A_818 = tpu.vector_load_idx %arg8[%add3A_817] : memref<7232xf32, #tpu.memory_space<vmem>>[vector<16xi32>], vector<16xf32>,
        %add3A_819 = arith.addi %add3A_367, %and3A_816 : vector<16xi32>
        tpu.vector_store_idx %arg10[%add3A_819], %gather3A_818 masked %lt3A_370 : memref<32768xf32, #tpu.memory_space<vmem>>[vector<16xi32>], vector<16xf32>, vector<16xi1>
        %add3A_820 = arith.constant 50 : i32
        %add3A_821 = vector.broadcast %add3A_820 : i32 to vector<16xi32>
        %add3A_822 = arith.addi %iota3A, %add3A_821 : vector<16xi32>
        %and3A_823 = arith.constant 63 : i32
        %and3A_824 = vector.broadcast %and3A_823 : i32 to vector<16xi32>
        %and3A_825 = arith.andi %add3A_822, %and3A_824 : vector<16xi32>
        %add3A_826 = arith.addi %mul3A_360, %and3A_825 : vector<16xi32>
        %gather3A_827 = tpu.vector_load_idx %arg8[%add3A_826] : memref<7232xf32, #tpu.memory_space<vmem>>[vector<16xi32>], vector<16xf32>,
        %add3A_828 = arith.addi %add3A_367, %and3A_825 : vector<16xi32>
        tpu.vector_store_idx %arg10[%add3A_828], %gather3A_827 masked %lt3A_370 : memref<32768xf32, #tpu.memory_space<vmem>>[vector<16xi32>], vector<16xf32>, vector<16xi1>
        %add3A_829 = arith.constant 51 : i32
        %add3A_830 = vector.broadcast %add3A_829 : i32 to vector<16xi32>
        %add3A_831 = arith.addi %iota3A, %add3A_830 : vector<16xi32>
        %and3A_832 = arith.constant 63 : i32
        %and3A_833 = vector.broadcast %and3A_832 : i32 to vector<16xi32>
        %and3A_834 = arith.andi %add3A_831, %and3A_833 : vector<16xi32>
        %add3A_835 = arith.addi %mul3A_360, %and3A_834 : vector<16xi32>
        %gather3A_836 = tpu.vector_load_idx %arg8[%add3A_835] : memref<7232xf32, #tpu.memory_space<vmem>>[vector<16xi32>], vector<16xf32>,
        %add3A_837 = arith.addi %add3A_367, %and3A_834 : vector<16xi32>
        tpu.vector_store_idx %arg10[%add3A_837], %gather3A_836 masked %lt3A_370 : memref<32768xf32, #tpu.memory_space<vmem>>[vector<16xi32>], vector<16xf32>, vector<16xi1>
        %add3A_838 = arith.constant 52 : i32
        %add3A_839 = vector.broadcast %add3A_838 : i32 to vector<16xi32>
        %add3A_840 = arith.addi %iota3A, %add3A_839 : vector<16xi32>
        %and3A_841 = arith.constant 63 : i32
        %and3A_842 = vector.broadcast %and3A_841 : i32 to vector<16xi32>
        %and3A_843 = arith.andi %add3A_840, %and3A_842 : vector<16xi32>
        %add3A_844 = arith.addi %mul3A_360, %and3A_843 : vector<16xi32>
        %gather3A_845 = tpu.vector_load_idx %arg8[%add3A_844] : memref<7232xf32, #tpu.memory_space<vmem>>[vector<16xi32>], vector<16xf32>,
        %add3A_846 = arith.addi %add3A_367, %and3A_843 : vector<16xi32>
        tpu.vector_store_idx %arg10[%add3A_846], %gather3A_845 masked %lt3A_370 : memref<32768xf32, #tpu.memory_space<vmem>>[vector<16xi32>], vector<16xf32>, vector<16xi1>
        %add3A_847 = arith.constant 53 : i32
        %add3A_848 = vector.broadcast %add3A_847 : i32 to vector<16xi32>
        %add3A_849 = arith.addi %iota3A, %add3A_848 : vector<16xi32>
        %and3A_850 = arith.constant 63 : i32
        %and3A_851 = vector.broadcast %and3A_850 : i32 to vector<16xi32>
        %and3A_852 = arith.andi %add3A_849, %and3A_851 : vector<16xi32>
        %add3A_853 = arith.addi %mul3A_360, %and3A_852 : vector<16xi32>
        %gather3A_854 = tpu.vector_load_idx %arg8[%add3A_853] : memref<7232xf32, #tpu.memory_space<vmem>>[vector<16xi32>], vector<16xf32>,
        %add3A_855 = arith.addi %add3A_367, %and3A_852 : vector<16xi32>
        tpu.vector_store_idx %arg10[%add3A_855], %gather3A_854 masked %lt3A_370 : memref<32768xf32, #tpu.memory_space<vmem>>[vector<16xi32>], vector<16xf32>, vector<16xi1>
        %add3A_856 = arith.constant 54 : i32
        %add3A_857 = vector.broadcast %add3A_856 : i32 to vector<16xi32>
        %add3A_858 = arith.addi %iota3A, %add3A_857 : vector<16xi32>
        %and3A_859 = arith.constant 63 : i32
        %and3A_860 = vector.broadcast %and3A_859 : i32 to vector<16xi32>
        %and3A_861 = arith.andi %add3A_858, %and3A_860 : vector<16xi32>
        %add3A_862 = arith.addi %mul3A_360, %and3A_861 : vector<16xi32>
        %gather3A_863 = tpu.vector_load_idx %arg8[%add3A_862] : memref<7232xf32, #tpu.memory_space<vmem>>[vector<16xi32>], vector<16xf32>,
        %add3A_864 = arith.addi %add3A_367, %and3A_861 : vector<16xi32>
        tpu.vector_store_idx %arg10[%add3A_864], %gather3A_863 masked %lt3A_370 : memref<32768xf32, #tpu.memory_space<vmem>>[vector<16xi32>], vector<16xf32>, vector<16xi1>
        %add3A_865 = arith.constant 55 : i32
        %add3A_866 = vector.broadcast %add3A_865 : i32 to vector<16xi32>
        %add3A_867 = arith.addi %iota3A, %add3A_866 : vector<16xi32>
        %and3A_868 = arith.constant 63 : i32
        %and3A_869 = vector.broadcast %and3A_868 : i32 to vector<16xi32>
        %and3A_870 = arith.andi %add3A_867, %and3A_869 : vector<16xi32>
        %add3A_871 = arith.addi %mul3A_360, %and3A_870 : vector<16xi32>
        %gather3A_872 = tpu.vector_load_idx %arg8[%add3A_871] : memref<7232xf32, #tpu.memory_space<vmem>>[vector<16xi32>], vector<16xf32>,
        %add3A_873 = arith.addi %add3A_367, %and3A_870 : vector<16xi32>
        tpu.vector_store_idx %arg10[%add3A_873], %gather3A_872 masked %lt3A_370 : memref<32768xf32, #tpu.memory_space<vmem>>[vector<16xi32>], vector<16xf32>, vector<16xi1>
        %add3A_874 = arith.constant 56 : i32
        %add3A_875 = vector.broadcast %add3A_874 : i32 to vector<16xi32>
        %add3A_876 = arith.addi %iota3A, %add3A_875 : vector<16xi32>
        %and3A_877 = arith.constant 63 : i32
        %and3A_878 = vector.broadcast %and3A_877 : i32 to vector<16xi32>
        %and3A_879 = arith.andi %add3A_876, %and3A_878 : vector<16xi32>
        %add3A_880 = arith.addi %mul3A_360, %and3A_879 : vector<16xi32>
        %gather3A_881 = tpu.vector_load_idx %arg8[%add3A_880] : memref<7232xf32, #tpu.memory_space<vmem>>[vector<16xi32>], vector<16xf32>,
        %add3A_882 = arith.addi %add3A_367, %and3A_879 : vector<16xi32>
        tpu.vector_store_idx %arg10[%add3A_882], %gather3A_881 masked %lt3A_370 : memref<32768xf32, #tpu.memory_space<vmem>>[vector<16xi32>], vector<16xf32>, vector<16xi1>
        %add3A_883 = arith.constant 57 : i32
        %add3A_884 = vector.broadcast %add3A_883 : i32 to vector<16xi32>
        %add3A_885 = arith.addi %iota3A, %add3A_884 : vector<16xi32>
        %and3A_886 = arith.constant 63 : i32
        %and3A_887 = vector.broadcast %and3A_886 : i32 to vector<16xi32>
        %and3A_888 = arith.andi %add3A_885, %and3A_887 : vector<16xi32>
        %add3A_889 = arith.addi %mul3A_360, %and3A_888 : vector<16xi32>
        %gather3A_890 = tpu.vector_load_idx %arg8[%add3A_889] : memref<7232xf32, #tpu.memory_space<vmem>>[vector<16xi32>], vector<16xf32>,
        %add3A_891 = arith.addi %add3A_367, %and3A_888 : vector<16xi32>
        tpu.vector_store_idx %arg10[%add3A_891], %gather3A_890 masked %lt3A_370 : memref<32768xf32, #tpu.memory_space<vmem>>[vector<16xi32>], vector<16xf32>, vector<16xi1>
        %add3A_892 = arith.constant 58 : i32
        %add3A_893 = vector.broadcast %add3A_892 : i32 to vector<16xi32>
        %add3A_894 = arith.addi %iota3A, %add3A_893 : vector<16xi32>
        %and3A_895 = arith.constant 63 : i32
        %and3A_896 = vector.broadcast %and3A_895 : i32 to vector<16xi32>
        %and3A_897 = arith.andi %add3A_894, %and3A_896 : vector<16xi32>
        %add3A_898 = arith.addi %mul3A_360, %and3A_897 : vector<16xi32>
        %gather3A_899 = tpu.vector_load_idx %arg8[%add3A_898] : memref<7232xf32, #tpu.memory_space<vmem>>[vector<16xi32>], vector<16xf32>,
        %add3A_900 = arith.addi %add3A_367, %and3A_897 : vector<16xi32>
        tpu.vector_store_idx %arg10[%add3A_900], %gather3A_899 masked %lt3A_370 : memref<32768xf32, #tpu.memory_space<vmem>>[vector<16xi32>], vector<16xf32>, vector<16xi1>
        %add3A_901 = arith.constant 59 : i32
        %add3A_902 = vector.broadcast %add3A_901 : i32 to vector<16xi32>
        %add3A_903 = arith.addi %iota3A, %add3A_902 : vector<16xi32>
        %and3A_904 = arith.constant 63 : i32
        %and3A_905 = vector.broadcast %and3A_904 : i32 to vector<16xi32>
        %and3A_906 = arith.andi %add3A_903, %and3A_905 : vector<16xi32>
        %add3A_907 = arith.addi %mul3A_360, %and3A_906 : vector<16xi32>
        %gather3A_908 = tpu.vector_load_idx %arg8[%add3A_907] : memref<7232xf32, #tpu.memory_space<vmem>>[vector<16xi32>], vector<16xf32>,
        %add3A_909 = arith.addi %add3A_367, %and3A_906 : vector<16xi32>
        tpu.vector_store_idx %arg10[%add3A_909], %gather3A_908 masked %lt3A_370 : memref<32768xf32, #tpu.memory_space<vmem>>[vector<16xi32>], vector<16xf32>, vector<16xi1>
        %add3A_910 = arith.constant 60 : i32
        %add3A_911 = vector.broadcast %add3A_910 : i32 to vector<16xi32>
        %add3A_912 = arith.addi %iota3A, %add3A_911 : vector<16xi32>
        %and3A_913 = arith.constant 63 : i32
        %and3A_914 = vector.broadcast %and3A_913 : i32 to vector<16xi32>
        %and3A_915 = arith.andi %add3A_912, %and3A_914 : vector<16xi32>
        %add3A_916 = arith.addi %mul3A_360, %and3A_915 : vector<16xi32>
        %gather3A_917 = tpu.vector_load_idx %arg8[%add3A_916] : memref<7232xf32, #tpu.memory_space<vmem>>[vector<16xi32>], vector<16xf32>,
        %add3A_918 = arith.addi %add3A_367, %and3A_915 : vector<16xi32>
        tpu.vector_store_idx %arg10[%add3A_918], %gather3A_917 masked %lt3A_370 : memref<32768xf32, #tpu.memory_space<vmem>>[vector<16xi32>], vector<16xf32>, vector<16xi1>
        %add3A_919 = arith.constant 61 : i32
        %add3A_920 = vector.broadcast %add3A_919 : i32 to vector<16xi32>
        %add3A_921 = arith.addi %iota3A, %add3A_920 : vector<16xi32>
        %and3A_922 = arith.constant 63 : i32
        %and3A_923 = vector.broadcast %and3A_922 : i32 to vector<16xi32>
        %and3A_924 = arith.andi %add3A_921, %and3A_923 : vector<16xi32>
        %add3A_925 = arith.addi %mul3A_360, %and3A_924 : vector<16xi32>
        %gather3A_926 = tpu.vector_load_idx %arg8[%add3A_925] : memref<7232xf32, #tpu.memory_space<vmem>>[vector<16xi32>], vector<16xf32>,
        %add3A_927 = arith.addi %add3A_367, %and3A_924 : vector<16xi32>
        tpu.vector_store_idx %arg10[%add3A_927], %gather3A_926 masked %lt3A_370 : memref<32768xf32, #tpu.memory_space<vmem>>[vector<16xi32>], vector<16xf32>, vector<16xi1>
        %add3A_928 = arith.constant 62 : i32
        %add3A_929 = vector.broadcast %add3A_928 : i32 to vector<16xi32>
        %add3A_930 = arith.addi %iota3A, %add3A_929 : vector<16xi32>
        %and3A_931 = arith.constant 63 : i32
        %and3A_932 = vector.broadcast %and3A_931 : i32 to vector<16xi32>
        %and3A_933 = arith.andi %add3A_930, %and3A_932 : vector<16xi32>
        %add3A_934 = arith.addi %mul3A_360, %and3A_933 : vector<16xi32>
        %gather3A_935 = tpu.vector_load_idx %arg8[%add3A_934] : memref<7232xf32, #tpu.memory_space<vmem>>[vector<16xi32>], vector<16xf32>,
        %add3A_936 = arith.addi %add3A_367, %and3A_933 : vector<16xi32>
        tpu.vector_store_idx %arg10[%add3A_936], %gather3A_935 masked %lt3A_370 : memref<32768xf32, #tpu.memory_space<vmem>>[vector<16xi32>], vector<16xf32>, vector<16xi1>
        %add3A_937 = arith.constant 63 : i32
        %add3A_938 = vector.broadcast %add3A_937 : i32 to vector<16xi32>
        %add3A_939 = arith.addi %iota3A, %add3A_938 : vector<16xi32>
        %and3A_940 = arith.constant 63 : i32
        %and3A_941 = vector.broadcast %and3A_940 : i32 to vector<16xi32>
        %and3A_942 = arith.andi %add3A_939, %and3A_941 : vector<16xi32>
        %add3A_943 = arith.addi %mul3A_360, %and3A_942 : vector<16xi32>
        %gather3A_944 = tpu.vector_load_idx %arg8[%add3A_943] : memref<7232xf32, #tpu.memory_space<vmem>>[vector<16xi32>], vector<16xf32>,
        %add3A_945 = arith.addi %add3A_367, %and3A_942 : vector<16xi32>
        tpu.vector_store_idx %arg10[%add3A_945], %gather3A_944 masked %lt3A_370 : memref<32768xf32, #tpu.memory_space<vmem>>[vector<16xi32>], vector<16xf32>, vector<16xi1>
      }
      %scan3A_103 = arith.constant 14 : i32
      %mul3A_104 = arith.constant 800 : i32
      %mul3A_105 = arith.muli %add3A, %mul3A_104 : i32
      %mul3A_106 = arith.constant 8 : i32
      %mul3A_107 = arith.muli %mul3A_81, %mul3A_106 : i32
      %add3A_108 = arith.addi %mul3A_105, %mul3A_107 : i32
      %multiple_of3A_109 = tpu.assume_multiple %add3A_108, 8 : i32
      %multiple_of3A_110 = arith.constant 0 : i32
      %multiple_of3A_111 = tpu.assume_multiple %multiple_of3A_110, 4096 : i32
      %add3A_112 = arith.constant 0 : i32
      %add3A_113 = arith.addi %multiple_of3A_109, %add3A_112 : i32
      %mul3A_114 = arith.constant 4096 : i32
      %mul3A_115 = arith.muli %add3A_113, %mul3A_114 : i32
      %multiple_of3A_116 = tpu.assume_multiple %mul3A_115, 4096 : i32
      %dma_start3A_117 = tpu.memref_slice %arg10[%multiple_of3A_111] : memref<32768xf32, #tpu.memory_space<vmem>> -> memref<3456xf32, #tpu.memory_space<vmem>>
      %dma_start3A_118 = tpu.memref_slice %arg5[%multiple_of3A_116] : memref<104857600xf32, #tpu.memory_space<hbm>> -> memref<3456xf32, #tpu.memory_space<hbm>>
      %dma_start3A_119 = tpu.memref_slice %arg5[%multiple_of3A_116] : memref<104857600xf32, #tpu.memory_space<hbm>> -> memref<3456xf32, #tpu.memory_space<hbm>>
      %dma_start3A_120 = tpu.memref_slice %arg10[%multiple_of3A_111] : memref<32768xf32, #tpu.memory_space<vmem>> -> memref<3456xf32, #tpu.memory_space<vmem>>
      tpu.enqueue_dma source(%dma_start3A_120 : memref<3456xf32, #tpu.memory_space<vmem>>) target(%dma_start3A_119 : memref<3456xf32, #tpu.memory_space<hbm>>) target_semaphore(%arg15 : memref<!tpu.dma_semaphore, #tpu.memory_space<semaphore_mem>>)
      %multiple_of3A_121 = arith.constant 4096 : i32
      %multiple_of3A_122 = tpu.assume_multiple %multiple_of3A_121, 4096 : i32
      %add3A_123 = arith.constant 1 : i32
      %add3A_124 = arith.addi %multiple_of3A_109, %add3A_123 : i32
      %mul3A_125 = arith.constant 4096 : i32
      %mul3A_126 = arith.muli %add3A_124, %mul3A_125 : i32
      %multiple_of3A_127 = tpu.assume_multiple %mul3A_126, 4096 : i32
      %dma_start3A_128 = tpu.memref_slice %arg10[%multiple_of3A_122] : memref<32768xf32, #tpu.memory_space<vmem>> -> memref<3456xf32, #tpu.memory_space<vmem>>
      %dma_start3A_129 = tpu.memref_slice %arg5[%multiple_of3A_127] : memref<104857600xf32, #tpu.memory_space<hbm>> -> memref<3456xf32, #tpu.memory_space<hbm>>
      %dma_start3A_130 = tpu.memref_slice %arg5[%multiple_of3A_127] : memref<104857600xf32, #tpu.memory_space<hbm>> -> memref<3456xf32, #tpu.memory_space<hbm>>
      %dma_start3A_131 = tpu.memref_slice %arg10[%multiple_of3A_122] : memref<32768xf32, #tpu.memory_space<vmem>> -> memref<3456xf32, #tpu.memory_space<vmem>>
      tpu.enqueue_dma source(%dma_start3A_131 : memref<3456xf32, #tpu.memory_space<vmem>>) target(%dma_start3A_130 : memref<3456xf32, #tpu.memory_space<hbm>>) target_semaphore(%arg15 : memref<!tpu.dma_semaphore, #tpu.memory_space<semaphore_mem>>)
      %multiple_of3A_132 = arith.constant 8192 : i32
      %multiple_of3A_133 = tpu.assume_multiple %multiple_of3A_132, 4096 : i32
      %add3A_134 = arith.constant 2 : i32
      %add3A_135 = arith.addi %multiple_of3A_109, %add3A_134 : i32
      %mul3A_136 = arith.constant 4096 : i32
      %mul3A_137 = arith.muli %add3A_135, %mul3A_136 : i32
      %multiple_of3A_138 = tpu.assume_multiple %mul3A_137, 4096 : i32
      %dma_start3A_139 = tpu.memref_slice %arg10[%multiple_of3A_133] : memref<32768xf32, #tpu.memory_space<vmem>> -> memref<3456xf32, #tpu.memory_space<vmem>>
      %dma_start3A_140 = tpu.memref_slice %arg5[%multiple_of3A_138] : memref<104857600xf32, #tpu.memory_space<hbm>> -> memref<3456xf32, #tpu.memory_space<hbm>>
      %dma_start3A_141 = tpu.memref_slice %arg5[%multiple_of3A_138] : memref<104857600xf32, #tpu.memory_space<hbm>> -> memref<3456xf32, #tpu.memory_space<hbm>>
      %dma_start3A_142 = tpu.memref_slice %arg10[%multiple_of3A_133] : memref<32768xf32, #tpu.memory_space<vmem>> -> memref<3456xf32, #tpu.memory_space<vmem>>
      tpu.enqueue_dma source(%dma_start3A_142 : memref<3456xf32, #tpu.memory_space<vmem>>) target(%dma_start3A_141 : memref<3456xf32, #tpu.memory_space<hbm>>) target_semaphore(%arg15 : memref<!tpu.dma_semaphore, #tpu.memory_space<semaphore_mem>>)
      %multiple_of3A_143 = arith.constant 12288 : i32
      %multiple_of3A_144 = tpu.assume_multiple %multiple_of3A_143, 4096 : i32
      %add3A_145 = arith.constant 3 : i32
      %add3A_146 = arith.addi %multiple_of3A_109, %add3A_145 : i32
      %mul3A_147 = arith.constant 4096 : i32
      %mul3A_148 = arith.muli %add3A_146, %mul3A_147 : i32
      %multiple_of3A_149 = tpu.assume_multiple %mul3A_148, 4096 : i32
      %dma_start3A_150 = tpu.memref_slice %arg10[%multiple_of3A_144] : memref<32768xf32, #tpu.memory_space<vmem>> -> memref<3456xf32, #tpu.memory_space<vmem>>
      %dma_start3A_151 = tpu.memref_slice %arg5[%multiple_of3A_149] : memref<104857600xf32, #tpu.memory_space<hbm>> -> memref<3456xf32, #tpu.memory_space<hbm>>
      %dma_start3A_152 = tpu.memref_slice %arg5[%multiple_of3A_149] : memref<104857600xf32, #tpu.memory_space<hbm>> -> memref<3456xf32, #tpu.memory_space<hbm>>
      %dma_start3A_153 = tpu.memref_slice %arg10[%multiple_of3A_144] : memref<32768xf32, #tpu.memory_space<vmem>> -> memref<3456xf32, #tpu.memory_space<vmem>>
      tpu.enqueue_dma source(%dma_start3A_153 : memref<3456xf32, #tpu.memory_space<vmem>>) target(%dma_start3A_152 : memref<3456xf32, #tpu.memory_space<hbm>>) target_semaphore(%arg15 : memref<!tpu.dma_semaphore, #tpu.memory_space<semaphore_mem>>)
      %multiple_of3A_154 = arith.constant 16384 : i32
      %multiple_of3A_155 = tpu.assume_multiple %multiple_of3A_154, 4096 : i32
      %add3A_156 = arith.constant 4 : i32
      %add3A_157 = arith.addi %multiple_of3A_109, %add3A_156 : i32
      %mul3A_158 = arith.constant 4096 : i32
      %mul3A_159 = arith.muli %add3A_157, %mul3A_158 : i32
      %multiple_of3A_160 = tpu.assume_multiple %mul3A_159, 4096 : i32
      %dma_start3A_161 = tpu.memref_slice %arg10[%multiple_of3A_155] : memref<32768xf32, #tpu.memory_space<vmem>> -> memref<3456xf32, #tpu.memory_space<vmem>>
      %dma_start3A_162 = tpu.memref_slice %arg5[%multiple_of3A_160] : memref<104857600xf32, #tpu.memory_space<hbm>> -> memref<3456xf32, #tpu.memory_space<hbm>>
      %dma_start3A_163 = tpu.memref_slice %arg5[%multiple_of3A_160] : memref<104857600xf32, #tpu.memory_space<hbm>> -> memref<3456xf32, #tpu.memory_space<hbm>>
      %dma_start3A_164 = tpu.memref_slice %arg10[%multiple_of3A_155] : memref<32768xf32, #tpu.memory_space<vmem>> -> memref<3456xf32, #tpu.memory_space<vmem>>
      tpu.enqueue_dma source(%dma_start3A_164 : memref<3456xf32, #tpu.memory_space<vmem>>) target(%dma_start3A_163 : memref<3456xf32, #tpu.memory_space<hbm>>) target_semaphore(%arg15 : memref<!tpu.dma_semaphore, #tpu.memory_space<semaphore_mem>>)
      %multiple_of3A_165 = arith.constant 20480 : i32
      %multiple_of3A_166 = tpu.assume_multiple %multiple_of3A_165, 4096 : i32
      %add3A_167 = arith.constant 5 : i32
      %add3A_168 = arith.addi %multiple_of3A_109, %add3A_167 : i32
      %mul3A_169 = arith.constant 4096 : i32
      %mul3A_170 = arith.muli %add3A_168, %mul3A_169 : i32
      %multiple_of3A_171 = tpu.assume_multiple %mul3A_170, 4096 : i32
      %dma_start3A_172 = tpu.memref_slice %arg10[%multiple_of3A_166] : memref<32768xf32, #tpu.memory_space<vmem>> -> memref<3456xf32, #tpu.memory_space<vmem>>
      %dma_start3A_173 = tpu.memref_slice %arg5[%multiple_of3A_171] : memref<104857600xf32, #tpu.memory_space<hbm>> -> memref<3456xf32, #tpu.memory_space<hbm>>
      %dma_start3A_174 = tpu.memref_slice %arg5[%multiple_of3A_171] : memref<104857600xf32, #tpu.memory_space<hbm>> -> memref<3456xf32, #tpu.memory_space<hbm>>
      %dma_start3A_175 = tpu.memref_slice %arg10[%multiple_of3A_166] : memref<32768xf32, #tpu.memory_space<vmem>> -> memref<3456xf32, #tpu.memory_space<vmem>>
      tpu.enqueue_dma source(%dma_start3A_175 : memref<3456xf32, #tpu.memory_space<vmem>>) target(%dma_start3A_174 : memref<3456xf32, #tpu.memory_space<hbm>>) target_semaphore(%arg15 : memref<!tpu.dma_semaphore, #tpu.memory_space<semaphore_mem>>)
      %multiple_of3A_176 = arith.constant 24576 : i32
      %multiple_of3A_177 = tpu.assume_multiple %multiple_of3A_176, 4096 : i32
      %add3A_178 = arith.constant 6 : i32
      %add3A_179 = arith.addi %multiple_of3A_109, %add3A_178 : i32
      %mul3A_180 = arith.constant 4096 : i32
      %mul3A_181 = arith.muli %add3A_179, %mul3A_180 : i32
      %multiple_of3A_182 = tpu.assume_multiple %mul3A_181, 4096 : i32
      %dma_start3A_183 = tpu.memref_slice %arg10[%multiple_of3A_177] : memref<32768xf32, #tpu.memory_space<vmem>> -> memref<3456xf32, #tpu.memory_space<vmem>>
      %dma_start3A_184 = tpu.memref_slice %arg5[%multiple_of3A_182] : memref<104857600xf32, #tpu.memory_space<hbm>> -> memref<3456xf32, #tpu.memory_space<hbm>>
      %dma_start3A_185 = tpu.memref_slice %arg5[%multiple_of3A_182] : memref<104857600xf32, #tpu.memory_space<hbm>> -> memref<3456xf32, #tpu.memory_space<hbm>>
      %dma_start3A_186 = tpu.memref_slice %arg10[%multiple_of3A_177] : memref<32768xf32, #tpu.memory_space<vmem>> -> memref<3456xf32, #tpu.memory_space<vmem>>
      tpu.enqueue_dma source(%dma_start3A_186 : memref<3456xf32, #tpu.memory_space<vmem>>) target(%dma_start3A_185 : memref<3456xf32, #tpu.memory_space<hbm>>) target_semaphore(%arg15 : memref<!tpu.dma_semaphore, #tpu.memory_space<semaphore_mem>>)
      %multiple_of3A_187 = arith.constant 28672 : i32
      %multiple_of3A_188 = tpu.assume_multiple %multiple_of3A_187, 4096 : i32
      %add3A_189 = arith.constant 7 : i32
      %add3A_190 = arith.addi %multiple_of3A_109, %add3A_189 : i32
      %mul3A_191 = arith.constant 4096 : i32
      %mul3A_192 = arith.muli %add3A_190, %mul3A_191 : i32
      %multiple_of3A_193 = tpu.assume_multiple %mul3A_192, 4096 : i32
      %dma_start3A_194 = tpu.memref_slice %arg10[%multiple_of3A_188] : memref<32768xf32, #tpu.memory_space<vmem>> -> memref<3456xf32, #tpu.memory_space<vmem>>
      %dma_start3A_195 = tpu.memref_slice %arg5[%multiple_of3A_193] : memref<104857600xf32, #tpu.memory_space<hbm>> -> memref<3456xf32, #tpu.memory_space<hbm>>
      %dma_start3A_196 = tpu.memref_slice %arg5[%multiple_of3A_193] : memref<104857600xf32, #tpu.memory_space<hbm>> -> memref<3456xf32, #tpu.memory_space<hbm>>
      %dma_start3A_197 = tpu.memref_slice %arg10[%multiple_of3A_188] : memref<32768xf32, #tpu.memory_space<vmem>> -> memref<3456xf32, #tpu.memory_space<vmem>>
      tpu.enqueue_dma source(%dma_start3A_197 : memref<3456xf32, #tpu.memory_space<vmem>>) target(%dma_start3A_196 : memref<3456xf32, #tpu.memory_space<hbm>>) target_semaphore(%arg15 : memref<!tpu.dma_semaphore, #tpu.memory_space<semaphore_mem>>)
      %lt3A = arith.constant 49 : i32
      %lt3A_198 = arith.cmpi slt, %scan3A_79, %lt3A : i32
      %convert_element_type3A_199 = arith.extui %lt3A_198 : i1 to i32
      %cond3A_200 = arith.constant 0 : i32
      %cond3A_201 = arith.cmpi ne, %convert_element_type3A_199, %cond3A_200 : i32
      scf.if %cond3A_201 {
        %add3A_324 = arith.constant 2 : i32
        %add3A_325 = arith.addi %mul3A_81, %add3A_324 : i32
        %mul3A_326 = arith.constant 800 : i32
        %mul3A_327 = arith.muli %add3A, %mul3A_326 : i32
        %mul3A_328 = arith.constant 8 : i32
        %mul3A_329 = arith.muli %add3A_325, %mul3A_328 : i32
        %add3A_330 = arith.addi %mul3A_327, %mul3A_329 : i32
        %multiple_of3A_331 = tpu.assume_multiple %add3A_330, 8 : i32
        %mul3A_332 = arith.constant 26 : i32
        %mul3A_333 = arith.muli %multiple_of3A_331, %mul3A_332 : i32
        %dma_start3A_334 = tpu.memref_slice %arg3[%mul3A_333] : memref<665600xi32, #tpu.memory_space<hbm>> -> memref<208xi32, #tpu.memory_space<hbm>>
        %dma_start3A_335 = tpu.memref_slice %arg3[%mul3A_333] : memref<665600xi32, #tpu.memory_space<hbm>> -> memref<208xi32, #tpu.memory_space<hbm>>
        tpu.enqueue_dma source(%dma_start3A_335 : memref<208xi32, #tpu.memory_space<hbm>>) target(%arg6 : memref<208xi32, #tpu.memory_space<vmem>>) target_semaphore(%arg13 : memref<!tpu.dma_semaphore, #tpu.memory_space<semaphore_mem>>)
        %mul3A_336 = arith.constant 14 : i32
        %mul3A_337 = arith.muli %multiple_of3A_331, %mul3A_336 : i32
        %mul3A_338 = arith.constant 64 : i32
        %mul3A_339 = arith.muli %mul3A_337, %mul3A_338 : i32
        %dma_start3A_340 = arith.constant 0 : i32
        %dma_start3A_341 = tpu.memref_slice %arg8[%dma_start3A_340] : memref<7232xf32, #tpu.memory_space<vmem>> -> memref<7168xf32, #tpu.memory_space<vmem>>
        %dma_start3A_342 = tpu.memref_slice %arg2[%mul3A_339] : memref<22937600xf32, #tpu.memory_space<hbm>> -> memref<7168xf32, #tpu.memory_space<hbm>>
        %dma_start3A_343 = arith.constant 0 : i32
        %dma_start3A_344 = tpu.memref_slice %arg8[%dma_start3A_343] : memref<7232xf32, #tpu.memory_space<vmem>> -> memref<7168xf32, #tpu.memory_space<vmem>>
        %dma_start3A_345 = tpu.memref_slice %arg2[%mul3A_339] : memref<22937600xf32, #tpu.memory_space<hbm>> -> memref<7168xf32, #tpu.memory_space<hbm>>
        tpu.enqueue_dma source(%dma_start3A_345 : memref<7168xf32, #tpu.memory_space<hbm>>) target(%dma_start3A_344 : memref<7168xf32, #tpu.memory_space<vmem>>) target_semaphore(%arg13 : memref<!tpu.dma_semaphore, #tpu.memory_space<semaphore_mem>>)
      } else {
      }
      %dma_wait3A_202 = arith.constant 0 : i32
      %dma_wait3A_203 = tpu.memref_slice %arg3[%dma_wait3A_202] : memref<665600xi32, #tpu.memory_space<hbm>> -> memref<208xi32, #tpu.memory_space<hbm>>
      %dma_wait3A_204 = arith.constant 0 : i32
      %dma_wait3A_205 = tpu.memref_slice %arg3[%dma_wait3A_204] : memref<665600xi32, #tpu.memory_space<hbm>> -> memref<208xi32, #tpu.memory_space<hbm>>
      tpu.wait_dma2 semaphore(%arg14 : memref<!tpu.dma_semaphore, #tpu.memory_space<semaphore_mem>>) src(%dma_wait3A_205 : memref<208xi32, #tpu.memory_space<hbm>>) dst(%arg7 : memref<208xi32, #tpu.memory_space<vmem>>)
      %dma_wait3A_206 = arith.constant 0 : i32
      %dma_wait3A_207 = tpu.memref_slice %arg9[%dma_wait3A_206] : memref<7232xf32, #tpu.memory_space<vmem>> -> memref<7168xf32, #tpu.memory_space<vmem>>
      %dma_wait3A_208 = arith.constant 0 : i32
      %dma_wait3A_209 = tpu.memref_slice %arg2[%dma_wait3A_208] : memref<22937600xf32, #tpu.memory_space<hbm>> -> memref<7168xf32, #tpu.memory_space<hbm>>
      %dma_wait3A_210 = arith.constant 0 : i32
      %dma_wait3A_211 = tpu.memref_slice %arg9[%dma_wait3A_210] : memref<7232xf32, #tpu.memory_space<vmem>> -> memref<7168xf32, #tpu.memory_space<vmem>>
      %dma_wait3A_212 = arith.constant 0 : i32
      %dma_wait3A_213 = tpu.memref_slice %arg2[%dma_wait3A_212] : memref<22937600xf32, #tpu.memory_space<hbm>> -> memref<7168xf32, #tpu.memory_space<hbm>>
      tpu.wait_dma2 semaphore(%arg14 : memref<!tpu.dma_semaphore, #tpu.memory_space<semaphore_mem>>) src(%dma_wait3A_213 : memref<7168xf32, #tpu.memory_space<hbm>>) dst(%dma_wait3A_211 : memref<7168xf32, #tpu.memory_space<vmem>>)
      %gt3A_214 = arith.constant 0 : i32
      %gt3A_215 = arith.cmpi sgt, %scan3A_79, %gt3A_214 : i32
      %convert_element_type3A_216 = arith.extui %gt3A_215 : i1 to i32
      %cond3A_217 = arith.constant 0 : i32
      %cond3A_218 = arith.cmpi ne, %convert_element_type3A_216, %cond3A_217 : i32
      scf.if %cond3A_218 {
        %dma_wait3A_324 = arith.constant 0 : i32
        %dma_wait3A_325 = tpu.memref_slice %arg11[%dma_wait3A_324] : memref<32768xf32, #tpu.memory_space<vmem>> -> memref<27648xf32, #tpu.memory_space<vmem>>
        %dma_wait3A_326 = arith.constant 0 : i32
        %dma_wait3A_327 = tpu.memref_slice %arg5[%dma_wait3A_326] : memref<104857600xf32, #tpu.memory_space<hbm>> -> memref<27648xf32, #tpu.memory_space<hbm>>
        %dma_wait3A_328 = arith.constant 0 : i32
        %dma_wait3A_329 = tpu.memref_slice %arg5[%dma_wait3A_328] : memref<104857600xf32, #tpu.memory_space<hbm>> -> memref<27648xf32, #tpu.memory_space<hbm>>
        %dma_wait3A_330 = arith.constant 0 : i32
        %dma_wait3A_331 = tpu.memref_slice %arg11[%dma_wait3A_330] : memref<32768xf32, #tpu.memory_space<vmem>> -> memref<27648xf32, #tpu.memory_space<vmem>>
        tpu.wait_dma2 semaphore(%arg16 : memref<!tpu.dma_semaphore, #tpu.memory_space<semaphore_mem>>) src(%dma_wait3A_331 : memref<27648xf32, #tpu.memory_space<vmem>>) dst(%dma_wait3A_329 : memref<27648xf32, #tpu.memory_space<hbm>>)
      } else {
      }
      %scan3A_219 = arith.constant 0 : i32
      %scan3A_220 = arith.constant 0 : i32
      %scan3A_221 = arith.constant 14 : i32
      %scan3A_222 = arith.addi %scan3A_220, %scan3A_221 : i32
      %scan3A_223 = arith.constant 1 : i32
      scf.for %scan3A_324 = %scan3A_220 to %scan3A_222 step %scan3A_223  : i32 {
        %mul3A_325 = arith.constant 16 : i32
        %mul3A_326 = arith.muli %scan3A_324, %mul3A_325 : i32
        %add3A_327 = vector.broadcast %mul3A_326 : i32 to vector<16xi32>
        %add3A_328 = arith.addi %iota3A, %add3A_327 : vector<16xi32>
        %min3A = arith.constant 215 : i32
        %min3A_329 = vector.broadcast %min3A : i32 to vector<16xi32>
        %min3A_330 = arith.minsi %add3A_328, %min3A_329 : vector<16xi32>
        %div3A = arith.constant 27 : i32
        %div3A_331 = vector.broadcast %div3A : i32 to vector<16xi32>
        %div3A_332 = arith.divsi %min3A_330, %div3A_331 : vector<16xi32>
        %mul3A_333 = arith.constant 27 : i32
        %mul3A_334 = vector.broadcast %mul3A_333 : i32 to vector<16xi32>
        %mul3A_335 = arith.muli %div3A_332, %mul3A_334 : vector<16xi32>
        %sub3A = arith.subi %min3A_330, %mul3A_335 : vector<16xi32>
        %mul3A_336 = arith.constant 26 : i32
        %mul3A_337 = vector.broadcast %mul3A_336 : i32 to vector<16xi32>
        %mul3A_338 = arith.muli %div3A_332, %mul3A_337 : vector<16xi32>
        %add3A_339 = arith.addi %mul3A_338, %sub3A : vector<16xi32>
        %sub3A_340 = arith.constant 1 : i32
        %sub3A_341 = vector.broadcast %sub3A_340 : i32 to vector<16xi32>
        %sub3A_342 = arith.subi %add3A_339, %sub3A_341 : vector<16xi32>
        %max3A = arith.constant 0 : i32
        %max3A_343 = vector.broadcast %max3A : i32 to vector<16xi32>
        %max3A_344 = arith.maxsi %sub3A_342, %max3A_343 : vector<16xi32>
        %gather3A = tpu.vector_load_idx %arg7[%max3A_344] : memref<208xi32, #tpu.memory_space<vmem>>[vector<16xi32>], vector<16xi32>,
        %lt3A_345 = arith.constant 13 : i32
        %lt3A_346 = vector.broadcast %lt3A_345 : i32 to vector<16xi32>
        %lt3A_347 = arith.cmpi slt, %gather3A, %lt3A_346 : vector<16xi32>
        %mul3A_348 = arith.constant 14 : i32
        %mul3A_349 = vector.broadcast %mul3A_348 : i32 to vector<16xi32>
        %mul3A_350 = arith.muli %div3A_332, %mul3A_349 : vector<16xi32>
        %eq3A = arith.constant 0 : i32
        %eq3A_351 = vector.broadcast %eq3A : i32 to vector<16xi32>
        %eq3A_352 = arith.cmpi eq, %sub3A, %eq3A_351 : vector<16xi32>
        %add3A_353 = arith.constant 1 : i32
        %add3A_354 = vector.broadcast %add3A_353 : i32 to vector<16xi32>
        %add3A_355 = arith.addi %mul3A_350, %add3A_354 : vector<16xi32>
        %add3A_356 = arith.addi %add3A_355, %gather3A : vector<16xi32>
        %jit3A = arith.constant 112 : i32
        %broadcast_in_dim3A = vector.broadcast %jit3A : i32 to vector<16xi32>
        %select_n3A = arith.select %lt3A_347, %add3A_356, %broadcast_in_dim3A : vector<16xi1>, vector<16xi32>
        %select_n3A_357 = arith.select %eq3A_352, %mul3A_350, %select_n3A : vector<16xi1>, vector<16xi32>
        %mul3A_358 = arith.constant 64 : i32
        %mul3A_359 = vector.broadcast %mul3A_358 : i32 to vector<16xi32>
        %mul3A_360 = arith.muli %select_n3A_357, %mul3A_359 : vector<16xi32>
        %mul3A_361 = arith.constant 4096 : i32
        %mul3A_362 = vector.broadcast %mul3A_361 : i32 to vector<16xi32>
        %mul3A_363 = arith.muli %div3A_332, %mul3A_362 : vector<16xi32>
        %mul3A_364 = arith.constant 128 : i32
        %mul3A_365 = vector.broadcast %mul3A_364 : i32 to vector<16xi32>
        %mul3A_366 = arith.muli %sub3A, %mul3A_365 : vector<16xi32>
        %add3A_367 = arith.addi %mul3A_363, %mul3A_366 : vector<16xi32>
        %lt3A_368 = arith.constant 216 : i32
        %lt3A_369 = vector.broadcast %lt3A_368 : i32 to vector<16xi32>
        %lt3A_370 = arith.cmpi slt, %add3A_328, %lt3A_369 : vector<16xi32>
        %add3A_371 = arith.constant 0 : i32
        %add3A_372 = vector.broadcast %add3A_371 : i32 to vector<16xi32>
        %add3A_373 = arith.addi %iota3A, %add3A_372 : vector<16xi32>
        %and3A = arith.constant 63 : i32
        %and3A_374 = vector.broadcast %and3A : i32 to vector<16xi32>
        %and3A_375 = arith.andi %add3A_373, %and3A_374 : vector<16xi32>
        %add3A_376 = arith.addi %mul3A_360, %and3A_375 : vector<16xi32>
        %gather3A_377 = tpu.vector_load_idx %arg9[%add3A_376] : memref<7232xf32, #tpu.memory_space<vmem>>[vector<16xi32>], vector<16xf32>,
        %add3A_378 = arith.addi %add3A_367, %and3A_375 : vector<16xi32>
        tpu.vector_store_idx %arg11[%add3A_378], %gather3A_377 masked %lt3A_370 : memref<32768xf32, #tpu.memory_space<vmem>>[vector<16xi32>], vector<16xf32>, vector<16xi1>
        %add3A_379 = arith.constant 1 : i32
        %add3A_380 = vector.broadcast %add3A_379 : i32 to vector<16xi32>
        %add3A_381 = arith.addi %iota3A, %add3A_380 : vector<16xi32>
        %and3A_382 = arith.constant 63 : i32
        %and3A_383 = vector.broadcast %and3A_382 : i32 to vector<16xi32>
        %and3A_384 = arith.andi %add3A_381, %and3A_383 : vector<16xi32>
        %add3A_385 = arith.addi %mul3A_360, %and3A_384 : vector<16xi32>
        %gather3A_386 = tpu.vector_load_idx %arg9[%add3A_385] : memref<7232xf32, #tpu.memory_space<vmem>>[vector<16xi32>], vector<16xf32>,
        %add3A_387 = arith.addi %add3A_367, %and3A_384 : vector<16xi32>
        tpu.vector_store_idx %arg11[%add3A_387], %gather3A_386 masked %lt3A_370 : memref<32768xf32, #tpu.memory_space<vmem>>[vector<16xi32>], vector<16xf32>, vector<16xi1>
        %add3A_388 = arith.constant 2 : i32
        %add3A_389 = vector.broadcast %add3A_388 : i32 to vector<16xi32>
        %add3A_390 = arith.addi %iota3A, %add3A_389 : vector<16xi32>
        %and3A_391 = arith.constant 63 : i32
        %and3A_392 = vector.broadcast %and3A_391 : i32 to vector<16xi32>
        %and3A_393 = arith.andi %add3A_390, %and3A_392 : vector<16xi32>
        %add3A_394 = arith.addi %mul3A_360, %and3A_393 : vector<16xi32>
        %gather3A_395 = tpu.vector_load_idx %arg9[%add3A_394] : memref<7232xf32, #tpu.memory_space<vmem>>[vector<16xi32>], vector<16xf32>,
        %add3A_396 = arith.addi %add3A_367, %and3A_393 : vector<16xi32>
        tpu.vector_store_idx %arg11[%add3A_396], %gather3A_395 masked %lt3A_370 : memref<32768xf32, #tpu.memory_space<vmem>>[vector<16xi32>], vector<16xf32>, vector<16xi1>
        %add3A_397 = arith.constant 3 : i32
        %add3A_398 = vector.broadcast %add3A_397 : i32 to vector<16xi32>
        %add3A_399 = arith.addi %iota3A, %add3A_398 : vector<16xi32>
        %and3A_400 = arith.constant 63 : i32
        %and3A_401 = vector.broadcast %and3A_400 : i32 to vector<16xi32>
        %and3A_402 = arith.andi %add3A_399, %and3A_401 : vector<16xi32>
        %add3A_403 = arith.addi %mul3A_360, %and3A_402 : vector<16xi32>
        %gather3A_404 = tpu.vector_load_idx %arg9[%add3A_403] : memref<7232xf32, #tpu.memory_space<vmem>>[vector<16xi32>], vector<16xf32>,
        %add3A_405 = arith.addi %add3A_367, %and3A_402 : vector<16xi32>
        tpu.vector_store_idx %arg11[%add3A_405], %gather3A_404 masked %lt3A_370 : memref<32768xf32, #tpu.memory_space<vmem>>[vector<16xi32>], vector<16xf32>, vector<16xi1>
        %add3A_406 = arith.constant 4 : i32
        %add3A_407 = vector.broadcast %add3A_406 : i32 to vector<16xi32>
        %add3A_408 = arith.addi %iota3A, %add3A_407 : vector<16xi32>
        %and3A_409 = arith.constant 63 : i32
        %and3A_410 = vector.broadcast %and3A_409 : i32 to vector<16xi32>
        %and3A_411 = arith.andi %add3A_408, %and3A_410 : vector<16xi32>
        %add3A_412 = arith.addi %mul3A_360, %and3A_411 : vector<16xi32>
        %gather3A_413 = tpu.vector_load_idx %arg9[%add3A_412] : memref<7232xf32, #tpu.memory_space<vmem>>[vector<16xi32>], vector<16xf32>,
        %add3A_414 = arith.addi %add3A_367, %and3A_411 : vector<16xi32>
        tpu.vector_store_idx %arg11[%add3A_414], %gather3A_413 masked %lt3A_370 : memref<32768xf32, #tpu.memory_space<vmem>>[vector<16xi32>], vector<16xf32>, vector<16xi1>
        %add3A_415 = arith.constant 5 : i32
        %add3A_416 = vector.broadcast %add3A_415 : i32 to vector<16xi32>
        %add3A_417 = arith.addi %iota3A, %add3A_416 : vector<16xi32>
        %and3A_418 = arith.constant 63 : i32
        %and3A_419 = vector.broadcast %and3A_418 : i32 to vector<16xi32>
        %and3A_420 = arith.andi %add3A_417, %and3A_419 : vector<16xi32>
        %add3A_421 = arith.addi %mul3A_360, %and3A_420 : vector<16xi32>
        %gather3A_422 = tpu.vector_load_idx %arg9[%add3A_421] : memref<7232xf32, #tpu.memory_space<vmem>>[vector<16xi32>], vector<16xf32>,
        %add3A_423 = arith.addi %add3A_367, %and3A_420 : vector<16xi32>
        tpu.vector_store_idx %arg11[%add3A_423], %gather3A_422 masked %lt3A_370 : memref<32768xf32, #tpu.memory_space<vmem>>[vector<16xi32>], vector<16xf32>, vector<16xi1>
        %add3A_424 = arith.constant 6 : i32
        %add3A_425 = vector.broadcast %add3A_424 : i32 to vector<16xi32>
        %add3A_426 = arith.addi %iota3A, %add3A_425 : vector<16xi32>
        %and3A_427 = arith.constant 63 : i32
        %and3A_428 = vector.broadcast %and3A_427 : i32 to vector<16xi32>
        %and3A_429 = arith.andi %add3A_426, %and3A_428 : vector<16xi32>
        %add3A_430 = arith.addi %mul3A_360, %and3A_429 : vector<16xi32>
        %gather3A_431 = tpu.vector_load_idx %arg9[%add3A_430] : memref<7232xf32, #tpu.memory_space<vmem>>[vector<16xi32>], vector<16xf32>,
        %add3A_432 = arith.addi %add3A_367, %and3A_429 : vector<16xi32>
        tpu.vector_store_idx %arg11[%add3A_432], %gather3A_431 masked %lt3A_370 : memref<32768xf32, #tpu.memory_space<vmem>>[vector<16xi32>], vector<16xf32>, vector<16xi1>
        %add3A_433 = arith.constant 7 : i32
        %add3A_434 = vector.broadcast %add3A_433 : i32 to vector<16xi32>
        %add3A_435 = arith.addi %iota3A, %add3A_434 : vector<16xi32>
        %and3A_436 = arith.constant 63 : i32
        %and3A_437 = vector.broadcast %and3A_436 : i32 to vector<16xi32>
        %and3A_438 = arith.andi %add3A_435, %and3A_437 : vector<16xi32>
        %add3A_439 = arith.addi %mul3A_360, %and3A_438 : vector<16xi32>
        %gather3A_440 = tpu.vector_load_idx %arg9[%add3A_439] : memref<7232xf32, #tpu.memory_space<vmem>>[vector<16xi32>], vector<16xf32>,
        %add3A_441 = arith.addi %add3A_367, %and3A_438 : vector<16xi32>
        tpu.vector_store_idx %arg11[%add3A_441], %gather3A_440 masked %lt3A_370 : memref<32768xf32, #tpu.memory_space<vmem>>[vector<16xi32>], vector<16xf32>, vector<16xi1>
        %add3A_442 = arith.constant 8 : i32
        %add3A_443 = vector.broadcast %add3A_442 : i32 to vector<16xi32>
        %add3A_444 = arith.addi %iota3A, %add3A_443 : vector<16xi32>
        %and3A_445 = arith.constant 63 : i32
        %and3A_446 = vector.broadcast %and3A_445 : i32 to vector<16xi32>
        %and3A_447 = arith.andi %add3A_444, %and3A_446 : vector<16xi32>
        %add3A_448 = arith.addi %mul3A_360, %and3A_447 : vector<16xi32>
        %gather3A_449 = tpu.vector_load_idx %arg9[%add3A_448] : memref<7232xf32, #tpu.memory_space<vmem>>[vector<16xi32>], vector<16xf32>,
        %add3A_450 = arith.addi %add3A_367, %and3A_447 : vector<16xi32>
        tpu.vector_store_idx %arg11[%add3A_450], %gather3A_449 masked %lt3A_370 : memref<32768xf32, #tpu.memory_space<vmem>>[vector<16xi32>], vector<16xf32>, vector<16xi1>
        %add3A_451 = arith.constant 9 : i32
        %add3A_452 = vector.broadcast %add3A_451 : i32 to vector<16xi32>
        %add3A_453 = arith.addi %iota3A, %add3A_452 : vector<16xi32>
        %and3A_454 = arith.constant 63 : i32
        %and3A_455 = vector.broadcast %and3A_454 : i32 to vector<16xi32>
        %and3A_456 = arith.andi %add3A_453, %and3A_455 : vector<16xi32>
        %add3A_457 = arith.addi %mul3A_360, %and3A_456 : vector<16xi32>
        %gather3A_458 = tpu.vector_load_idx %arg9[%add3A_457] : memref<7232xf32, #tpu.memory_space<vmem>>[vector<16xi32>], vector<16xf32>,
        %add3A_459 = arith.addi %add3A_367, %and3A_456 : vector<16xi32>
        tpu.vector_store_idx %arg11[%add3A_459], %gather3A_458 masked %lt3A_370 : memref<32768xf32, #tpu.memory_space<vmem>>[vector<16xi32>], vector<16xf32>, vector<16xi1>
        %add3A_460 = arith.constant 10 : i32
        %add3A_461 = vector.broadcast %add3A_460 : i32 to vector<16xi32>
        %add3A_462 = arith.addi %iota3A, %add3A_461 : vector<16xi32>
        %and3A_463 = arith.constant 63 : i32
        %and3A_464 = vector.broadcast %and3A_463 : i32 to vector<16xi32>
        %and3A_465 = arith.andi %add3A_462, %and3A_464 : vector<16xi32>
        %add3A_466 = arith.addi %mul3A_360, %and3A_465 : vector<16xi32>
        %gather3A_467 = tpu.vector_load_idx %arg9[%add3A_466] : memref<7232xf32, #tpu.memory_space<vmem>>[vector<16xi32>], vector<16xf32>,
        %add3A_468 = arith.addi %add3A_367, %and3A_465 : vector<16xi32>
        tpu.vector_store_idx %arg11[%add3A_468], %gather3A_467 masked %lt3A_370 : memref<32768xf32, #tpu.memory_space<vmem>>[vector<16xi32>], vector<16xf32>, vector<16xi1>
        %add3A_469 = arith.constant 11 : i32
        %add3A_470 = vector.broadcast %add3A_469 : i32 to vector<16xi32>
        %add3A_471 = arith.addi %iota3A, %add3A_470 : vector<16xi32>
        %and3A_472 = arith.constant 63 : i32
        %and3A_473 = vector.broadcast %and3A_472 : i32 to vector<16xi32>
        %and3A_474 = arith.andi %add3A_471, %and3A_473 : vector<16xi32>
        %add3A_475 = arith.addi %mul3A_360, %and3A_474 : vector<16xi32>
        %gather3A_476 = tpu.vector_load_idx %arg9[%add3A_475] : memref<7232xf32, #tpu.memory_space<vmem>>[vector<16xi32>], vector<16xf32>,
        %add3A_477 = arith.addi %add3A_367, %and3A_474 : vector<16xi32>
        tpu.vector_store_idx %arg11[%add3A_477], %gather3A_476 masked %lt3A_370 : memref<32768xf32, #tpu.memory_space<vmem>>[vector<16xi32>], vector<16xf32>, vector<16xi1>
        %add3A_478 = arith.constant 12 : i32
        %add3A_479 = vector.broadcast %add3A_478 : i32 to vector<16xi32>
        %add3A_480 = arith.addi %iota3A, %add3A_479 : vector<16xi32>
        %and3A_481 = arith.constant 63 : i32
        %and3A_482 = vector.broadcast %and3A_481 : i32 to vector<16xi32>
        %and3A_483 = arith.andi %add3A_480, %and3A_482 : vector<16xi32>
        %add3A_484 = arith.addi %mul3A_360, %and3A_483 : vector<16xi32>
        %gather3A_485 = tpu.vector_load_idx %arg9[%add3A_484] : memref<7232xf32, #tpu.memory_space<vmem>>[vector<16xi32>], vector<16xf32>,
        %add3A_486 = arith.addi %add3A_367, %and3A_483 : vector<16xi32>
        tpu.vector_store_idx %arg11[%add3A_486], %gather3A_485 masked %lt3A_370 : memref<32768xf32, #tpu.memory_space<vmem>>[vector<16xi32>], vector<16xf32>, vector<16xi1>
        %add3A_487 = arith.constant 13 : i32
        %add3A_488 = vector.broadcast %add3A_487 : i32 to vector<16xi32>
        %add3A_489 = arith.addi %iota3A, %add3A_488 : vector<16xi32>
        %and3A_490 = arith.constant 63 : i32
        %and3A_491 = vector.broadcast %and3A_490 : i32 to vector<16xi32>
        %and3A_492 = arith.andi %add3A_489, %and3A_491 : vector<16xi32>
        %add3A_493 = arith.addi %mul3A_360, %and3A_492 : vector<16xi32>
        %gather3A_494 = tpu.vector_load_idx %arg9[%add3A_493] : memref<7232xf32, #tpu.memory_space<vmem>>[vector<16xi32>], vector<16xf32>,
        %add3A_495 = arith.addi %add3A_367, %and3A_492 : vector<16xi32>
        tpu.vector_store_idx %arg11[%add3A_495], %gather3A_494 masked %lt3A_370 : memref<32768xf32, #tpu.memory_space<vmem>>[vector<16xi32>], vector<16xf32>, vector<16xi1>
        %add3A_496 = arith.constant 14 : i32
        %add3A_497 = vector.broadcast %add3A_496 : i32 to vector<16xi32>
        %add3A_498 = arith.addi %iota3A, %add3A_497 : vector<16xi32>
        %and3A_499 = arith.constant 63 : i32
        %and3A_500 = vector.broadcast %and3A_499 : i32 to vector<16xi32>
        %and3A_501 = arith.andi %add3A_498, %and3A_500 : vector<16xi32>
        %add3A_502 = arith.addi %mul3A_360, %and3A_501 : vector<16xi32>
        %gather3A_503 = tpu.vector_load_idx %arg9[%add3A_502] : memref<7232xf32, #tpu.memory_space<vmem>>[vector<16xi32>], vector<16xf32>,
        %add3A_504 = arith.addi %add3A_367, %and3A_501 : vector<16xi32>
        tpu.vector_store_idx %arg11[%add3A_504], %gather3A_503 masked %lt3A_370 : memref<32768xf32, #tpu.memory_space<vmem>>[vector<16xi32>], vector<16xf32>, vector<16xi1>
        %add3A_505 = arith.constant 15 : i32
        %add3A_506 = vector.broadcast %add3A_505 : i32 to vector<16xi32>
        %add3A_507 = arith.addi %iota3A, %add3A_506 : vector<16xi32>
        %and3A_508 = arith.constant 63 : i32
        %and3A_509 = vector.broadcast %and3A_508 : i32 to vector<16xi32>
        %and3A_510 = arith.andi %add3A_507, %and3A_509 : vector<16xi32>
        %add3A_511 = arith.addi %mul3A_360, %and3A_510 : vector<16xi32>
        %gather3A_512 = tpu.vector_load_idx %arg9[%add3A_511] : memref<7232xf32, #tpu.memory_space<vmem>>[vector<16xi32>], vector<16xf32>,
        %add3A_513 = arith.addi %add3A_367, %and3A_510 : vector<16xi32>
        tpu.vector_store_idx %arg11[%add3A_513], %gather3A_512 masked %lt3A_370 : memref<32768xf32, #tpu.memory_space<vmem>>[vector<16xi32>], vector<16xf32>, vector<16xi1>
        %add3A_514 = arith.constant 16 : i32
        %add3A_515 = vector.broadcast %add3A_514 : i32 to vector<16xi32>
        %add3A_516 = arith.addi %iota3A, %add3A_515 : vector<16xi32>
        %and3A_517 = arith.constant 63 : i32
        %and3A_518 = vector.broadcast %and3A_517 : i32 to vector<16xi32>
        %and3A_519 = arith.andi %add3A_516, %and3A_518 : vector<16xi32>
        %add3A_520 = arith.addi %mul3A_360, %and3A_519 : vector<16xi32>
        %gather3A_521 = tpu.vector_load_idx %arg9[%add3A_520] : memref<7232xf32, #tpu.memory_space<vmem>>[vector<16xi32>], vector<16xf32>,
        %add3A_522 = arith.addi %add3A_367, %and3A_519 : vector<16xi32>
        tpu.vector_store_idx %arg11[%add3A_522], %gather3A_521 masked %lt3A_370 : memref<32768xf32, #tpu.memory_space<vmem>>[vector<16xi32>], vector<16xf32>, vector<16xi1>
        %add3A_523 = arith.constant 17 : i32
        %add3A_524 = vector.broadcast %add3A_523 : i32 to vector<16xi32>
        %add3A_525 = arith.addi %iota3A, %add3A_524 : vector<16xi32>
        %and3A_526 = arith.constant 63 : i32
        %and3A_527 = vector.broadcast %and3A_526 : i32 to vector<16xi32>
        %and3A_528 = arith.andi %add3A_525, %and3A_527 : vector<16xi32>
        %add3A_529 = arith.addi %mul3A_360, %and3A_528 : vector<16xi32>
        %gather3A_530 = tpu.vector_load_idx %arg9[%add3A_529] : memref<7232xf32, #tpu.memory_space<vmem>>[vector<16xi32>], vector<16xf32>,
        %add3A_531 = arith.addi %add3A_367, %and3A_528 : vector<16xi32>
        tpu.vector_store_idx %arg11[%add3A_531], %gather3A_530 masked %lt3A_370 : memref<32768xf32, #tpu.memory_space<vmem>>[vector<16xi32>], vector<16xf32>, vector<16xi1>
        %add3A_532 = arith.constant 18 : i32
        %add3A_533 = vector.broadcast %add3A_532 : i32 to vector<16xi32>
        %add3A_534 = arith.addi %iota3A, %add3A_533 : vector<16xi32>
        %and3A_535 = arith.constant 63 : i32
        %and3A_536 = vector.broadcast %and3A_535 : i32 to vector<16xi32>
        %and3A_537 = arith.andi %add3A_534, %and3A_536 : vector<16xi32>
        %add3A_538 = arith.addi %mul3A_360, %and3A_537 : vector<16xi32>
        %gather3A_539 = tpu.vector_load_idx %arg9[%add3A_538] : memref<7232xf32, #tpu.memory_space<vmem>>[vector<16xi32>], vector<16xf32>,
        %add3A_540 = arith.addi %add3A_367, %and3A_537 : vector<16xi32>
        tpu.vector_store_idx %arg11[%add3A_540], %gather3A_539 masked %lt3A_370 : memref<32768xf32, #tpu.memory_space<vmem>>[vector<16xi32>], vector<16xf32>, vector<16xi1>
        %add3A_541 = arith.constant 19 : i32
        %add3A_542 = vector.broadcast %add3A_541 : i32 to vector<16xi32>
        %add3A_543 = arith.addi %iota3A, %add3A_542 : vector<16xi32>
        %and3A_544 = arith.constant 63 : i32
        %and3A_545 = vector.broadcast %and3A_544 : i32 to vector<16xi32>
        %and3A_546 = arith.andi %add3A_543, %and3A_545 : vector<16xi32>
        %add3A_547 = arith.addi %mul3A_360, %and3A_546 : vector<16xi32>
        %gather3A_548 = tpu.vector_load_idx %arg9[%add3A_547] : memref<7232xf32, #tpu.memory_space<vmem>>[vector<16xi32>], vector<16xf32>,
        %add3A_549 = arith.addi %add3A_367, %and3A_546 : vector<16xi32>
        tpu.vector_store_idx %arg11[%add3A_549], %gather3A_548 masked %lt3A_370 : memref<32768xf32, #tpu.memory_space<vmem>>[vector<16xi32>], vector<16xf32>, vector<16xi1>
        %add3A_550 = arith.constant 20 : i32
        %add3A_551 = vector.broadcast %add3A_550 : i32 to vector<16xi32>
        %add3A_552 = arith.addi %iota3A, %add3A_551 : vector<16xi32>
        %and3A_553 = arith.constant 63 : i32
        %and3A_554 = vector.broadcast %and3A_553 : i32 to vector<16xi32>
        %and3A_555 = arith.andi %add3A_552, %and3A_554 : vector<16xi32>
        %add3A_556 = arith.addi %mul3A_360, %and3A_555 : vector<16xi32>
        %gather3A_557 = tpu.vector_load_idx %arg9[%add3A_556] : memref<7232xf32, #tpu.memory_space<vmem>>[vector<16xi32>], vector<16xf32>,
        %add3A_558 = arith.addi %add3A_367, %and3A_555 : vector<16xi32>
        tpu.vector_store_idx %arg11[%add3A_558], %gather3A_557 masked %lt3A_370 : memref<32768xf32, #tpu.memory_space<vmem>>[vector<16xi32>], vector<16xf32>, vector<16xi1>
        %add3A_559 = arith.constant 21 : i32
        %add3A_560 = vector.broadcast %add3A_559 : i32 to vector<16xi32>
        %add3A_561 = arith.addi %iota3A, %add3A_560 : vector<16xi32>
        %and3A_562 = arith.constant 63 : i32
        %and3A_563 = vector.broadcast %and3A_562 : i32 to vector<16xi32>
        %and3A_564 = arith.andi %add3A_561, %and3A_563 : vector<16xi32>
        %add3A_565 = arith.addi %mul3A_360, %and3A_564 : vector<16xi32>
        %gather3A_566 = tpu.vector_load_idx %arg9[%add3A_565] : memref<7232xf32, #tpu.memory_space<vmem>>[vector<16xi32>], vector<16xf32>,
        %add3A_567 = arith.addi %add3A_367, %and3A_564 : vector<16xi32>
        tpu.vector_store_idx %arg11[%add3A_567], %gather3A_566 masked %lt3A_370 : memref<32768xf32, #tpu.memory_space<vmem>>[vector<16xi32>], vector<16xf32>, vector<16xi1>
        %add3A_568 = arith.constant 22 : i32
        %add3A_569 = vector.broadcast %add3A_568 : i32 to vector<16xi32>
        %add3A_570 = arith.addi %iota3A, %add3A_569 : vector<16xi32>
        %and3A_571 = arith.constant 63 : i32
        %and3A_572 = vector.broadcast %and3A_571 : i32 to vector<16xi32>
        %and3A_573 = arith.andi %add3A_570, %and3A_572 : vector<16xi32>
        %add3A_574 = arith.addi %mul3A_360, %and3A_573 : vector<16xi32>
        %gather3A_575 = tpu.vector_load_idx %arg9[%add3A_574] : memref<7232xf32, #tpu.memory_space<vmem>>[vector<16xi32>], vector<16xf32>,
        %add3A_576 = arith.addi %add3A_367, %and3A_573 : vector<16xi32>
        tpu.vector_store_idx %arg11[%add3A_576], %gather3A_575 masked %lt3A_370 : memref<32768xf32, #tpu.memory_space<vmem>>[vector<16xi32>], vector<16xf32>, vector<16xi1>
        %add3A_577 = arith.constant 23 : i32
        %add3A_578 = vector.broadcast %add3A_577 : i32 to vector<16xi32>
        %add3A_579 = arith.addi %iota3A, %add3A_578 : vector<16xi32>
        %and3A_580 = arith.constant 63 : i32
        %and3A_581 = vector.broadcast %and3A_580 : i32 to vector<16xi32>
        %and3A_582 = arith.andi %add3A_579, %and3A_581 : vector<16xi32>
        %add3A_583 = arith.addi %mul3A_360, %and3A_582 : vector<16xi32>
        %gather3A_584 = tpu.vector_load_idx %arg9[%add3A_583] : memref<7232xf32, #tpu.memory_space<vmem>>[vector<16xi32>], vector<16xf32>,
        %add3A_585 = arith.addi %add3A_367, %and3A_582 : vector<16xi32>
        tpu.vector_store_idx %arg11[%add3A_585], %gather3A_584 masked %lt3A_370 : memref<32768xf32, #tpu.memory_space<vmem>>[vector<16xi32>], vector<16xf32>, vector<16xi1>
        %add3A_586 = arith.constant 24 : i32
        %add3A_587 = vector.broadcast %add3A_586 : i32 to vector<16xi32>
        %add3A_588 = arith.addi %iota3A, %add3A_587 : vector<16xi32>
        %and3A_589 = arith.constant 63 : i32
        %and3A_590 = vector.broadcast %and3A_589 : i32 to vector<16xi32>
        %and3A_591 = arith.andi %add3A_588, %and3A_590 : vector<16xi32>
        %add3A_592 = arith.addi %mul3A_360, %and3A_591 : vector<16xi32>
        %gather3A_593 = tpu.vector_load_idx %arg9[%add3A_592] : memref<7232xf32, #tpu.memory_space<vmem>>[vector<16xi32>], vector<16xf32>,
        %add3A_594 = arith.addi %add3A_367, %and3A_591 : vector<16xi32>
        tpu.vector_store_idx %arg11[%add3A_594], %gather3A_593 masked %lt3A_370 : memref<32768xf32, #tpu.memory_space<vmem>>[vector<16xi32>], vector<16xf32>, vector<16xi1>
        %add3A_595 = arith.constant 25 : i32
        %add3A_596 = vector.broadcast %add3A_595 : i32 to vector<16xi32>
        %add3A_597 = arith.addi %iota3A, %add3A_596 : vector<16xi32>
        %and3A_598 = arith.constant 63 : i32
        %and3A_599 = vector.broadcast %and3A_598 : i32 to vector<16xi32>
        %and3A_600 = arith.andi %add3A_597, %and3A_599 : vector<16xi32>
        %add3A_601 = arith.addi %mul3A_360, %and3A_600 : vector<16xi32>
        %gather3A_602 = tpu.vector_load_idx %arg9[%add3A_601] : memref<7232xf32, #tpu.memory_space<vmem>>[vector<16xi32>], vector<16xf32>,
        %add3A_603 = arith.addi %add3A_367, %and3A_600 : vector<16xi32>
        tpu.vector_store_idx %arg11[%add3A_603], %gather3A_602 masked %lt3A_370 : memref<32768xf32, #tpu.memory_space<vmem>>[vector<16xi32>], vector<16xf32>, vector<16xi1>
        %add3A_604 = arith.constant 26 : i32
        %add3A_605 = vector.broadcast %add3A_604 : i32 to vector<16xi32>
        %add3A_606 = arith.addi %iota3A, %add3A_605 : vector<16xi32>
        %and3A_607 = arith.constant 63 : i32
        %and3A_608 = vector.broadcast %and3A_607 : i32 to vector<16xi32>
        %and3A_609 = arith.andi %add3A_606, %and3A_608 : vector<16xi32>
        %add3A_610 = arith.addi %mul3A_360, %and3A_609 : vector<16xi32>
        %gather3A_611 = tpu.vector_load_idx %arg9[%add3A_610] : memref<7232xf32, #tpu.memory_space<vmem>>[vector<16xi32>], vector<16xf32>,
        %add3A_612 = arith.addi %add3A_367, %and3A_609 : vector<16xi32>
        tpu.vector_store_idx %arg11[%add3A_612], %gather3A_611 masked %lt3A_370 : memref<32768xf32, #tpu.memory_space<vmem>>[vector<16xi32>], vector<16xf32>, vector<16xi1>
        %add3A_613 = arith.constant 27 : i32
        %add3A_614 = vector.broadcast %add3A_613 : i32 to vector<16xi32>
        %add3A_615 = arith.addi %iota3A, %add3A_614 : vector<16xi32>
        %and3A_616 = arith.constant 63 : i32
        %and3A_617 = vector.broadcast %and3A_616 : i32 to vector<16xi32>
        %and3A_618 = arith.andi %add3A_615, %and3A_617 : vector<16xi32>
        %add3A_619 = arith.addi %mul3A_360, %and3A_618 : vector<16xi32>
        %gather3A_620 = tpu.vector_load_idx %arg9[%add3A_619] : memref<7232xf32, #tpu.memory_space<vmem>>[vector<16xi32>], vector<16xf32>,
        %add3A_621 = arith.addi %add3A_367, %and3A_618 : vector<16xi32>
        tpu.vector_store_idx %arg11[%add3A_621], %gather3A_620 masked %lt3A_370 : memref<32768xf32, #tpu.memory_space<vmem>>[vector<16xi32>], vector<16xf32>, vector<16xi1>
        %add3A_622 = arith.constant 28 : i32
        %add3A_623 = vector.broadcast %add3A_622 : i32 to vector<16xi32>
        %add3A_624 = arith.addi %iota3A, %add3A_623 : vector<16xi32>
        %and3A_625 = arith.constant 63 : i32
        %and3A_626 = vector.broadcast %and3A_625 : i32 to vector<16xi32>
        %and3A_627 = arith.andi %add3A_624, %and3A_626 : vector<16xi32>
        %add3A_628 = arith.addi %mul3A_360, %and3A_627 : vector<16xi32>
        %gather3A_629 = tpu.vector_load_idx %arg9[%add3A_628] : memref<7232xf32, #tpu.memory_space<vmem>>[vector<16xi32>], vector<16xf32>,
        %add3A_630 = arith.addi %add3A_367, %and3A_627 : vector<16xi32>
        tpu.vector_store_idx %arg11[%add3A_630], %gather3A_629 masked %lt3A_370 : memref<32768xf32, #tpu.memory_space<vmem>>[vector<16xi32>], vector<16xf32>, vector<16xi1>
        %add3A_631 = arith.constant 29 : i32
        %add3A_632 = vector.broadcast %add3A_631 : i32 to vector<16xi32>
        %add3A_633 = arith.addi %iota3A, %add3A_632 : vector<16xi32>
        %and3A_634 = arith.constant 63 : i32
        %and3A_635 = vector.broadcast %and3A_634 : i32 to vector<16xi32>
        %and3A_636 = arith.andi %add3A_633, %and3A_635 : vector<16xi32>
        %add3A_637 = arith.addi %mul3A_360, %and3A_636 : vector<16xi32>
        %gather3A_638 = tpu.vector_load_idx %arg9[%add3A_637] : memref<7232xf32, #tpu.memory_space<vmem>>[vector<16xi32>], vector<16xf32>,
        %add3A_639 = arith.addi %add3A_367, %and3A_636 : vector<16xi32>
        tpu.vector_store_idx %arg11[%add3A_639], %gather3A_638 masked %lt3A_370 : memref<32768xf32, #tpu.memory_space<vmem>>[vector<16xi32>], vector<16xf32>, vector<16xi1>
        %add3A_640 = arith.constant 30 : i32
        %add3A_641 = vector.broadcast %add3A_640 : i32 to vector<16xi32>
        %add3A_642 = arith.addi %iota3A, %add3A_641 : vector<16xi32>
        %and3A_643 = arith.constant 63 : i32
        %and3A_644 = vector.broadcast %and3A_643 : i32 to vector<16xi32>
        %and3A_645 = arith.andi %add3A_642, %and3A_644 : vector<16xi32>
        %add3A_646 = arith.addi %mul3A_360, %and3A_645 : vector<16xi32>
        %gather3A_647 = tpu.vector_load_idx %arg9[%add3A_646] : memref<7232xf32, #tpu.memory_space<vmem>>[vector<16xi32>], vector<16xf32>,
        %add3A_648 = arith.addi %add3A_367, %and3A_645 : vector<16xi32>
        tpu.vector_store_idx %arg11[%add3A_648], %gather3A_647 masked %lt3A_370 : memref<32768xf32, #tpu.memory_space<vmem>>[vector<16xi32>], vector<16xf32>, vector<16xi1>
        %add3A_649 = arith.constant 31 : i32
        %add3A_650 = vector.broadcast %add3A_649 : i32 to vector<16xi32>
        %add3A_651 = arith.addi %iota3A, %add3A_650 : vector<16xi32>
        %and3A_652 = arith.constant 63 : i32
        %and3A_653 = vector.broadcast %and3A_652 : i32 to vector<16xi32>
        %and3A_654 = arith.andi %add3A_651, %and3A_653 : vector<16xi32>
        %add3A_655 = arith.addi %mul3A_360, %and3A_654 : vector<16xi32>
        %gather3A_656 = tpu.vector_load_idx %arg9[%add3A_655] : memref<7232xf32, #tpu.memory_space<vmem>>[vector<16xi32>], vector<16xf32>,
        %add3A_657 = arith.addi %add3A_367, %and3A_654 : vector<16xi32>
        tpu.vector_store_idx %arg11[%add3A_657], %gather3A_656 masked %lt3A_370 : memref<32768xf32, #tpu.memory_space<vmem>>[vector<16xi32>], vector<16xf32>, vector<16xi1>
        %add3A_658 = arith.constant 32 : i32
        %add3A_659 = vector.broadcast %add3A_658 : i32 to vector<16xi32>
        %add3A_660 = arith.addi %iota3A, %add3A_659 : vector<16xi32>
        %and3A_661 = arith.constant 63 : i32
        %and3A_662 = vector.broadcast %and3A_661 : i32 to vector<16xi32>
        %and3A_663 = arith.andi %add3A_660, %and3A_662 : vector<16xi32>
        %add3A_664 = arith.addi %mul3A_360, %and3A_663 : vector<16xi32>
        %gather3A_665 = tpu.vector_load_idx %arg9[%add3A_664] : memref<7232xf32, #tpu.memory_space<vmem>>[vector<16xi32>], vector<16xf32>,
        %add3A_666 = arith.addi %add3A_367, %and3A_663 : vector<16xi32>
        tpu.vector_store_idx %arg11[%add3A_666], %gather3A_665 masked %lt3A_370 : memref<32768xf32, #tpu.memory_space<vmem>>[vector<16xi32>], vector<16xf32>, vector<16xi1>
        %add3A_667 = arith.constant 33 : i32
        %add3A_668 = vector.broadcast %add3A_667 : i32 to vector<16xi32>
        %add3A_669 = arith.addi %iota3A, %add3A_668 : vector<16xi32>
        %and3A_670 = arith.constant 63 : i32
        %and3A_671 = vector.broadcast %and3A_670 : i32 to vector<16xi32>
        %and3A_672 = arith.andi %add3A_669, %and3A_671 : vector<16xi32>
        %add3A_673 = arith.addi %mul3A_360, %and3A_672 : vector<16xi32>
        %gather3A_674 = tpu.vector_load_idx %arg9[%add3A_673] : memref<7232xf32, #tpu.memory_space<vmem>>[vector<16xi32>], vector<16xf32>,
        %add3A_675 = arith.addi %add3A_367, %and3A_672 : vector<16xi32>
        tpu.vector_store_idx %arg11[%add3A_675], %gather3A_674 masked %lt3A_370 : memref<32768xf32, #tpu.memory_space<vmem>>[vector<16xi32>], vector<16xf32>, vector<16xi1>
        %add3A_676 = arith.constant 34 : i32
        %add3A_677 = vector.broadcast %add3A_676 : i32 to vector<16xi32>
        %add3A_678 = arith.addi %iota3A, %add3A_677 : vector<16xi32>
        %and3A_679 = arith.constant 63 : i32
        %and3A_680 = vector.broadcast %and3A_679 : i32 to vector<16xi32>
        %and3A_681 = arith.andi %add3A_678, %and3A_680 : vector<16xi32>
        %add3A_682 = arith.addi %mul3A_360, %and3A_681 : vector<16xi32>
        %gather3A_683 = tpu.vector_load_idx %arg9[%add3A_682] : memref<7232xf32, #tpu.memory_space<vmem>>[vector<16xi32>], vector<16xf32>,
        %add3A_684 = arith.addi %add3A_367, %and3A_681 : vector<16xi32>
        tpu.vector_store_idx %arg11[%add3A_684], %gather3A_683 masked %lt3A_370 : memref<32768xf32, #tpu.memory_space<vmem>>[vector<16xi32>], vector<16xf32>, vector<16xi1>
        %add3A_685 = arith.constant 35 : i32
        %add3A_686 = vector.broadcast %add3A_685 : i32 to vector<16xi32>
        %add3A_687 = arith.addi %iota3A, %add3A_686 : vector<16xi32>
        %and3A_688 = arith.constant 63 : i32
        %and3A_689 = vector.broadcast %and3A_688 : i32 to vector<16xi32>
        %and3A_690 = arith.andi %add3A_687, %and3A_689 : vector<16xi32>
        %add3A_691 = arith.addi %mul3A_360, %and3A_690 : vector<16xi32>
        %gather3A_692 = tpu.vector_load_idx %arg9[%add3A_691] : memref<7232xf32, #tpu.memory_space<vmem>>[vector<16xi32>], vector<16xf32>,
        %add3A_693 = arith.addi %add3A_367, %and3A_690 : vector<16xi32>
        tpu.vector_store_idx %arg11[%add3A_693], %gather3A_692 masked %lt3A_370 : memref<32768xf32, #tpu.memory_space<vmem>>[vector<16xi32>], vector<16xf32>, vector<16xi1>
        %add3A_694 = arith.constant 36 : i32
        %add3A_695 = vector.broadcast %add3A_694 : i32 to vector<16xi32>
        %add3A_696 = arith.addi %iota3A, %add3A_695 : vector<16xi32>
        %and3A_697 = arith.constant 63 : i32
        %and3A_698 = vector.broadcast %and3A_697 : i32 to vector<16xi32>
        %and3A_699 = arith.andi %add3A_696, %and3A_698 : vector<16xi32>
        %add3A_700 = arith.addi %mul3A_360, %and3A_699 : vector<16xi32>
        %gather3A_701 = tpu.vector_load_idx %arg9[%add3A_700] : memref<7232xf32, #tpu.memory_space<vmem>>[vector<16xi32>], vector<16xf32>,
        %add3A_702 = arith.addi %add3A_367, %and3A_699 : vector<16xi32>
        tpu.vector_store_idx %arg11[%add3A_702], %gather3A_701 masked %lt3A_370 : memref<32768xf32, #tpu.memory_space<vmem>>[vector<16xi32>], vector<16xf32>, vector<16xi1>
        %add3A_703 = arith.constant 37 : i32
        %add3A_704 = vector.broadcast %add3A_703 : i32 to vector<16xi32>
        %add3A_705 = arith.addi %iota3A, %add3A_704 : vector<16xi32>
        %and3A_706 = arith.constant 63 : i32
        %and3A_707 = vector.broadcast %and3A_706 : i32 to vector<16xi32>
        %and3A_708 = arith.andi %add3A_705, %and3A_707 : vector<16xi32>
        %add3A_709 = arith.addi %mul3A_360, %and3A_708 : vector<16xi32>
        %gather3A_710 = tpu.vector_load_idx %arg9[%add3A_709] : memref<7232xf32, #tpu.memory_space<vmem>>[vector<16xi32>], vector<16xf32>,
        %add3A_711 = arith.addi %add3A_367, %and3A_708 : vector<16xi32>
        tpu.vector_store_idx %arg11[%add3A_711], %gather3A_710 masked %lt3A_370 : memref<32768xf32, #tpu.memory_space<vmem>>[vector<16xi32>], vector<16xf32>, vector<16xi1>
        %add3A_712 = arith.constant 38 : i32
        %add3A_713 = vector.broadcast %add3A_712 : i32 to vector<16xi32>
        %add3A_714 = arith.addi %iota3A, %add3A_713 : vector<16xi32>
        %and3A_715 = arith.constant 63 : i32
        %and3A_716 = vector.broadcast %and3A_715 : i32 to vector<16xi32>
        %and3A_717 = arith.andi %add3A_714, %and3A_716 : vector<16xi32>
        %add3A_718 = arith.addi %mul3A_360, %and3A_717 : vector<16xi32>
        %gather3A_719 = tpu.vector_load_idx %arg9[%add3A_718] : memref<7232xf32, #tpu.memory_space<vmem>>[vector<16xi32>], vector<16xf32>,
        %add3A_720 = arith.addi %add3A_367, %and3A_717 : vector<16xi32>
        tpu.vector_store_idx %arg11[%add3A_720], %gather3A_719 masked %lt3A_370 : memref<32768xf32, #tpu.memory_space<vmem>>[vector<16xi32>], vector<16xf32>, vector<16xi1>
        %add3A_721 = arith.constant 39 : i32
        %add3A_722 = vector.broadcast %add3A_721 : i32 to vector<16xi32>
        %add3A_723 = arith.addi %iota3A, %add3A_722 : vector<16xi32>
        %and3A_724 = arith.constant 63 : i32
        %and3A_725 = vector.broadcast %and3A_724 : i32 to vector<16xi32>
        %and3A_726 = arith.andi %add3A_723, %and3A_725 : vector<16xi32>
        %add3A_727 = arith.addi %mul3A_360, %and3A_726 : vector<16xi32>
        %gather3A_728 = tpu.vector_load_idx %arg9[%add3A_727] : memref<7232xf32, #tpu.memory_space<vmem>>[vector<16xi32>], vector<16xf32>,
        %add3A_729 = arith.addi %add3A_367, %and3A_726 : vector<16xi32>
        tpu.vector_store_idx %arg11[%add3A_729], %gather3A_728 masked %lt3A_370 : memref<32768xf32, #tpu.memory_space<vmem>>[vector<16xi32>], vector<16xf32>, vector<16xi1>
        %add3A_730 = arith.constant 40 : i32
        %add3A_731 = vector.broadcast %add3A_730 : i32 to vector<16xi32>
        %add3A_732 = arith.addi %iota3A, %add3A_731 : vector<16xi32>
        %and3A_733 = arith.constant 63 : i32
        %and3A_734 = vector.broadcast %and3A_733 : i32 to vector<16xi32>
        %and3A_735 = arith.andi %add3A_732, %and3A_734 : vector<16xi32>
        %add3A_736 = arith.addi %mul3A_360, %and3A_735 : vector<16xi32>
        %gather3A_737 = tpu.vector_load_idx %arg9[%add3A_736] : memref<7232xf32, #tpu.memory_space<vmem>>[vector<16xi32>], vector<16xf32>,
        %add3A_738 = arith.addi %add3A_367, %and3A_735 : vector<16xi32>
        tpu.vector_store_idx %arg11[%add3A_738], %gather3A_737 masked %lt3A_370 : memref<32768xf32, #tpu.memory_space<vmem>>[vector<16xi32>], vector<16xf32>, vector<16xi1>
        %add3A_739 = arith.constant 41 : i32
        %add3A_740 = vector.broadcast %add3A_739 : i32 to vector<16xi32>
        %add3A_741 = arith.addi %iota3A, %add3A_740 : vector<16xi32>
        %and3A_742 = arith.constant 63 : i32
        %and3A_743 = vector.broadcast %and3A_742 : i32 to vector<16xi32>
        %and3A_744 = arith.andi %add3A_741, %and3A_743 : vector<16xi32>
        %add3A_745 = arith.addi %mul3A_360, %and3A_744 : vector<16xi32>
        %gather3A_746 = tpu.vector_load_idx %arg9[%add3A_745] : memref<7232xf32, #tpu.memory_space<vmem>>[vector<16xi32>], vector<16xf32>,
        %add3A_747 = arith.addi %add3A_367, %and3A_744 : vector<16xi32>
        tpu.vector_store_idx %arg11[%add3A_747], %gather3A_746 masked %lt3A_370 : memref<32768xf32, #tpu.memory_space<vmem>>[vector<16xi32>], vector<16xf32>, vector<16xi1>
        %add3A_748 = arith.constant 42 : i32
        %add3A_749 = vector.broadcast %add3A_748 : i32 to vector<16xi32>
        %add3A_750 = arith.addi %iota3A, %add3A_749 : vector<16xi32>
        %and3A_751 = arith.constant 63 : i32
        %and3A_752 = vector.broadcast %and3A_751 : i32 to vector<16xi32>
        %and3A_753 = arith.andi %add3A_750, %and3A_752 : vector<16xi32>
        %add3A_754 = arith.addi %mul3A_360, %and3A_753 : vector<16xi32>
        %gather3A_755 = tpu.vector_load_idx %arg9[%add3A_754] : memref<7232xf32, #tpu.memory_space<vmem>>[vector<16xi32>], vector<16xf32>,
        %add3A_756 = arith.addi %add3A_367, %and3A_753 : vector<16xi32>
        tpu.vector_store_idx %arg11[%add3A_756], %gather3A_755 masked %lt3A_370 : memref<32768xf32, #tpu.memory_space<vmem>>[vector<16xi32>], vector<16xf32>, vector<16xi1>
        %add3A_757 = arith.constant 43 : i32
        %add3A_758 = vector.broadcast %add3A_757 : i32 to vector<16xi32>
        %add3A_759 = arith.addi %iota3A, %add3A_758 : vector<16xi32>
        %and3A_760 = arith.constant 63 : i32
        %and3A_761 = vector.broadcast %and3A_760 : i32 to vector<16xi32>
        %and3A_762 = arith.andi %add3A_759, %and3A_761 : vector<16xi32>
        %add3A_763 = arith.addi %mul3A_360, %and3A_762 : vector<16xi32>
        %gather3A_764 = tpu.vector_load_idx %arg9[%add3A_763] : memref<7232xf32, #tpu.memory_space<vmem>>[vector<16xi32>], vector<16xf32>,
        %add3A_765 = arith.addi %add3A_367, %and3A_762 : vector<16xi32>
        tpu.vector_store_idx %arg11[%add3A_765], %gather3A_764 masked %lt3A_370 : memref<32768xf32, #tpu.memory_space<vmem>>[vector<16xi32>], vector<16xf32>, vector<16xi1>
        %add3A_766 = arith.constant 44 : i32
        %add3A_767 = vector.broadcast %add3A_766 : i32 to vector<16xi32>
        %add3A_768 = arith.addi %iota3A, %add3A_767 : vector<16xi32>
        %and3A_769 = arith.constant 63 : i32
        %and3A_770 = vector.broadcast %and3A_769 : i32 to vector<16xi32>
        %and3A_771 = arith.andi %add3A_768, %and3A_770 : vector<16xi32>
        %add3A_772 = arith.addi %mul3A_360, %and3A_771 : vector<16xi32>
        %gather3A_773 = tpu.vector_load_idx %arg9[%add3A_772] : memref<7232xf32, #tpu.memory_space<vmem>>[vector<16xi32>], vector<16xf32>,
        %add3A_774 = arith.addi %add3A_367, %and3A_771 : vector<16xi32>
        tpu.vector_store_idx %arg11[%add3A_774], %gather3A_773 masked %lt3A_370 : memref<32768xf32, #tpu.memory_space<vmem>>[vector<16xi32>], vector<16xf32>, vector<16xi1>
        %add3A_775 = arith.constant 45 : i32
        %add3A_776 = vector.broadcast %add3A_775 : i32 to vector<16xi32>
        %add3A_777 = arith.addi %iota3A, %add3A_776 : vector<16xi32>
        %and3A_778 = arith.constant 63 : i32
        %and3A_779 = vector.broadcast %and3A_778 : i32 to vector<16xi32>
        %and3A_780 = arith.andi %add3A_777, %and3A_779 : vector<16xi32>
        %add3A_781 = arith.addi %mul3A_360, %and3A_780 : vector<16xi32>
        %gather3A_782 = tpu.vector_load_idx %arg9[%add3A_781] : memref<7232xf32, #tpu.memory_space<vmem>>[vector<16xi32>], vector<16xf32>,
        %add3A_783 = arith.addi %add3A_367, %and3A_780 : vector<16xi32>
        tpu.vector_store_idx %arg11[%add3A_783], %gather3A_782 masked %lt3A_370 : memref<32768xf32, #tpu.memory_space<vmem>>[vector<16xi32>], vector<16xf32>, vector<16xi1>
        %add3A_784 = arith.constant 46 : i32
        %add3A_785 = vector.broadcast %add3A_784 : i32 to vector<16xi32>
        %add3A_786 = arith.addi %iota3A, %add3A_785 : vector<16xi32>
        %and3A_787 = arith.constant 63 : i32
        %and3A_788 = vector.broadcast %and3A_787 : i32 to vector<16xi32>
        %and3A_789 = arith.andi %add3A_786, %and3A_788 : vector<16xi32>
        %add3A_790 = arith.addi %mul3A_360, %and3A_789 : vector<16xi32>
        %gather3A_791 = tpu.vector_load_idx %arg9[%add3A_790] : memref<7232xf32, #tpu.memory_space<vmem>>[vector<16xi32>], vector<16xf32>,
        %add3A_792 = arith.addi %add3A_367, %and3A_789 : vector<16xi32>
        tpu.vector_store_idx %arg11[%add3A_792], %gather3A_791 masked %lt3A_370 : memref<32768xf32, #tpu.memory_space<vmem>>[vector<16xi32>], vector<16xf32>, vector<16xi1>
        %add3A_793 = arith.constant 47 : i32
        %add3A_794 = vector.broadcast %add3A_793 : i32 to vector<16xi32>
        %add3A_795 = arith.addi %iota3A, %add3A_794 : vector<16xi32>
        %and3A_796 = arith.constant 63 : i32
        %and3A_797 = vector.broadcast %and3A_796 : i32 to vector<16xi32>
        %and3A_798 = arith.andi %add3A_795, %and3A_797 : vector<16xi32>
        %add3A_799 = arith.addi %mul3A_360, %and3A_798 : vector<16xi32>
        %gather3A_800 = tpu.vector_load_idx %arg9[%add3A_799] : memref<7232xf32, #tpu.memory_space<vmem>>[vector<16xi32>], vector<16xf32>,
        %add3A_801 = arith.addi %add3A_367, %and3A_798 : vector<16xi32>
        tpu.vector_store_idx %arg11[%add3A_801], %gather3A_800 masked %lt3A_370 : memref<32768xf32, #tpu.memory_space<vmem>>[vector<16xi32>], vector<16xf32>, vector<16xi1>
        %add3A_802 = arith.constant 48 : i32
        %add3A_803 = vector.broadcast %add3A_802 : i32 to vector<16xi32>
        %add3A_804 = arith.addi %iota3A, %add3A_803 : vector<16xi32>
        %and3A_805 = arith.constant 63 : i32
        %and3A_806 = vector.broadcast %and3A_805 : i32 to vector<16xi32>
        %and3A_807 = arith.andi %add3A_804, %and3A_806 : vector<16xi32>
        %add3A_808 = arith.addi %mul3A_360, %and3A_807 : vector<16xi32>
        %gather3A_809 = tpu.vector_load_idx %arg9[%add3A_808] : memref<7232xf32, #tpu.memory_space<vmem>>[vector<16xi32>], vector<16xf32>,
        %add3A_810 = arith.addi %add3A_367, %and3A_807 : vector<16xi32>
        tpu.vector_store_idx %arg11[%add3A_810], %gather3A_809 masked %lt3A_370 : memref<32768xf32, #tpu.memory_space<vmem>>[vector<16xi32>], vector<16xf32>, vector<16xi1>
        %add3A_811 = arith.constant 49 : i32
        %add3A_812 = vector.broadcast %add3A_811 : i32 to vector<16xi32>
        %add3A_813 = arith.addi %iota3A, %add3A_812 : vector<16xi32>
        %and3A_814 = arith.constant 63 : i32
        %and3A_815 = vector.broadcast %and3A_814 : i32 to vector<16xi32>
        %and3A_816 = arith.andi %add3A_813, %and3A_815 : vector<16xi32>
        %add3A_817 = arith.addi %mul3A_360, %and3A_816 : vector<16xi32>
        %gather3A_818 = tpu.vector_load_idx %arg9[%add3A_817] : memref<7232xf32, #tpu.memory_space<vmem>>[vector<16xi32>], vector<16xf32>,
        %add3A_819 = arith.addi %add3A_367, %and3A_816 : vector<16xi32>
        tpu.vector_store_idx %arg11[%add3A_819], %gather3A_818 masked %lt3A_370 : memref<32768xf32, #tpu.memory_space<vmem>>[vector<16xi32>], vector<16xf32>, vector<16xi1>
        %add3A_820 = arith.constant 50 : i32
        %add3A_821 = vector.broadcast %add3A_820 : i32 to vector<16xi32>
        %add3A_822 = arith.addi %iota3A, %add3A_821 : vector<16xi32>
        %and3A_823 = arith.constant 63 : i32
        %and3A_824 = vector.broadcast %and3A_823 : i32 to vector<16xi32>
        %and3A_825 = arith.andi %add3A_822, %and3A_824 : vector<16xi32>
        %add3A_826 = arith.addi %mul3A_360, %and3A_825 : vector<16xi32>
        %gather3A_827 = tpu.vector_load_idx %arg9[%add3A_826] : memref<7232xf32, #tpu.memory_space<vmem>>[vector<16xi32>], vector<16xf32>,
        %add3A_828 = arith.addi %add3A_367, %and3A_825 : vector<16xi32>
        tpu.vector_store_idx %arg11[%add3A_828], %gather3A_827 masked %lt3A_370 : memref<32768xf32, #tpu.memory_space<vmem>>[vector<16xi32>], vector<16xf32>, vector<16xi1>
        %add3A_829 = arith.constant 51 : i32
        %add3A_830 = vector.broadcast %add3A_829 : i32 to vector<16xi32>
        %add3A_831 = arith.addi %iota3A, %add3A_830 : vector<16xi32>
        %and3A_832 = arith.constant 63 : i32
        %and3A_833 = vector.broadcast %and3A_832 : i32 to vector<16xi32>
        %and3A_834 = arith.andi %add3A_831, %and3A_833 : vector<16xi32>
        %add3A_835 = arith.addi %mul3A_360, %and3A_834 : vector<16xi32>
        %gather3A_836 = tpu.vector_load_idx %arg9[%add3A_835] : memref<7232xf32, #tpu.memory_space<vmem>>[vector<16xi32>], vector<16xf32>,
        %add3A_837 = arith.addi %add3A_367, %and3A_834 : vector<16xi32>
        tpu.vector_store_idx %arg11[%add3A_837], %gather3A_836 masked %lt3A_370 : memref<32768xf32, #tpu.memory_space<vmem>>[vector<16xi32>], vector<16xf32>, vector<16xi1>
        %add3A_838 = arith.constant 52 : i32
        %add3A_839 = vector.broadcast %add3A_838 : i32 to vector<16xi32>
        %add3A_840 = arith.addi %iota3A, %add3A_839 : vector<16xi32>
        %and3A_841 = arith.constant 63 : i32
        %and3A_842 = vector.broadcast %and3A_841 : i32 to vector<16xi32>
        %and3A_843 = arith.andi %add3A_840, %and3A_842 : vector<16xi32>
        %add3A_844 = arith.addi %mul3A_360, %and3A_843 : vector<16xi32>
        %gather3A_845 = tpu.vector_load_idx %arg9[%add3A_844] : memref<7232xf32, #tpu.memory_space<vmem>>[vector<16xi32>], vector<16xf32>,
        %add3A_846 = arith.addi %add3A_367, %and3A_843 : vector<16xi32>
        tpu.vector_store_idx %arg11[%add3A_846], %gather3A_845 masked %lt3A_370 : memref<32768xf32, #tpu.memory_space<vmem>>[vector<16xi32>], vector<16xf32>, vector<16xi1>
        %add3A_847 = arith.constant 53 : i32
        %add3A_848 = vector.broadcast %add3A_847 : i32 to vector<16xi32>
        %add3A_849 = arith.addi %iota3A, %add3A_848 : vector<16xi32>
        %and3A_850 = arith.constant 63 : i32
        %and3A_851 = vector.broadcast %and3A_850 : i32 to vector<16xi32>
        %and3A_852 = arith.andi %add3A_849, %and3A_851 : vector<16xi32>
        %add3A_853 = arith.addi %mul3A_360, %and3A_852 : vector<16xi32>
        %gather3A_854 = tpu.vector_load_idx %arg9[%add3A_853] : memref<7232xf32, #tpu.memory_space<vmem>>[vector<16xi32>], vector<16xf32>,
        %add3A_855 = arith.addi %add3A_367, %and3A_852 : vector<16xi32>
        tpu.vector_store_idx %arg11[%add3A_855], %gather3A_854 masked %lt3A_370 : memref<32768xf32, #tpu.memory_space<vmem>>[vector<16xi32>], vector<16xf32>, vector<16xi1>
        %add3A_856 = arith.constant 54 : i32
        %add3A_857 = vector.broadcast %add3A_856 : i32 to vector<16xi32>
        %add3A_858 = arith.addi %iota3A, %add3A_857 : vector<16xi32>
        %and3A_859 = arith.constant 63 : i32
        %and3A_860 = vector.broadcast %and3A_859 : i32 to vector<16xi32>
        %and3A_861 = arith.andi %add3A_858, %and3A_860 : vector<16xi32>
        %add3A_862 = arith.addi %mul3A_360, %and3A_861 : vector<16xi32>
        %gather3A_863 = tpu.vector_load_idx %arg9[%add3A_862] : memref<7232xf32, #tpu.memory_space<vmem>>[vector<16xi32>], vector<16xf32>,
        %add3A_864 = arith.addi %add3A_367, %and3A_861 : vector<16xi32>
        tpu.vector_store_idx %arg11[%add3A_864], %gather3A_863 masked %lt3A_370 : memref<32768xf32, #tpu.memory_space<vmem>>[vector<16xi32>], vector<16xf32>, vector<16xi1>
        %add3A_865 = arith.constant 55 : i32
        %add3A_866 = vector.broadcast %add3A_865 : i32 to vector<16xi32>
        %add3A_867 = arith.addi %iota3A, %add3A_866 : vector<16xi32>
        %and3A_868 = arith.constant 63 : i32
        %and3A_869 = vector.broadcast %and3A_868 : i32 to vector<16xi32>
        %and3A_870 = arith.andi %add3A_867, %and3A_869 : vector<16xi32>
        %add3A_871 = arith.addi %mul3A_360, %and3A_870 : vector<16xi32>
        %gather3A_872 = tpu.vector_load_idx %arg9[%add3A_871] : memref<7232xf32, #tpu.memory_space<vmem>>[vector<16xi32>], vector<16xf32>,
        %add3A_873 = arith.addi %add3A_367, %and3A_870 : vector<16xi32>
        tpu.vector_store_idx %arg11[%add3A_873], %gather3A_872 masked %lt3A_370 : memref<32768xf32, #tpu.memory_space<vmem>>[vector<16xi32>], vector<16xf32>, vector<16xi1>
        %add3A_874 = arith.constant 56 : i32
        %add3A_875 = vector.broadcast %add3A_874 : i32 to vector<16xi32>
        %add3A_876 = arith.addi %iota3A, %add3A_875 : vector<16xi32>
        %and3A_877 = arith.constant 63 : i32
        %and3A_878 = vector.broadcast %and3A_877 : i32 to vector<16xi32>
        %and3A_879 = arith.andi %add3A_876, %and3A_878 : vector<16xi32>
        %add3A_880 = arith.addi %mul3A_360, %and3A_879 : vector<16xi32>
        %gather3A_881 = tpu.vector_load_idx %arg9[%add3A_880] : memref<7232xf32, #tpu.memory_space<vmem>>[vector<16xi32>], vector<16xf32>,
        %add3A_882 = arith.addi %add3A_367, %and3A_879 : vector<16xi32>
        tpu.vector_store_idx %arg11[%add3A_882], %gather3A_881 masked %lt3A_370 : memref<32768xf32, #tpu.memory_space<vmem>>[vector<16xi32>], vector<16xf32>, vector<16xi1>
        %add3A_883 = arith.constant 57 : i32
        %add3A_884 = vector.broadcast %add3A_883 : i32 to vector<16xi32>
        %add3A_885 = arith.addi %iota3A, %add3A_884 : vector<16xi32>
        %and3A_886 = arith.constant 63 : i32
        %and3A_887 = vector.broadcast %and3A_886 : i32 to vector<16xi32>
        %and3A_888 = arith.andi %add3A_885, %and3A_887 : vector<16xi32>
        %add3A_889 = arith.addi %mul3A_360, %and3A_888 : vector<16xi32>
        %gather3A_890 = tpu.vector_load_idx %arg9[%add3A_889] : memref<7232xf32, #tpu.memory_space<vmem>>[vector<16xi32>], vector<16xf32>,
        %add3A_891 = arith.addi %add3A_367, %and3A_888 : vector<16xi32>
        tpu.vector_store_idx %arg11[%add3A_891], %gather3A_890 masked %lt3A_370 : memref<32768xf32, #tpu.memory_space<vmem>>[vector<16xi32>], vector<16xf32>, vector<16xi1>
        %add3A_892 = arith.constant 58 : i32
        %add3A_893 = vector.broadcast %add3A_892 : i32 to vector<16xi32>
        %add3A_894 = arith.addi %iota3A, %add3A_893 : vector<16xi32>
        %and3A_895 = arith.constant 63 : i32
        %and3A_896 = vector.broadcast %and3A_895 : i32 to vector<16xi32>
        %and3A_897 = arith.andi %add3A_894, %and3A_896 : vector<16xi32>
        %add3A_898 = arith.addi %mul3A_360, %and3A_897 : vector<16xi32>
        %gather3A_899 = tpu.vector_load_idx %arg9[%add3A_898] : memref<7232xf32, #tpu.memory_space<vmem>>[vector<16xi32>], vector<16xf32>,
        %add3A_900 = arith.addi %add3A_367, %and3A_897 : vector<16xi32>
        tpu.vector_store_idx %arg11[%add3A_900], %gather3A_899 masked %lt3A_370 : memref<32768xf32, #tpu.memory_space<vmem>>[vector<16xi32>], vector<16xf32>, vector<16xi1>
        %add3A_901 = arith.constant 59 : i32
        %add3A_902 = vector.broadcast %add3A_901 : i32 to vector<16xi32>
        %add3A_903 = arith.addi %iota3A, %add3A_902 : vector<16xi32>
        %and3A_904 = arith.constant 63 : i32
        %and3A_905 = vector.broadcast %and3A_904 : i32 to vector<16xi32>
        %and3A_906 = arith.andi %add3A_903, %and3A_905 : vector<16xi32>
        %add3A_907 = arith.addi %mul3A_360, %and3A_906 : vector<16xi32>
        %gather3A_908 = tpu.vector_load_idx %arg9[%add3A_907] : memref<7232xf32, #tpu.memory_space<vmem>>[vector<16xi32>], vector<16xf32>,
        %add3A_909 = arith.addi %add3A_367, %and3A_906 : vector<16xi32>
        tpu.vector_store_idx %arg11[%add3A_909], %gather3A_908 masked %lt3A_370 : memref<32768xf32, #tpu.memory_space<vmem>>[vector<16xi32>], vector<16xf32>, vector<16xi1>
        %add3A_910 = arith.constant 60 : i32
        %add3A_911 = vector.broadcast %add3A_910 : i32 to vector<16xi32>
        %add3A_912 = arith.addi %iota3A, %add3A_911 : vector<16xi32>
        %and3A_913 = arith.constant 63 : i32
        %and3A_914 = vector.broadcast %and3A_913 : i32 to vector<16xi32>
        %and3A_915 = arith.andi %add3A_912, %and3A_914 : vector<16xi32>
        %add3A_916 = arith.addi %mul3A_360, %and3A_915 : vector<16xi32>
        %gather3A_917 = tpu.vector_load_idx %arg9[%add3A_916] : memref<7232xf32, #tpu.memory_space<vmem>>[vector<16xi32>], vector<16xf32>,
        %add3A_918 = arith.addi %add3A_367, %and3A_915 : vector<16xi32>
        tpu.vector_store_idx %arg11[%add3A_918], %gather3A_917 masked %lt3A_370 : memref<32768xf32, #tpu.memory_space<vmem>>[vector<16xi32>], vector<16xf32>, vector<16xi1>
        %add3A_919 = arith.constant 61 : i32
        %add3A_920 = vector.broadcast %add3A_919 : i32 to vector<16xi32>
        %add3A_921 = arith.addi %iota3A, %add3A_920 : vector<16xi32>
        %and3A_922 = arith.constant 63 : i32
        %and3A_923 = vector.broadcast %and3A_922 : i32 to vector<16xi32>
        %and3A_924 = arith.andi %add3A_921, %and3A_923 : vector<16xi32>
        %add3A_925 = arith.addi %mul3A_360, %and3A_924 : vector<16xi32>
        %gather3A_926 = tpu.vector_load_idx %arg9[%add3A_925] : memref<7232xf32, #tpu.memory_space<vmem>>[vector<16xi32>], vector<16xf32>,
        %add3A_927 = arith.addi %add3A_367, %and3A_924 : vector<16xi32>
        tpu.vector_store_idx %arg11[%add3A_927], %gather3A_926 masked %lt3A_370 : memref<32768xf32, #tpu.memory_space<vmem>>[vector<16xi32>], vector<16xf32>, vector<16xi1>
        %add3A_928 = arith.constant 62 : i32
        %add3A_929 = vector.broadcast %add3A_928 : i32 to vector<16xi32>
        %add3A_930 = arith.addi %iota3A, %add3A_929 : vector<16xi32>
        %and3A_931 = arith.constant 63 : i32
        %and3A_932 = vector.broadcast %and3A_931 : i32 to vector<16xi32>
        %and3A_933 = arith.andi %add3A_930, %and3A_932 : vector<16xi32>
        %add3A_934 = arith.addi %mul3A_360, %and3A_933 : vector<16xi32>
        %gather3A_935 = tpu.vector_load_idx %arg9[%add3A_934] : memref<7232xf32, #tpu.memory_space<vmem>>[vector<16xi32>], vector<16xf32>,
        %add3A_936 = arith.addi %add3A_367, %and3A_933 : vector<16xi32>
        tpu.vector_store_idx %arg11[%add3A_936], %gather3A_935 masked %lt3A_370 : memref<32768xf32, #tpu.memory_space<vmem>>[vector<16xi32>], vector<16xf32>, vector<16xi1>
        %add3A_937 = arith.constant 63 : i32
        %add3A_938 = vector.broadcast %add3A_937 : i32 to vector<16xi32>
        %add3A_939 = arith.addi %iota3A, %add3A_938 : vector<16xi32>
        %and3A_940 = arith.constant 63 : i32
        %and3A_941 = vector.broadcast %and3A_940 : i32 to vector<16xi32>
        %and3A_942 = arith.andi %add3A_939, %and3A_941 : vector<16xi32>
        %add3A_943 = arith.addi %mul3A_360, %and3A_942 : vector<16xi32>
        %gather3A_944 = tpu.vector_load_idx %arg9[%add3A_943] : memref<7232xf32, #tpu.memory_space<vmem>>[vector<16xi32>], vector<16xf32>,
        %add3A_945 = arith.addi %add3A_367, %and3A_942 : vector<16xi32>
        tpu.vector_store_idx %arg11[%add3A_945], %gather3A_944 masked %lt3A_370 : memref<32768xf32, #tpu.memory_space<vmem>>[vector<16xi32>], vector<16xf32>, vector<16xi1>
      }
      %scan3A_224 = arith.constant 14 : i32
      %mul3A_225 = arith.constant 800 : i32
      %mul3A_226 = arith.muli %add3A, %mul3A_225 : i32
      %mul3A_227 = arith.constant 8 : i32
      %mul3A_228 = arith.muli %add3A_83, %mul3A_227 : i32
      %add3A_229 = arith.addi %mul3A_226, %mul3A_228 : i32
      %multiple_of3A_230 = tpu.assume_multiple %add3A_229, 8 : i32
      %multiple_of3A_231 = arith.constant 0 : i32
      %multiple_of3A_232 = tpu.assume_multiple %multiple_of3A_231, 4096 : i32
      %add3A_233 = arith.constant 0 : i32
      %add3A_234 = arith.addi %multiple_of3A_230, %add3A_233 : i32
      %mul3A_235 = arith.constant 4096 : i32
      %mul3A_236 = arith.muli %add3A_234, %mul3A_235 : i32
      %multiple_of3A_237 = tpu.assume_multiple %mul3A_236, 4096 : i32
      %dma_start3A_238 = tpu.memref_slice %arg11[%multiple_of3A_232] : memref<32768xf32, #tpu.memory_space<vmem>> -> memref<3456xf32, #tpu.memory_space<vmem>>
      %dma_start3A_239 = tpu.memref_slice %arg5[%multiple_of3A_237] : memref<104857600xf32, #tpu.memory_space<hbm>> -> memref<3456xf32, #tpu.memory_space<hbm>>
      %dma_start3A_240 = tpu.memref_slice %arg5[%multiple_of3A_237] : memref<104857600xf32, #tpu.memory_space<hbm>> -> memref<3456xf32, #tpu.memory_space<hbm>>
      %dma_start3A_241 = tpu.memref_slice %arg11[%multiple_of3A_232] : memref<32768xf32, #tpu.memory_space<vmem>> -> memref<3456xf32, #tpu.memory_space<vmem>>
      tpu.enqueue_dma source(%dma_start3A_241 : memref<3456xf32, #tpu.memory_space<vmem>>) target(%dma_start3A_240 : memref<3456xf32, #tpu.memory_space<hbm>>) target_semaphore(%arg16 : memref<!tpu.dma_semaphore, #tpu.memory_space<semaphore_mem>>)
      %multiple_of3A_242 = arith.constant 4096 : i32
      %multiple_of3A_243 = tpu.assume_multiple %multiple_of3A_242, 4096 : i32
      %add3A_244 = arith.constant 1 : i32
      %add3A_245 = arith.addi %multiple_of3A_230, %add3A_244 : i32
      %mul3A_246 = arith.constant 4096 : i32
      %mul3A_247 = arith.muli %add3A_245, %mul3A_246 : i32
      %multiple_of3A_248 = tpu.assume_multiple %mul3A_247, 4096 : i32
      %dma_start3A_249 = tpu.memref_slice %arg11[%multiple_of3A_243] : memref<32768xf32, #tpu.memory_space<vmem>> -> memref<3456xf32, #tpu.memory_space<vmem>>
      %dma_start3A_250 = tpu.memref_slice %arg5[%multiple_of3A_248] : memref<104857600xf32, #tpu.memory_space<hbm>> -> memref<3456xf32, #tpu.memory_space<hbm>>
      %dma_start3A_251 = tpu.memref_slice %arg5[%multiple_of3A_248] : memref<104857600xf32, #tpu.memory_space<hbm>> -> memref<3456xf32, #tpu.memory_space<hbm>>
      %dma_start3A_252 = tpu.memref_slice %arg11[%multiple_of3A_243] : memref<32768xf32, #tpu.memory_space<vmem>> -> memref<3456xf32, #tpu.memory_space<vmem>>
      tpu.enqueue_dma source(%dma_start3A_252 : memref<3456xf32, #tpu.memory_space<vmem>>) target(%dma_start3A_251 : memref<3456xf32, #tpu.memory_space<hbm>>) target_semaphore(%arg16 : memref<!tpu.dma_semaphore, #tpu.memory_space<semaphore_mem>>)
      %multiple_of3A_253 = arith.constant 8192 : i32
      %multiple_of3A_254 = tpu.assume_multiple %multiple_of3A_253, 4096 : i32
      %add3A_255 = arith.constant 2 : i32
      %add3A_256 = arith.addi %multiple_of3A_230, %add3A_255 : i32
      %mul3A_257 = arith.constant 4096 : i32
      %mul3A_258 = arith.muli %add3A_256, %mul3A_257 : i32
      %multiple_of3A_259 = tpu.assume_multiple %mul3A_258, 4096 : i32
      %dma_start3A_260 = tpu.memref_slice %arg11[%multiple_of3A_254] : memref<32768xf32, #tpu.memory_space<vmem>> -> memref<3456xf32, #tpu.memory_space<vmem>>
      %dma_start3A_261 = tpu.memref_slice %arg5[%multiple_of3A_259] : memref<104857600xf32, #tpu.memory_space<hbm>> -> memref<3456xf32, #tpu.memory_space<hbm>>
      %dma_start3A_262 = tpu.memref_slice %arg5[%multiple_of3A_259] : memref<104857600xf32, #tpu.memory_space<hbm>> -> memref<3456xf32, #tpu.memory_space<hbm>>
      %dma_start3A_263 = tpu.memref_slice %arg11[%multiple_of3A_254] : memref<32768xf32, #tpu.memory_space<vmem>> -> memref<3456xf32, #tpu.memory_space<vmem>>
      tpu.enqueue_dma source(%dma_start3A_263 : memref<3456xf32, #tpu.memory_space<vmem>>) target(%dma_start3A_262 : memref<3456xf32, #tpu.memory_space<hbm>>) target_semaphore(%arg16 : memref<!tpu.dma_semaphore, #tpu.memory_space<semaphore_mem>>)
      %multiple_of3A_264 = arith.constant 12288 : i32
      %multiple_of3A_265 = tpu.assume_multiple %multiple_of3A_264, 4096 : i32
      %add3A_266 = arith.constant 3 : i32
      %add3A_267 = arith.addi %multiple_of3A_230, %add3A_266 : i32
      %mul3A_268 = arith.constant 4096 : i32
      %mul3A_269 = arith.muli %add3A_267, %mul3A_268 : i32
      %multiple_of3A_270 = tpu.assume_multiple %mul3A_269, 4096 : i32
      %dma_start3A_271 = tpu.memref_slice %arg11[%multiple_of3A_265] : memref<32768xf32, #tpu.memory_space<vmem>> -> memref<3456xf32, #tpu.memory_space<vmem>>
      %dma_start3A_272 = tpu.memref_slice %arg5[%multiple_of3A_270] : memref<104857600xf32, #tpu.memory_space<hbm>> -> memref<3456xf32, #tpu.memory_space<hbm>>
      %dma_start3A_273 = tpu.memref_slice %arg5[%multiple_of3A_270] : memref<104857600xf32, #tpu.memory_space<hbm>> -> memref<3456xf32, #tpu.memory_space<hbm>>
      %dma_start3A_274 = tpu.memref_slice %arg11[%multiple_of3A_265] : memref<32768xf32, #tpu.memory_space<vmem>> -> memref<3456xf32, #tpu.memory_space<vmem>>
      tpu.enqueue_dma source(%dma_start3A_274 : memref<3456xf32, #tpu.memory_space<vmem>>) target(%dma_start3A_273 : memref<3456xf32, #tpu.memory_space<hbm>>) target_semaphore(%arg16 : memref<!tpu.dma_semaphore, #tpu.memory_space<semaphore_mem>>)
      %multiple_of3A_275 = arith.constant 16384 : i32
      %multiple_of3A_276 = tpu.assume_multiple %multiple_of3A_275, 4096 : i32
      %add3A_277 = arith.constant 4 : i32
      %add3A_278 = arith.addi %multiple_of3A_230, %add3A_277 : i32
      %mul3A_279 = arith.constant 4096 : i32
      %mul3A_280 = arith.muli %add3A_278, %mul3A_279 : i32
      %multiple_of3A_281 = tpu.assume_multiple %mul3A_280, 4096 : i32
      %dma_start3A_282 = tpu.memref_slice %arg11[%multiple_of3A_276] : memref<32768xf32, #tpu.memory_space<vmem>> -> memref<3456xf32, #tpu.memory_space<vmem>>
      %dma_start3A_283 = tpu.memref_slice %arg5[%multiple_of3A_281] : memref<104857600xf32, #tpu.memory_space<hbm>> -> memref<3456xf32, #tpu.memory_space<hbm>>
      %dma_start3A_284 = tpu.memref_slice %arg5[%multiple_of3A_281] : memref<104857600xf32, #tpu.memory_space<hbm>> -> memref<3456xf32, #tpu.memory_space<hbm>>
      %dma_start3A_285 = tpu.memref_slice %arg11[%multiple_of3A_276] : memref<32768xf32, #tpu.memory_space<vmem>> -> memref<3456xf32, #tpu.memory_space<vmem>>
      tpu.enqueue_dma source(%dma_start3A_285 : memref<3456xf32, #tpu.memory_space<vmem>>) target(%dma_start3A_284 : memref<3456xf32, #tpu.memory_space<hbm>>) target_semaphore(%arg16 : memref<!tpu.dma_semaphore, #tpu.memory_space<semaphore_mem>>)
      %multiple_of3A_286 = arith.constant 20480 : i32
      %multiple_of3A_287 = tpu.assume_multiple %multiple_of3A_286, 4096 : i32
      %add3A_288 = arith.constant 5 : i32
      %add3A_289 = arith.addi %multiple_of3A_230, %add3A_288 : i32
      %mul3A_290 = arith.constant 4096 : i32
      %mul3A_291 = arith.muli %add3A_289, %mul3A_290 : i32
      %multiple_of3A_292 = tpu.assume_multiple %mul3A_291, 4096 : i32
      %dma_start3A_293 = tpu.memref_slice %arg11[%multiple_of3A_287] : memref<32768xf32, #tpu.memory_space<vmem>> -> memref<3456xf32, #tpu.memory_space<vmem>>
      %dma_start3A_294 = tpu.memref_slice %arg5[%multiple_of3A_292] : memref<104857600xf32, #tpu.memory_space<hbm>> -> memref<3456xf32, #tpu.memory_space<hbm>>
      %dma_start3A_295 = tpu.memref_slice %arg5[%multiple_of3A_292] : memref<104857600xf32, #tpu.memory_space<hbm>> -> memref<3456xf32, #tpu.memory_space<hbm>>
      %dma_start3A_296 = tpu.memref_slice %arg11[%multiple_of3A_287] : memref<32768xf32, #tpu.memory_space<vmem>> -> memref<3456xf32, #tpu.memory_space<vmem>>
      tpu.enqueue_dma source(%dma_start3A_296 : memref<3456xf32, #tpu.memory_space<vmem>>) target(%dma_start3A_295 : memref<3456xf32, #tpu.memory_space<hbm>>) target_semaphore(%arg16 : memref<!tpu.dma_semaphore, #tpu.memory_space<semaphore_mem>>)
      %multiple_of3A_297 = arith.constant 24576 : i32
      %multiple_of3A_298 = tpu.assume_multiple %multiple_of3A_297, 4096 : i32
      %add3A_299 = arith.constant 6 : i32
      %add3A_300 = arith.addi %multiple_of3A_230, %add3A_299 : i32
      %mul3A_301 = arith.constant 4096 : i32
      %mul3A_302 = arith.muli %add3A_300, %mul3A_301 : i32
      %multiple_of3A_303 = tpu.assume_multiple %mul3A_302, 4096 : i32
      %dma_start3A_304 = tpu.memref_slice %arg11[%multiple_of3A_298] : memref<32768xf32, #tpu.memory_space<vmem>> -> memref<3456xf32, #tpu.memory_space<vmem>>
      %dma_start3A_305 = tpu.memref_slice %arg5[%multiple_of3A_303] : memref<104857600xf32, #tpu.memory_space<hbm>> -> memref<3456xf32, #tpu.memory_space<hbm>>
      %dma_start3A_306 = tpu.memref_slice %arg5[%multiple_of3A_303] : memref<104857600xf32, #tpu.memory_space<hbm>> -> memref<3456xf32, #tpu.memory_space<hbm>>
      %dma_start3A_307 = tpu.memref_slice %arg11[%multiple_of3A_298] : memref<32768xf32, #tpu.memory_space<vmem>> -> memref<3456xf32, #tpu.memory_space<vmem>>
      tpu.enqueue_dma source(%dma_start3A_307 : memref<3456xf32, #tpu.memory_space<vmem>>) target(%dma_start3A_306 : memref<3456xf32, #tpu.memory_space<hbm>>) target_semaphore(%arg16 : memref<!tpu.dma_semaphore, #tpu.memory_space<semaphore_mem>>)
      %multiple_of3A_308 = arith.constant 28672 : i32
      %multiple_of3A_309 = tpu.assume_multiple %multiple_of3A_308, 4096 : i32
      %add3A_310 = arith.constant 7 : i32
      %add3A_311 = arith.addi %multiple_of3A_230, %add3A_310 : i32
      %mul3A_312 = arith.constant 4096 : i32
      %mul3A_313 = arith.muli %add3A_311, %mul3A_312 : i32
      %multiple_of3A_314 = tpu.assume_multiple %mul3A_313, 4096 : i32
      %dma_start3A_315 = tpu.memref_slice %arg11[%multiple_of3A_309] : memref<32768xf32, #tpu.memory_space<vmem>> -> memref<3456xf32, #tpu.memory_space<vmem>>
      %dma_start3A_316 = tpu.memref_slice %arg5[%multiple_of3A_314] : memref<104857600xf32, #tpu.memory_space<hbm>> -> memref<3456xf32, #tpu.memory_space<hbm>>
      %dma_start3A_317 = tpu.memref_slice %arg5[%multiple_of3A_314] : memref<104857600xf32, #tpu.memory_space<hbm>> -> memref<3456xf32, #tpu.memory_space<hbm>>
      %dma_start3A_318 = tpu.memref_slice %arg11[%multiple_of3A_309] : memref<32768xf32, #tpu.memory_space<vmem>> -> memref<3456xf32, #tpu.memory_space<vmem>>
      tpu.enqueue_dma source(%dma_start3A_318 : memref<3456xf32, #tpu.memory_space<vmem>>) target(%dma_start3A_317 : memref<3456xf32, #tpu.memory_space<hbm>>) target_semaphore(%arg16 : memref<!tpu.dma_semaphore, #tpu.memory_space<semaphore_mem>>)
      %lt3A_319 = arith.constant 49 : i32
      %lt3A_320 = arith.cmpi slt, %scan3A_79, %lt3A_319 : i32
      %convert_element_type3A_321 = arith.extui %lt3A_320 : i1 to i32
      %cond3A_322 = arith.constant 0 : i32
      %cond3A_323 = arith.cmpi ne, %convert_element_type3A_321, %cond3A_322 : i32
      scf.if %cond3A_323 {
        %add3A_324 = arith.constant 2 : i32
        %add3A_325 = arith.addi %add3A_83, %add3A_324 : i32
        %mul3A_326 = arith.constant 800 : i32
        %mul3A_327 = arith.muli %add3A, %mul3A_326 : i32
        %mul3A_328 = arith.constant 8 : i32
        %mul3A_329 = arith.muli %add3A_325, %mul3A_328 : i32
        %add3A_330 = arith.addi %mul3A_327, %mul3A_329 : i32
        %multiple_of3A_331 = tpu.assume_multiple %add3A_330, 8 : i32
        %mul3A_332 = arith.constant 26 : i32
        %mul3A_333 = arith.muli %multiple_of3A_331, %mul3A_332 : i32
        %dma_start3A_334 = tpu.memref_slice %arg3[%mul3A_333] : memref<665600xi32, #tpu.memory_space<hbm>> -> memref<208xi32, #tpu.memory_space<hbm>>
        %dma_start3A_335 = tpu.memref_slice %arg3[%mul3A_333] : memref<665600xi32, #tpu.memory_space<hbm>> -> memref<208xi32, #tpu.memory_space<hbm>>
        tpu.enqueue_dma source(%dma_start3A_335 : memref<208xi32, #tpu.memory_space<hbm>>) target(%arg7 : memref<208xi32, #tpu.memory_space<vmem>>) target_semaphore(%arg14 : memref<!tpu.dma_semaphore, #tpu.memory_space<semaphore_mem>>)
        %mul3A_336 = arith.constant 14 : i32
        %mul3A_337 = arith.muli %multiple_of3A_331, %mul3A_336 : i32
        %mul3A_338 = arith.constant 64 : i32
        %mul3A_339 = arith.muli %mul3A_337, %mul3A_338 : i32
        %dma_start3A_340 = arith.constant 0 : i32
        %dma_start3A_341 = tpu.memref_slice %arg9[%dma_start3A_340] : memref<7232xf32, #tpu.memory_space<vmem>> -> memref<7168xf32, #tpu.memory_space<vmem>>
        %dma_start3A_342 = tpu.memref_slice %arg2[%mul3A_339] : memref<22937600xf32, #tpu.memory_space<hbm>> -> memref<7168xf32, #tpu.memory_space<hbm>>
        %dma_start3A_343 = arith.constant 0 : i32
        %dma_start3A_344 = tpu.memref_slice %arg9[%dma_start3A_343] : memref<7232xf32, #tpu.memory_space<vmem>> -> memref<7168xf32, #tpu.memory_space<vmem>>
        %dma_start3A_345 = tpu.memref_slice %arg2[%mul3A_339] : memref<22937600xf32, #tpu.memory_space<hbm>> -> memref<7168xf32, #tpu.memory_space<hbm>>
        tpu.enqueue_dma source(%dma_start3A_345 : memref<7168xf32, #tpu.memory_space<hbm>>) target(%dma_start3A_344 : memref<7168xf32, #tpu.memory_space<vmem>>) target_semaphore(%arg14 : memref<!tpu.dma_semaphore, #tpu.memory_space<semaphore_mem>>)
      } else {
      }
    }
    %scan3A_63 = arith.constant 50 : i32
    %dma_wait3A = arith.constant 0 : i32
    %dma_wait3A_64 = tpu.memref_slice %arg10[%dma_wait3A] : memref<32768xf32, #tpu.memory_space<vmem>> -> memref<27648xf32, #tpu.memory_space<vmem>>
    %dma_wait3A_65 = arith.constant 0 : i32
    %dma_wait3A_66 = tpu.memref_slice %arg5[%dma_wait3A_65] : memref<104857600xf32, #tpu.memory_space<hbm>> -> memref<27648xf32, #tpu.memory_space<hbm>>
    %dma_wait3A_67 = arith.constant 0 : i32
    %dma_wait3A_68 = tpu.memref_slice %arg5[%dma_wait3A_67] : memref<104857600xf32, #tpu.memory_space<hbm>> -> memref<27648xf32, #tpu.memory_space<hbm>>
    %dma_wait3A_69 = arith.constant 0 : i32
    %dma_wait3A_70 = tpu.memref_slice %arg10[%dma_wait3A_69] : memref<32768xf32, #tpu.memory_space<vmem>> -> memref<27648xf32, #tpu.memory_space<vmem>>
    tpu.wait_dma2 semaphore(%arg15 : memref<!tpu.dma_semaphore, #tpu.memory_space<semaphore_mem>>) src(%dma_wait3A_70 : memref<27648xf32, #tpu.memory_space<vmem>>) dst(%dma_wait3A_68 : memref<27648xf32, #tpu.memory_space<hbm>>)
    %dma_wait3A_71 = arith.constant 0 : i32
    %dma_wait3A_72 = tpu.memref_slice %arg11[%dma_wait3A_71] : memref<32768xf32, #tpu.memory_space<vmem>> -> memref<27648xf32, #tpu.memory_space<vmem>>
    %dma_wait3A_73 = arith.constant 0 : i32
    %dma_wait3A_74 = tpu.memref_slice %arg5[%dma_wait3A_73] : memref<104857600xf32, #tpu.memory_space<hbm>> -> memref<27648xf32, #tpu.memory_space<hbm>>
    %dma_wait3A_75 = arith.constant 0 : i32
    %dma_wait3A_76 = tpu.memref_slice %arg5[%dma_wait3A_75] : memref<104857600xf32, #tpu.memory_space<hbm>> -> memref<27648xf32, #tpu.memory_space<hbm>>
    %dma_wait3A_77 = arith.constant 0 : i32
    %dma_wait3A_78 = tpu.memref_slice %arg11[%dma_wait3A_77] : memref<32768xf32, #tpu.memory_space<vmem>> -> memref<27648xf32, #tpu.memory_space<vmem>>
    tpu.wait_dma2 semaphore(%arg16 : memref<!tpu.dma_semaphore, #tpu.memory_space<semaphore_mem>>) src(%dma_wait3A_78 : memref<27648xf32, #tpu.memory_space<vmem>>) dst(%dma_wait3A_76 : memref<27648xf32, #tpu.memory_space<hbm>>)
    return
  }
}

</mosaic_0001>

<sc_bundles>
// kernel: kernel.3.cloned.1.call-start
scs
__scs_entry_jumppad:
0x0: {  	(pc) =	sbr.rel $0x88, $3  }
0x1: {  	(tag) =	ssettag $0x0;
	lr =	simm.s32 $0x1  }
0x2: {  	[smem:$0x3F9E] =	sst lr;
	_ =	strace $0xD0000000  }
0x3: {  	_ = 	snop  }
0x4: {  	_ = 	snop  }
0x5: {  	_ = 	snop  }
0x6: {  	_ = 	snop  }
0x7: {  	_ = 	snop  }
__scs_overlays_trampoline_lowered:
0x8: {  	[smem:$0x3FAD] =	sst s0  }
0x9: {  	[smem:$0x3FAE] =	sst s1  }
0xa: {  	[smem:$0x3FAF] =	sst s2  }
0xb: {  	[smem:$0x3FB0] =	sst s3  }
0xc: {  	[smem:$0x3FB1] =	sst s4  }
0xd: {  	[smem:$0x3FB2] =	sst s5  }
0xe: {  	[smem:$0x3FB3] =	sst s6  }
0xf: {  	[smem:$0x3FB4] =	sst s7  }
0x10: {  	[smem:$0x3FB5] =	sst s8  }
0x11: {  	[smem:$0x3FB6] =	sst s9;
	s0 =	simm.s32 @!p0 $0x0  }
0x12: {  	s1 =	sld [smem:$0x3F9C];
	s0 =	simm.s32 @p0 $0x1  }
0x13: {  	[smem:$0x3FB7] =	sst s0;
	s0 =	simm.s32 @!p1 $0x0  }
0x14: {  	s2 =	sld [smem:$0x3F9B];
	s0 =	simm.s32 @p1 $0x1  }
0x15: {  	[smem:$0x3FB8] =	sst s0;
	s0 =	simm.s32 @!p2 $0x0  }
0x16: {  	s3 =	sld [smem:$0x3FDB];
	s0 =	simm.s32 @p2 $0x1  }
0x17: {  	s4 =	simm.s32 $0x1BF5;
	[smem:$0x3FBA] =	sst s0  }
0x18: {  	s0 =	sld [smem:$0x3F9D];
	_ =	swait.ge [sflag:s4], $0x0  }
0x19: {  	s7 =	sld [smem:$0x3F9E]  }
0x1a: {  	s8 =	sadd.s32 $0xFFFFE003, lr  }
0x1b: {  	s9 =	sadd.s32 $0xFFFFFEF7, lr;
	s5 =	simm.s32 $0xFFFFFFFF;
	p2 =	slt.u32 s8, $0xFFFFF086  }
0x1c: {  	p1 =	slt.u32 s9, $0xF7A;
	s5 =	simm.s32 @!p2 $0x0  }
0x1d: {  	s5 =	simm.s32 @p1 $0x1;
	p0 =	seq.s32 s7, s2  }
0x1e: {  	s7 =	smul.u32 @!p0 $0xF7A, s2;
	p2 =	seq.s32 @!p0 s5, $0x0  }
0x1f: {  	s9 =	smul.u32 $0xF7A, s1;
	s8 =	simm.s32 @!p0 $0x1BF5;
	p2 =	por !p2, p0  }
0x20: {  	[sflag:s8] =	ssyncset.s32 @!p0 $0xFFFFF086;
	s6 =	sadd.s32 @!p0 s3, s7;
	s7 =	simm.s32 @!p0 $0x108  }
0x21: {  	s3 =	sadd.s32 s3, s9;
	s6 =	sadd.s32 @!p0 $0x88, s6;
	s7 =	simm.s32 @p2 $0x1082  }
0x22: {  	[simem:s7], [sflag:s8] =	dma.local @!p0 [hbm:s6], $0xF7A  }
0x23: {  	s9 =	sor.u32 $0xD0000000, s2;
	s6 =	simm.s32 $0x108;
	_ =	swait.ge @!p0 [sflag:s8], $0x0  }
0x24: {  	s3 =	sadd.s32 $0x88, s3;
	s6 =	simm.s32 @!p1 $0x1082;
	[sflag:s4] =	ssyncset.s32 $0xFFFFF086  }
0x25: {  	[simem:s6], [sflag:s4] =	dma.local [hbm:s3], $0xF7A  }
0x26: {  	[smem:$0x3F9E] =	sst s1;
	(tag) =	ssettag s2;
	_ =	strace s9  }
0x27: {  	s1 =	sld [smem:$0x3FAE]  }
0x28: {  	s2 =	sld [smem:$0x3FAF]  }
0x29: {  	s4 =	sld [smem:$0x3FB1]  }
0x2a: {  	p0 =	seq.s32 s5, $0x0;
	s5 =	sld [smem:$0x3FB2]  }
0x2b: {  	s6 =	sld [smem:$0x3FB3]  }
0x2c: {  	s7 =	sld [smem:$0x3FB4]  }
0x2d: {  	s3 =	simm.s32 $0x108;
	s8 =	sld [smem:$0x3FB5]  }
0x2e: {  	s3 =	simm.s32 @!p0 $0x1082;
	s9 =	sld [smem:$0x3FB6]  }
0x2f: {  	lr =	sadd.s32 s0, s3;
	s0 =	sld [smem:$0x3FAD]  }
0x30: {  	s3 =	sld [smem:$0x3FB0]  }
0x31: {  	[smem:$0x3FB9] =	sst s10  }
0x32: {  	s10 =	sld [smem:$0x3FB7];
	_ =	sdelay $0x3  }
0x33: {  	p0 =	seq.s32 s10, $0x1;
	s10 =	sld [smem:$0x3FB9];
	_ =	sdelay $0x3  }
0x34: {  	[smem:$0x3FB9] =	sst s10  }
0x35: {  	s10 =	sld [smem:$0x3FB8];
	_ =	sdelay $0x3  }
0x36: {  	p1 =	seq.s32 s10, $0x1;
	s10 =	sld [smem:$0x3FB9];
	_ =	sdelay $0x3  }
0x37: {  	[smem:$0x3FB9] =	sst s10  }
0x38: {  	s10 =	sld [smem:$0x3FBA]  }
0x39: {  	_ = 	snop;
	(pc) =	sbr.ind lr, $3  }
0x3a: {  	_ = 	snop  }
0x3b: {  	_ = 	snop  }
0x3c: {  	p2 =	seq.s32 s10, $0x1;
	s10 =	sld [smem:$0x3FB9]  }
0x3d: {  	_ =	shalt  }
0x3e: {  	_ =	shalt  }
0x3f: {  	_ =	shalt  }
0x40: {  	_ =	shalt  }
0x41: {  	_ =	shalt  }
0x42: {  	_ =	shalt  }
0x43: {  	_ =	shalt  }
0x44: {  	_ =	shalt  }
0x45: {  	_ =	shalt  }
0x46: {  	_ =	shalt  }
0x47: {  	_ =	shalt  }
0x48: {  	_ =	shalt  }
0x49: {  	_ =	shalt  }
0x4a: {  	_ =	shalt  }
0x4b: {  	_ =	shalt  }
0x4c: {  	_ =	shalt  }
0x4d: {  	_ =	shalt  }
0x4e: {  	_ =	shalt  }
0x4f: {  	_ =	shalt  }
0x50: {  	_ =	shalt  }
0x51: {  	_ =	shalt  }
0x52: {  	_ =	shalt  }
0x53: {  	_ =	shalt  }
0x54: {  	_ =	shalt  }
0x55: {  	_ =	shalt  }
0x56: {  	_ =	shalt  }
0x57: {  	_ =	shalt  }
0x58: {  	_ =	shalt  }
0x59: {  	_ =	shalt  }
0x5a: {  	_ =	shalt  }
0x5b: {  	_ =	shalt  }
0x5c: {  	_ =	shalt  }
0x5d: {  	_ =	shalt  }
0x5e: {  	_ =	shalt  }
0x5f: {  	_ =	shalt  }
0x60: {  	_ =	shalt  }
0x61: {  	_ =	shalt  }
0x62: {  	_ =	shalt  }
0x63: {  	_ =	shalt  }
0x64: {  	_ =	shalt  }
0x65: {  	_ =	shalt  }
0x66: {  	_ =	shalt  }
0x67: {  	_ =	shalt  }
0x68: {  	_ =	shalt  }
0x69: {  	_ =	shalt  }
0x6a: {  	_ =	shalt  }
0x6b: {  	_ =	shalt  }
0x6c: {  	_ =	shalt  }
0x6d: {  	_ =	shalt  }
0x6e: {  	_ =	shalt  }
0x6f: {  	_ =	shalt  }
0x70: {  	_ =	shalt  }
0x71: {  	_ =	shalt  }
0x72: {  	_ =	shalt  }
0x73: {  	_ =	shalt  }
0x74: {  	_ =	shalt  }
0x75: {  	_ =	shalt  }
0x76: {  	_ =	shalt  }
0x77: {  	_ =	shalt  }
0x78: {  	_ =	shalt  }
0x79: {  	_ =	shalt  }
0x7a: {  	_ =	shalt  }
0x7b: {  	_ =	shalt  }
0x7c: {  	_ =	shalt  }
0x7d: {  	_ =	shalt  }
0x7e: {  	_ =	shalt  }
0x7f: {  	_ =	shalt  }
0x80: {  	_ =	shalt  }
0x81: {  	_ =	shalt  }
0x82: {  	_ =	shalt  }
0x83: {  	_ =	shalt  }
0x84: {  	_ =	shalt  }
0x85: {  	_ =	shalt  }
0x86: {  	_ =	shalt  }
0x87: {  	_ =	shalt  }
.Lfunc_end0:
.L_simem_size_0:
called_computation.1_lowered:
.L_overlay_start_0:
0x88: {  	s2 =	sld [smem:$0x3FD9]  }
0x89: {  	s3 =	sld [smem:$0x3FFE];
	_ =	sdelay $0x1  }
0x8a: {  	s1 =	srdreg.scid  }
0x8b: {  	s0 =	sand.u32 $0x1, s1  }
0x8c: {  	s17 =	sshll.u32 s0, $0xA;
	s2 =	sadd.s32 s3, s2  }
0x8d: {  	s2 =	sadd.s32 s2, s17  }
0x8e: {  	[smem:$0x3FC5] =	sst s2  }
0x8f: {  	_ = 	snop  }
0x90: {  	s2 =	sld [smem:$0x3FC7]  }
0x91: {  	s18 =	sld [smem:$0x3FD0];
	(tm) =	ssettm $0x1  }
0x92: {  	s4 =	sld [smem:$0x3FFB];
	_ =	sdelay $0x3  }
0x93: {  	_ =	strace s4  }
0x94: {  	s4 =	sld [smem:$0x3FFC];
	_ =	sdelay $0x3  }
0x95: {  	_ =	strace s4  }
0x96: {  	s4 =	sld [smem:$0x3FFD];
	_ =	sdelay $0x3  }
0x97: {  	_ =	strace s4  }
0x98: {  	_ =	strace $0x8FFFFFFF  }
0x99: {  	s19 =	sld [smem:$0x3FDB];
	_ =	sdelay $0x1  }
0x9a: {  	s5 =	simm.s32 $_scs_section_size  }
0x9b: {  	s6 =	simm.s32 $_size__tile_overlayer_lowered;
	s7 =	simm.s32 $_tile_overlayer_lowered  }
0x9c: {  	s22 =	simm.s32 $0x1BFF;
	s21 =	sshll.u32 s7, $0x1;
	s4 =	sadd.s32 s5, s19  }
0x9d: {  	s8 =	simm.s32 $0x0;
	s20 =	sshll.u32 s6, $0x1;
	s6 =	sadd.s32 s21, s4  }
0x9e: {  	[timem:s8], [sflag:s22] =	dma.local [hbm:s6], s20  }
0x9f: {  	_ =	swait.ge [sflag:s22], s20  }
0xa0: {  	s5 =	ssub.s32 $0x0, s20;
	[sflag:s22] =	ssyncset.done $0x0  }
0xa1: {  	[sflag:s22] =	ssyncadd.s32 s5;
	_ =	sdelay $0x1  }
0xa2: {  	s23 =	simm.s32 $0x1B8B  }
0xa3: {  	_ =	swait.ge [sflag:s23], $0x1  }
0xa4: {  	[sflag:s23] =	ssyncset.done $0x0  }
0xa5: {  	s25 =	simm.s32 $0x1B8E;
	s24 =	sld [smem:$0x3FFE];
	[sflag:s23] =	ssyncadd.s32 $0xFFFFFFFF  }
0xa6: {  	s26 =	simm.s32 $execute0_lowered;
	[smem:$0x3FD2] =	sst s25  }
0xa7: {  	s6 =	sshll.u32 s26, $0x1;
	_ =	strace $0x80000046;
	[dreg:$0x1] =	wrdreg $0xFFFFFFFF  }
0xa8: {  	s28 =	simm.s32 $_size_execute0_lowered;
	s4 =	sadd.s32 s4, s6;
	[dreg:$0x0] =	wrdreg $0x0  }
0xa9: {  	s6 =	sshll.u32 s28, $0x1;
	[dreg:$0x2] =	wrdreg s4  }
0xaa: {  	[dreg:$0x3] =	wrdreg s6  }
0xab: {  	[dreg:$0x4] =	wrdreg $0xC0  }
0xac: {  	_ =	task [dreg:s8], $0x5FFFF  }
0xad: {  	[dreg:$0x1] =	wrdreg $0xFFFFFFFF  }
0xae: {  	[dreg:$0x0] =	wrdreg $0x60  }
0xaf: {  	[dreg:$0x2] =	wrdreg s18  }
0xb0: {  	[dreg:$0x3] =	wrdreg s24  }
0xb1: {  	[dreg:$0x4] =	wrdreg s2  }
0xb2: {  	[dreg:$0x5] =	wrdreg $0x9  }
0xb3: {  	_ =	task.clear_ibuf [dreg:s8], $0x6FFFF;
	_ =	strace $0x90000046  }
0xb4: {  	s29 =	simm.s32 $0x9;
	_ =	strace $0x80000048  }
0xb5: {  	_ =	swait.ge [sflag:s29], $0x1  }
0xb6: {  	[sflag:s29] =	ssyncadd.s32 $0xFFFFFFFF  }
0xb7: {  	_ =	strace $0x90000048  }
0xb8: {  	_ =	sfence  }
0xb9: {  	s30 =	sld [smem:$0x0];
	_ =	sdelay $0x2  }
0xba: {  	s31 =	sshll.u32 s1, $0xD;
	s1 =	sshrl.u32 s1, $0x2  }
0xbb: {  	s3 =	sand.u32 $0x4000, s31;
	s1 =	sadd.s32 s1, s30  }
0xbc: {  	s0 =	sor.u32 s3, s0;
	s1 =	sshll.u32 s1, $0x11  }
0xbd: {  	s0 =	sor.u32 s1, s0  }
0xbe: {  	s0 =	sadd.s32 $0x8F2B, s0  }
0xbf: {  	[sflag:s0] =	ssyncadd.remote.s32 $0x1  }
0xc0: {  	_ =	sfence.sel $0xFFFF  }
0xc1: {  	[dreg:$0x0] =	wrdreg $0xFFFFFFFF;
	(pc) =	sbr.abs _section_cstart, $3  }
0xc2: {  	[dreg:$0x1] =	wrdreg $0xFFFFFFFF  }
0xc3: {  	_ =	task.clear_ibuf [dreg:s8], $0x2FFFF;
	_ =	strace $0x9FFFFFFF  }
0xc4: {  	(tm) =	ssettm $0x7FFFFFFF  }
0xc5: {  	_ =	shalt  }
tec
execute0_lowered:
.L_overlay_start_1:
0x0: {  	(tag) =	ssettag $0x1  }
0x1: {  	v0 =	vimm.s32 $0x34333231;
	v1 =	vimm.s32 $0x38373635  }
0x2: {  	v36 =	vimm.s32 $0x3C3B3A39;
	v37 =	vimm.s32 $0x3F3E3D;
	vm0 =	vcmask $0x1F10  }
0x3: {  	v59 =	vimm.s32 $0x35343332;
	v60 =	vimm.s32 $0x39383736;
	v40 =	vimm.s32 $0x3D3C3B3A  }
0x4: {  	v41 =	vimm.s32 $0x1003F3E;
	v61 =	vimm.s32 $0x36353433;
	v62 =	vimm.s32 $0x3020100  }
0x5: {  	v63 =	vimm.s32 $0x3A393837;
	v46 =	vimm.s32 $0x201003F;
	v47 =	vimm.s32 $0x3F3E3D3C  }
0x6: {  	v48 =	vimm.s32 $0x37363534;
	v49 =	vimm.s32 $0x3B3A3938;
	v0 =	vunpack.c.0.s8.s32 v0  }
0x7: {  	v4 =	vunpack.c.0.s8.s32 v1;
	v39 =	vunpack.c.0.s8.s32 v36;
	v1 =	vunpack.c.0.s8.s32 v37  }
0x8: {  	v36 =	vunpack.c.0.s8.s32 v59;
	v45 =	vunpack.c.0.s8.s32 v60;
	v40 =	vunpack.c.0.s8.s32 v40  }
0x9: {  	v56 =	vunpack.c.0.s8.s32 v48;
	v57 =	vunpack.c.0.s8.s32 v49;
	v49 =	vunpack.c.0.s8.s32 v63  }
0xa: {  	v51 =	vunpack.c.0.s8.s32 v46;
	v59 =	vimm.s32 $0x4030201;
	v63 =	vimm.s32 $0x98765432  }
0xb: {  	v0 =	vsel vm0, v4, v0;
	[tilespmem:$0x1FDA0] =	vst v39;
	v37 =	vsel vm0, v1, v39;
	v39 =	vunpack.c.0.s8.s32 v41  }
0xc: {  	v48 =	vunpack.c.l.s4.s8 v63;
	v41 =	vunpack.c.0.s8.s32 v47;
	v52 =	vcombine.low v0, v37  }
0xd: {  	[tilespmem:$0x1FDC0] =	vst v40;
	v0 =	vsel vm0, v45, v36;
	v36 =	vsel vm0, v39, v40;
	v40 =	vunpack.c.0.s8.s32 v62  }
0xe: {  	v58 =	vsel vm0, v57, v56;
	v48 =	vunpack.c.0.s8.s32 v48;
	v54 =	vcombine.low v0, v36  }
0xf: {  	v0 =	vunpack.c.0.s8.s32 v61;
	v61 =	vimm.s32 $0x5040302;
	v40 =	vsel vm0, v40, v41  }
0x10: {  	[tilespmem:$0x1FDB0] =	vst v45;
	v62 =	vimm.s32 $0x87654321;
	v46 =	vunpack.c.0.s8.s32 v61;
	v40 =	vcombine.low v58, v40  }
0x11: {  	v5 =	vlaneseq.u32;
	v60 =	vunpack.c.0.s8.s32 v59;
	[tilespmem:$0x1FDD0] =	vst v57;
	v47 =	vunpack.c.l.s4.s8 v62  }
0x12: {  	v50 =	vimm.s32 $0x32107654;
	v48 =	vand.u32 $0xF, v48;
	v56 =	vsel vm0, v46, v39;
	[tilespmem:$0x1FDE0] =	vst v40  }
0x13: {  	s0 =	rddreg [dreg:$0x0];
	s4 =	simm.s32 $0x0;
	v36 =	vcombine.low v36, v48;
	v47 =	vunpack.c.0.s8.s32 v47;
	v40 =	vsel vm0, v60, v1;
	[tilespmem:$0x1FE00] =	vst v56  }
0x14: {  	vm1 =	vcmask $0x2F10;
	vm2 =	vcmask $0x3F30;
	v6 =	vadd.s32 $0x1, v5;
	[smem:$0x7FF] =	sst s4;
	[tilespmem:$0x1FDF0] =	vst v40  }
0x15: {  	s1 =	rddreg [dreg:$0x1];
	v7 =	vadd.s32 $0x2, v5;
	v63 =	vimm.s32 $0x54329876;
	v47 =	vand.u32 $0xF, v47;
	_ =	strace $0x80000047;
	[tilespmem:$0x1FE20] =	vst v36  }
0x16: {  	v37 =	vcombine.low v37, v47;
	v47 =	vunpack.c.l.s4.s8 v63;
	v63 =	vadd.s32 $0x27, v5;
	[tilespmem:$0x1FE30] =	vst v41  }
0x17: {  	v8 =	vadd.s32 $0x3, v5;
	v9 =	vadd.s32 $0x4, v5;
	v10 =	vadd.s32 $0x5, v5;
	[tilespmem:$0x1FE80] =	vst v63  }
0x18: {  	v11 =	vadd.s32 $0x6, v5;
	v57 =	vunpack.c.l.s4.s8 v50;
	v0 =	vsel vm0, v49, v0;
	[tilespmem:$0x1FE90] =	vst v49  }
0x19: {  	v12 =	vadd.s32 $0x7, v5;
	v13 =	vadd.s32 $0x8, v5;
	v59 =	vimm.s32 $0x43218765;
	[tilespmem:$0x1FEA0] =	vst v0  }
0x1a: {  	v14 =	vadd.s32 $0x9, v5;
	v50 =	vunpack.c.l.s4.s8 v59;
	v40 =	vunpack.c.0.s8.s32 v57;
	[tilespmem:$0x1FEC0] =	vst v51  }
0x1b: {  	v15 =	vadd.s32 $0xA, v5;
	v16 =	vadd.s32 $0xB, v5;
	v59 =	vimm.s32 $0xD0C0B0A;
	[tilespmem:$0x1FF90] =	vst v4  }
0x1c: {  	v45 =	vimm.s32 $0x3E3D3C3B;
	v62 =	vunpack.c.0.s8.s32 v50;
	[tilespmem:$0x1FFA0] =	vst v7;
	v60 =	vand.u32 $0xF, v40  }
0x1d: {  	v61 =	vimm.s32 $0xB0A0908;
	[tilespmem:$0x1FFB0] =	vst v8;
	v36 =	vsel vm1, v60, v41;
	v41 =	vimm.s32 $0xC0B0A09  }
0x1e: {  	v57 =	vimm.s32 $0x6543A987;
	[tilespmem:$0x1FFC0] =	vst v9;
	v40 =	vand.u32 $0xF, v62;
	v56 =	vunpack.c.0.s8.s32 v41  }
0x1f: {  	[tilespmem:$0x1FE10] =	vst v37;
	v37 =	vunpack.c.0.s8.s32 v61;
	v47 =	vunpack.c.0.s8.s32 v47;
	v1 =	vsel vm1, v40, v1  }
0x20: {  	v58 =	vimm.s32 $0x6050403;
	v48 =	vunpack.c.l.s4.s8 v57;
	[tilespmem:$0x1FFD0] =	vst v10;
	v1 =	vsel vm2, v56, v1  }
0x21: {  	v36 =	vsel vm2, v37, v36;
	v37 =	vunpack.c.0.s8.s32 v59;
	[tilespmem:$0x1FE50] =	vst v1;
	v1 =	vand.u32 $0xF, v47  }
0x22: {  	v46 =	vunpack.c.0.s8.s32 v58;
	v58 =	vimm.s32 $0xA9876543;
	[tilespmem:$0x1FFE0] =	vst v11;
	v1 =	vsel vm1, v1, v39  }
0x23: {  	v0 =	vunpack.c.0.s8.s32 v45;
	v60 =	vunpack.c.0.s8.s32 v48;
	[tilespmem:$0x1FE40] =	vst v36;
	v1 =	vsel vm2, v37, v1  }
0x24: {  	s2 =	srdreg.scid;
	s3 =	stileid.u32;
	s28 =	simm.s32 $0x1E80;
	v61 =	vimm.s32 $0xE0D0C0B;
	v36 =	vunpack.c.l.s4.s8 v58;
	[tilespmem:$0x1FE60] =	vst v1;
	v1 =	vimm.s32 $0x76543210  }
0x25: {  	s29 =	simm.s32 $0x1;
	s30 =	simm.s32 $0x3B00;
	s23 =	simm.s32 $0x12B00;
	[tilespmem:$0x1FFF0] =	vst v6;
	v40 =	vand.u32 $0xF, v60;
	v39 =	vunpack.c.0.s8.s32 v61;
	v1 =	vunpack.c.l.s4.s8 v1  }
0x26: {  	v17 =	vadd.s32 $0xC, v5;
	s2 =	sand.u32 $0x1, s2;
	s3 =	sshll.u32 s3, $0x1;
	s7 =	sadd.s32 $0x800, s1;
	[tilespmem:$0x1FEB0] =	vst v0;
	v0 =	vsel vm0, v46, v51;
	v62 =	vsel vm1, v40, v51  }
0x27: {  	s8 =	sadd.s32 $0x14E00, s1;
	s13 =	sadd.s32 $0x15000, s1;
	s14 =	sadd.s32 $0x15200, s1;
	[tilespmem:$0x1FED0] =	vst v0;
	v36 =	vunpack.c.0.s8.s32 v36;
	v37 =	vsel vm2, v39, v62;
	v0 =	vunpack.c.0.s8.s32 v1  }
0x28: {  	v18 =	vadd.s32 $0xD, v5;
	v19 =	vadd.s32 $0xE, v5;
	v21 =	vor.u32 $0x10, v5;
	s15 =	sadd.s32 $0x15400, s1;
	s16 =	sadd.s32 $0x15600, s1;
	s3 =	sor.u32 s2, s3;
	[tilespmem:$0x1FE70] =	vst v37  }
0x29: {  	v20 =	vadd.s32 $0xF, v5;
	v24 =	vadd.s32 $0x11, v5;
	s17 =	sadd.s32 $0x15800, s1;
	s18 =	sadd.s32 $0x15A00, s1;
	s5 =	smul.u32 $0x320, s3;
	[tilespmem:$0x1FEE0] =	vst v0;
	v0 =	vand.u32 $0xF, v36  }
0x2a: {  	v28 =	vadd.s32 $0x12, v5;
	v38 =	vadd.s32 $0x13, v5;
	s19 =	sadd.s32 $0x15C00, s1;
	s2 =	ssub.s32 $0x2, s2;
	s9 =	smul.u32 $0xA28, s3;
	[tilespmem:$0x1FEF0] =	vst v0;
	v0 =	vadd.s32 $0x28, v5  }
0x2b: {  	v22 =	vadd.s32 $0x14, v5;
	v26 =	vadd.s32 $0x15, v5;
	s3 =	smul.u32 $0x15E00, s3;
	s11 =	sshrl.u32 s2, $0x1;
	s6 =	sor.u32 $0x8, s5;
	[tilespmem:$0x1FF00] =	vst v0;
	v0 =	vadd.s32 $0x29, v5  }
0x2c: {  	v23 =	vadd.s32 $0x16, v5;
	v30 =	vadd.s32 $0x17, v5;
	s1 =	simm.s32 $0x10B00;
	s2 =	ssub.s32 s2, s11;
	s10 =	smul.u32 $0x1A, s6;
	[tilespmem:$0x1FF10] =	vst v0;
	v0 =	vadd.s32 $0x2A, v5  }
0x2d: {  	v25 =	vadd.s32 $0x18, v5;
	v32 =	vadd.s32 $0x19, v5;
	s11 =	simm.s32 $0x2;
	s9 =	sadd.s32 s7, s9;
	s3 =	sadd.s32 s0, s3;
	[tilespmem:$0x1FF20] =	vst v0;
	v0 =	vadd.s32 $0x2B, v5  }
0x2e: {  	v27 =	vadd.s32 $0x1A, v5;
	v34 =	vadd.s32 $0x1B, v5;
	s12 =	smul.u32 $0x70, s6;
	s24 =	sshrl.u32 s10, $0x3;
	[dreg:$0x4] =	wrdreg s9;
	[tilespmem:$0x1FF30] =	vst v0;
	v0 =	vadd.s32 $0x2C, v5  }
.Ltmp0:
0x2f: {  	v29 =	vadd.s32 $0x1C, v5;
	v35 =	vadd.s32 $0x1D, v5;
	s25 =	sadd.s32 s7, s24;
	[dreg:$0x5] =	wrdreg s3;
	[tilespmem:$0x1FF40] =	vst v0;
	v0 =	vadd.s32 $0x2D, v5;
	(pc) =	sbr.rel .LBB2_1-.Ltmp0, $4  }
0x30: {  	v31 =	vadd.s32 $0x1E, v5;
	v2 =	vadd.s32 $0x1F, v5;
	s20 =	sor.u32 $0x10, s5;
	s26 =	sadd.s32 s0, s12;
	[dreg:$0x6] =	wrdreg s25;
	[tilespmem:$0x1FF50] =	vst v0;
	v0 =	vadd.s32 $0x2E, v5  }
0x31: {  	v33 =	vor.u32 $0x20, v5;
	v42 =	vadd.s32 $0x21, v5;
	s21 =	sor.u32 $0x18, s5;
	s31 =	smax.u32 s2, $0x1;
	[dreg:$0x7] =	wrdreg s26;
	[tilespmem:$0x1FF60] =	vst v0;
	v0 =	vadd.s32 $0x2F, v5  }
0x32: {  	v43 =	vadd.s32 $0x22, v5;
	v44 =	vadd.s32 $0x23, v5;
	s12 =	simm.s32 $0xBB00;
	s10 =	simm.s32 $0x0;
	[dreg:$0x8] =	wrdreg s31;
	[tilespmem:$0x1FF70] =	vst v0;
	v0 =	vor.u32 $0x30, v5  }
0x33: {  	v3 =	vadd.s32 $0x24, v5;
	v55 =	vadd.s32 $0x25, v5;
	v53 =	vadd.s32 $0x26, v5;
	s25 =	simm.s32 $0x200;
	s26 =	simm.s32 $0x100;
	s3 =	simm.s32 $0x11B00;
	[tilespmem:$0x1FF80] =	vst v0  }
.LBB2_8:
0x34: {  	s2 =	simm.s32 $0x3  }
0x35: {  	_ =	swait.ge [sflag:s2], $0x6C00  }
0x36: {  	[sflag:s2] =	ssyncset.done $0x0  }
0x37: {  	s31 =	simm.s32 $0x4;
	[sflag:s2] =	ssyncadd.s32 $0xFFFF9400  }
0x38: {  	_ =	swait.ge [sflag:s31], $0x6C00  }
0x39: {  	s10 =	rddreg [dreg:$0x9]  }
0x3a: {  	s9 =	rddreg [dreg:$0x8];
	s10 =	sadd.s32 $0x1, s10  }
0x3b: {  	p0 =	sne.s32 s10, s9  }
.Ltmp1:
0x3c: {  	_ = 	snop;
	(pc) =	sbr.rel @!p0 .LBB2_9-.Ltmp1, $3  }
0x3d: {  	_ =	sdelay $0x1  }
0x3e: {  	[sflag:s31] =	ssyncset.done $0x0  }
0x3f: {  	v2 =	vmov v41;
	v3 =	vmov v49;
	[sflag:s31] =	ssyncadd.s32 $0xFFFF9400  }
.LBB2_1:
0x40: {  	[dreg:$0x9] =	wrdreg s10  }
0x41: {  	s9 =	rddreg [dreg:$0x2];
	s31 =	simm.s32 $0x13B00;
	s2 =	simm.s32 $0x5  }
0x42: {  	[tilespmem:s31], [sflag:$0x5] =	stream.linear.gather [hbm4b:s9+s4], $0x80, $0x38;
	[tilespmem:$0x13B80] =	vst v63  }
0x43: {  	_ =	swait.ge [sflag:s2], $0x80  }
0x44: {  	[sflag:s2] =	ssyncset.done $0x0  }
0x45: {  	[sflag:s2] =	ssyncadd.s32 $0xFFFFFF80  }
0x46: {  	v0 =	vld [tilespmem:$0x13B00];
	_ =	sdelay $0x1  }
0x47: {  	v1 =	vld [tilespmem:$0x13B10];
	_ =	sdelay $0x1  }
0x48: {  	v51 =	vld [tilespmem:$0x13B20]  }
0x49: {  	[tilespmem:$0x1E00] =	vst v0  }
0x4a: {  	[tilespmem:$0x3A80] =	vst v0;
	v0 =	vld [tilespmem:$0x13B30]  }
0x4b: {  	[tilespmem:$0x1E10] =	vst v1  }
0x4c: {  	[tilespmem:$0x3A90] =	vst v1  }
0x4d: {  	[tilespmem:$0x1E20] =	vst v51  }
0x4e: {  	[tilespmem:$0x3AA0] =	vst v51  }
0x4f: {  	[tilespmem:$0x1E30] =	vst v0  }
0x50: {  	s10 =	rddreg [dreg:$0x4];
	[tilespmem:$0x3AB0] =	vst v0  }
0x51: {  	[tilespmem:s4], [sflag:$0x1] =	stream.linear.gather [hbm4b:s10+s4], $0xD0, $0x38;
	[tilespmem:$0x13B80] =	vst v63  }
0x52: {  	s22 =	rddreg [dreg:$0x5]  }
0x53: {  	[tilespmem:s25], [sflag:$0x1] =	stream.linear.gather [hbm4b:s22+s4], $0x1C00, $0x38;
	[tilespmem:$0x13B80] =	vst v63  }
0x54: {  	s24 =	rddreg [dreg:$0x6]  }
0x55: {  	[tilespmem:s26], [sflag:$0x2] =	stream.linear.gather [hbm4b:s24+s4], $0xD0, $0x38;
	[tilespmem:$0x13B80] =	vst v63  }
0x56: {  	s9 =	simm.s32 $0x0;
	s31 =	rddreg [dreg:$0x7]  }
0x57: {  	[tilespmem:s28], [sflag:$0x2] =	stream.linear.gather [hbm4b:s31+s4], $0x1C00, $0x38;
	[tilespmem:$0x13B80] =	vst v63  }
.LBB2_2:
0x58: {  	_ =	swait.ge [sflag:s29], $0xD0  }
0x59: {  	[sflag:s29] =	ssyncset.done $0x0  }
0x5a: {  	[sflag:s29] =	ssyncadd.s32 $0xFFFFFF30  }
0x5b: {  	_ =	swait.ge [sflag:s29], $0x1C00  }
0x5c: {  	p0 =	seq.s32 s9, $0x0;
	[sflag:s29] =	ssyncset.done $0x0  }
0x5d: {  	s22 =	simm.s32 @!p0 $0x3;
	[sflag:s29] =	ssyncadd.s32 $0xFFFFE400  }
0x5e: {  	_ =	swait.ge @!p0 [sflag:s22], $0x6C00  }
0x5f: {  	v11 =	vld [tilespmem:$0x1FDE0]  }
0x60: {  	v57 =	vld [tilespmem:$0x1FE20]  }
0x61: {  	v58 =	vld [tilespmem:$0x1FE10]  }
0x62: {  	v36 =	vld [tilespmem:$0x1FE40]  }
0x63: {  	v37 =	vld [tilespmem:$0x1FE50]  }
0x64: {  	v39 =	vld [tilespmem:$0x1FE60]  }
0x65: {  	v40 =	vld [tilespmem:$0x1FE70]  }
0x66: {  	v45 =	vld [tilespmem:$0x1FE80]  }
0x67: {  	v46 =	vld [tilespmem:$0x1FF00]  }
0x68: {  	v47 =	vld [tilespmem:$0x1FF10]  }
0x69: {  	v48 =	vld [tilespmem:$0x1FF20]  }
0x6a: {  	v50 =	vld [tilespmem:$0x1FF30]  }
0x6b: {  	v56 =	vld [tilespmem:$0x1FF40]  }
0x6c: {  	v6 =	vld [tilespmem:$0x1FF50]  }
0x6d: {  	v7 =	vld [tilespmem:$0x1FF60]  }
0x6e: {  	v8 =	vld [tilespmem:$0x1FF70]  }
0x6f: {  	[sflag:s22] =	ssyncset.done @!p0 $0x0;
	v9 =	vld [tilespmem:$0x1FF80]  }
0x70: {  	s10 =	sshll.u32 s9, $0x4;
	v41 =	vmov v2;
	v49 =	vmov v3;
	v10 =	vld [tilespmem:$0x1FEB0];
	[sflag:s22] =	ssyncadd.s32 @!p0 $0xFFFF9400;
	s22 =	simm.s32 $0x0  }
.LBB2_3:
0x71: {  	v51 =	vor.u32 s22, v5  }
0x72: {  	vm1 =	vlt.s32 v51, $0xD7  }
0x73: {  	v0 =	vnsel vm1, $0xD7, v51  }
0x74: {  	v1 =	vmulhi.u32 $0x2F684BDB, v0;
	_ =	sdelay $0x1  }
0x75: {  	v59 =	vsub.s32 v0, v1  }
0x76: {  	v59 =	vshrl.u32 v59, $0x1  }
0x77: {  	v1 =	vadd.s32 v1, v59  }
0x78: {  	v1 =	vshrl.u32 v1, $0x4  }
0x79: {  	v2 =	vmul.u32 $0xFFFFFFE5, v1  }
0x7a: {  	v60 =	vmul.u32 $0x1A, v1  }
0x7b: {  	v59 =	vadd.s32 v0, v2  }
0x7c: {  	v0 =	vadd.s32 v59, v60  }
0x7d: {  	v0 =	vadd.s32 $0xFFFFFFFF, v0  }
0x7e: {  	vm1 =	vgt.s32 v0, $0x0  }
0x7f: {  	v0 =	vnsel vm1, $0x0, v0;
	_ =	sdelay $0x4  }
0x80: {  	v0 =	vld.idx.msk [tilespmem:v0+s4+$0x0], $0xffff;
	_ =	sdelay $0x2  }
0x81: {  	v60 =	vmul.u32 $0xE, v1;
	_ =	sdelay $0x1  }
0x82: {  	v61 =	vadd.s32 v60, v0  }
0x83: {  	vm1 =	vlt.s32 v0, $0xD;
	v63 =	vadd.s32 $0x1, v61  }
0x84: {  	vm2 =	veq.s32 v59, $0x0;
	v0 =	vnsel vm1, $0x70, v63  }
0x85: {  	v0 =	vsel vm2, v60, v0  }
0x86: {  	v0 =	vshll.u32 v0, $0x6  }
0x87: {  	v60 =	vor.u32 v5, v0;
	_ =	sdelay $0x2  }
0x88: {  	v1 =	vshll.u32 v1, $0xC;
	v59 =	vshll.u32 v59, $0x7  }
0x89: {  	v2 =	vld [tilespmem:$0x1FFF0];
	v1 =	vadd.s32 v1, v59;
	vm1 =	vlt.u32 v51, $0xD8  }
0x8a: {  	v59 =	vor.u32 v5, v1;
	v51 =	vld.idx.msk [tilespmem:v60+s25+$0x0], $0xffff;
	_ =	sdelay $0x3  }
0x8b: {  	v60 =	vor.u32 v2, v0  }
0x8c: {  	[tilespmem:v59+s30+$0x0] =	vst.idx.msk vm1, v51;
	v59 =	vor.u32 v2, v1;
	v2 =	vld [tilespmem:$0x1FFA0];
	_ =	sdelay $0x3  }
0x8d: {  	v51 =	vld.idx.msk [tilespmem:v60+s25+$0x0], $0xffff  }
0x8e: {  	v60 =	vor.u32 v2, v0;
	_ =	sdelay $0x3  }
0x8f: {  	[tilespmem:v59+s30+$0x0] =	vst.idx.msk vm1, v51;
	v59 =	vor.u32 v2, v1;
	v2 =	vld [tilespmem:$0x1FFB0]  }
0x90: {  	v51 =	vld.idx.msk [tilespmem:v60+s25+$0x0], $0xffff;
	_ =	sdelay $0x3  }
0x91: {  	v60 =	vor.u32 v2, v0  }
0x92: {  	[tilespmem:v59+s30+$0x0] =	vst.idx.msk vm1, v51;
	v59 =	vor.u32 v2, v1;
	v2 =	vld [tilespmem:$0x1FFC0];
	_ =	sdelay $0x3  }
0x93: {  	v51 =	vld.idx.msk [tilespmem:v60+s25+$0x0], $0xffff  }
0x94: {  	v60 =	vor.u32 v2, v0;
	_ =	sdelay $0x3  }
0x95: {  	[tilespmem:v59+s30+$0x0] =	vst.idx.msk vm1, v51;
	v59 =	vor.u32 v2, v1;
	v2 =	vld [tilespmem:$0x1FFD0]  }
0x96: {  	v51 =	vld.idx.msk [tilespmem:v60+s25+$0x0], $0xffff;
	_ =	sdelay $0x3  }
0x97: {  	v60 =	vor.u32 v2, v0  }
0x98: {  	[tilespmem:v59+s30+$0x0] =	vst.idx.msk vm1, v51;
	v59 =	vor.u32 v2, v1;
	v2 =	vld [tilespmem:$0x1FFE0];
	_ =	sdelay $0x3  }
0x99: {  	v51 =	vld.idx.msk [tilespmem:v60+s25+$0x0], $0xffff  }
0x9a: {  	v60 =	vor.u32 v2, v0;
	_ =	sdelay $0x3  }
0x9b: {  	[tilespmem:v59+s30+$0x0] =	vst.idx.msk vm1, v51  }
0x9c: {  	v59 =	vor.u32 v2, v1;
	v51 =	vld.idx.msk [tilespmem:v60+s25+$0x0], $0xffff  }
0x9d: {  	v2 =	vor.u32 v12, v0;
	_ =	sdelay $0x3  }
0x9e: {  	[tilespmem:v59+s30+$0x0] =	vst.idx.msk vm1, v51  }
0x9f: {  	v59 =	vor.u32 v12, v1;
	v51 =	vld.idx.msk [tilespmem:v2+s25+$0x0], $0xffff  }
0xa0: {  	v2 =	vor.u32 v13, v0;
	_ =	sdelay $0x3  }
0xa1: {  	[tilespmem:v59+s30+$0x0] =	vst.idx.msk vm1, v51  }
0xa2: {  	v59 =	vor.u32 v13, v1;
	v51 =	vld.idx.msk [tilespmem:v2+s25+$0x0], $0xffff  }
0xa3: {  	v2 =	vor.u32 v14, v0;
	_ =	sdelay $0x3  }
0xa4: {  	[tilespmem:v59+s30+$0x0] =	vst.idx.msk vm1, v51  }
0xa5: {  	v59 =	vor.u32 v14, v1;
	v51 =	vld.idx.msk [tilespmem:v2+s25+$0x0], $0xffff  }
0xa6: {  	v2 =	vor.u32 v15, v0;
	_ =	sdelay $0x3  }
0xa7: {  	[tilespmem:v59+s30+$0x0] =	vst.idx.msk vm1, v51  }
0xa8: {  	v59 =	vor.u32 v15, v1;
	v51 =	vld.idx.msk [tilespmem:v2+s25+$0x0], $0xffff  }
0xa9: {  	v2 =	vor.u32 v16, v0;
	_ =	sdelay $0x3  }
0xaa: {  	[tilespmem:v59+s30+$0x0] =	vst.idx.msk vm1, v51  }
0xab: {  	v59 =	vor.u32 v16, v1;
	v51 =	vld.idx.msk [tilespmem:v2+s25+$0x0], $0xffff  }
0xac: {  	v2 =	vor.u32 v17, v0;
	_ =	sdelay $0x3  }
0xad: {  	[tilespmem:v59+s30+$0x0] =	vst.idx.msk vm1, v51  }
0xae: {  	v59 =	vor.u32 v17, v1;
	v51 =	vld.idx.msk [tilespmem:v2+s25+$0x0], $0xffff  }
0xaf: {  	v2 =	vor.u32 v18, v0;
	_ =	sdelay $0x3  }
0xb0: {  	[tilespmem:v59+s30+$0x0] =	vst.idx.msk vm1, v51  }
0xb1: {  	v59 =	vor.u32 v18, v1;
	v51 =	vld.idx.msk [tilespmem:v2+s25+$0x0], $0xffff  }
0xb2: {  	v2 =	vor.u32 v19, v0;
	_ =	sdelay $0x3  }
0xb3: {  	[tilespmem:v59+s30+$0x0] =	vst.idx.msk vm1, v51  }
0xb4: {  	v59 =	vor.u32 v19, v1;
	v51 =	vld.idx.msk [tilespmem:v2+s25+$0x0], $0xffff  }
0xb5: {  	v2 =	vor.u32 v20, v0;
	_ =	sdelay $0x3  }
0xb6: {  	[tilespmem:v59+s30+$0x0] =	vst.idx.msk vm1, v51  }
0xb7: {  	v59 =	vor.u32 v20, v1;
	v51 =	vld.idx.msk [tilespmem:v2+s25+$0x0], $0xffff  }
0xb8: {  	v2 =	vor.u32 v21, v0;
	_ =	sdelay $0x3  }
0xb9: {  	[tilespmem:v59+s30+$0x0] =	vst.idx.msk vm1, v51  }
0xba: {  	v59 =	vor.u32 v21, v1;
	v51 =	vld.idx.msk [tilespmem:v2+s25+$0x0], $0xffff  }
0xbb: {  	v2 =	vor.u32 v24, v0;
	_ =	sdelay $0x3  }
0xbc: {  	[tilespmem:v59+s30+$0x0] =	vst.idx.msk vm1, v51  }
0xbd: {  	v59 =	vor.u32 v24, v1;
	v51 =	vld.idx.msk [tilespmem:v2+s25+$0x0], $0xffff  }
0xbe: {  	v2 =	vor.u32 v28, v0;
	_ =	sdelay $0x3  }
0xbf: {  	[tilespmem:v59+s30+$0x0] =	vst.idx.msk vm1, v51  }
0xc0: {  	v59 =	vor.u32 v28, v1;
	v51 =	vld.idx.msk [tilespmem:v2+s25+$0x0], $0xffff  }
0xc1: {  	v2 =	vor.u32 v38, v0;
	_ =	sdelay $0x3  }
0xc2: {  	[tilespmem:v59+s30+$0x0] =	vst.idx.msk vm1, v51  }
0xc3: {  	v59 =	vor.u32 v38, v1;
	v51 =	vld.idx.msk [tilespmem:v2+s25+$0x0], $0xffff  }
0xc4: {  	v2 =	vor.u32 v22, v0;
	_ =	sdelay $0x3  }
0xc5: {  	[tilespmem:v59+s30+$0x0] =	vst.idx.msk vm1, v51  }
0xc6: {  	v59 =	vor.u32 v22, v1;
	v51 =	vld.idx.msk [tilespmem:v2+s25+$0x0], $0xffff  }
0xc7: {  	v2 =	vor.u32 v26, v0;
	_ =	sdelay $0x3  }
0xc8: {  	[tilespmem:v59+s30+$0x0] =	vst.idx.msk vm1, v51  }
0xc9: {  	v59 =	vor.u32 v26, v1;
	v51 =	vld.idx.msk [tilespmem:v2+s25+$0x0], $0xffff  }
0xca: {  	v2 =	vor.u32 v23, v0;
	_ =	sdelay $0x3  }
0xcb: {  	[tilespmem:v59+s30+$0x0] =	vst.idx.msk vm1, v51  }
0xcc: {  	v59 =	vor.u32 v23, v1;
	v51 =	vld.idx.msk [tilespmem:v2+s25+$0x0], $0xffff  }
0xcd: {  	v2 =	vor.u32 v30, v0;
	_ =	sdelay $0x3  }
0xce: {  	[tilespmem:v59+s30+$0x0] =	vst.idx.msk vm1, v51  }
0xcf: {  	v59 =	vor.u32 v30, v1;
	v51 =	vld.idx.msk [tilespmem:v2+s25+$0x0], $0xffff  }
0xd0: {  	v2 =	vor.u32 v25, v0;
	_ =	sdelay $0x3  }
0xd1: {  	[tilespmem:v59+s30+$0x0] =	vst.idx.msk vm1, v51  }
0xd2: {  	v59 =	vor.u32 v25, v1;
	v51 =	vld.idx.msk [tilespmem:v2+s25+$0x0], $0xffff  }
0xd3: {  	v2 =	vor.u32 v32, v0;
	_ =	sdelay $0x3  }
0xd4: {  	[tilespmem:v59+s30+$0x0] =	vst.idx.msk vm1, v51  }
0xd5: {  	v59 =	vor.u32 v32, v1;
	v51 =	vld.idx.msk [tilespmem:v2+s25+$0x0], $0xffff  }
0xd6: {  	v2 =	vor.u32 v27, v0;
	_ =	sdelay $0x3  }
0xd7: {  	[tilespmem:v59+s30+$0x0] =	vst.idx.msk vm1, v51  }
0xd8: {  	v59 =	vor.u32 v27, v1;
	v51 =	vld.idx.msk [tilespmem:v2+s25+$0x0], $0xffff  }
0xd9: {  	v2 =	vor.u32 v34, v0;
	_ =	sdelay $0x3  }
0xda: {  	[tilespmem:v59+s30+$0x0] =	vst.idx.msk vm1, v51  }
0xdb: {  	v59 =	vor.u32 v34, v1;
	v51 =	vld.idx.msk [tilespmem:v2+s25+$0x0], $0xffff  }
0xdc: {  	v2 =	vor.u32 v29, v0;
	_ =	sdelay $0x3  }
0xdd: {  	[tilespmem:v59+s30+$0x0] =	vst.idx.msk vm1, v51  }
0xde: {  	v59 =	vor.u32 v29, v1;
	v51 =	vld.idx.msk [tilespmem:v2+s25+$0x0], $0xffff  }
0xdf: {  	v2 =	vor.u32 v35, v0;
	_ =	sdelay $0x3  }
0xe0: {  	[tilespmem:v59+s30+$0x0] =	vst.idx.msk vm1, v51  }
0xe1: {  	v59 =	vor.u32 v35, v1;
	v51 =	vld.idx.msk [tilespmem:v2+s25+$0x0], $0xffff  }
0xe2: {  	v2 =	vor.u32 v31, v0;
	_ =	sdelay $0x3  }
0xe3: {  	[tilespmem:v59+s30+$0x0] =	vst.idx.msk vm1, v51  }
0xe4: {  	v59 =	vor.u32 v31, v1;
	v51 =	vld.idx.msk [tilespmem:v2+s25+$0x0], $0xffff  }
0xe5: {  	v2 =	vor.u32 v41, v0;
	_ =	sdelay $0x3  }
0xe6: {  	[tilespmem:v59+s30+$0x0] =	vst.idx.msk vm1, v51  }
0xe7: {  	v59 =	vor.u32 v41, v1;
	v51 =	vld.idx.msk [tilespmem:v2+s25+$0x0], $0xffff  }
0xe8: {  	v2 =	vor.u32 v33, v0;
	_ =	sdelay $0x3  }
0xe9: {  	[tilespmem:v59+s30+$0x0] =	vst.idx.msk vm1, v51  }
0xea: {  	v59 =	vor.u32 v33, v1;
	v51 =	vld.idx.msk [tilespmem:v2+s25+$0x0], $0xffff  }
0xeb: {  	v2 =	vor.u32 v42, v0;
	_ =	sdelay $0x3  }
0xec: {  	[tilespmem:v59+s30+$0x0] =	vst.idx.msk vm1, v51  }
0xed: {  	v59 =	vor.u32 v42, v1;
	v51 =	vld.idx.msk [tilespmem:v2+s25+$0x0], $0xffff  }
0xee: {  	v2 =	vor.u32 v43, v0;
	_ =	sdelay $0x3  }
0xef: {  	[tilespmem:v59+s30+$0x0] =	vst.idx.msk vm1, v51  }
0xf0: {  	v59 =	vor.u32 v43, v1;
	v51 =	vld.idx.msk [tilespmem:v2+s25+$0x0], $0xffff  }
0xf1: {  	v2 =	vor.u32 v44, v0;
	_ =	sdelay $0x3  }
0xf2: {  	[tilespmem:v59+s30+$0x0] =	vst.idx.msk vm1, v51  }
0xf3: {  	v59 =	vor.u32 v44, v1;
	v51 =	vld.idx.msk [tilespmem:v2+s25+$0x0], $0xffff  }
0xf4: {  	v2 =	vor.u32 v49, v0;
	_ =	sdelay $0x3  }
0xf5: {  	[tilespmem:v59+s30+$0x0] =	vst.idx.msk vm1, v51  }
0xf6: {  	v59 =	vor.u32 v49, v1;
	v51 =	vld.idx.msk [tilespmem:v2+s25+$0x0], $0xffff  }
0xf7: {  	v2 =	vor.u32 v55, v0;
	_ =	sdelay $0x3  }
0xf8: {  	[tilespmem:v59+s30+$0x0] =	vst.idx.msk vm1, v51  }
0xf9: {  	v59 =	vor.u32 v55, v1;
	v51 =	vld.idx.msk [tilespmem:v2+s25+$0x0], $0xffff  }
0xfa: {  	v2 =	vor.u32 v53, v0;
	_ =	sdelay $0x3  }
0xfb: {  	[tilespmem:v59+s30+$0x0] =	vst.idx.msk vm1, v51  }
0xfc: {  	v59 =	vor.u32 v53, v1;
	v51 =	vld.idx.msk [tilespmem:v2+s25+$0x0], $0xffff  }
0xfd: {  	v2 =	vor.u32 v45, v0;
	_ =	sdelay $0x3  }
0xfe: {  	[tilespmem:v59+s30+$0x0] =	vst.idx.msk vm1, v51  }
0xff: {  	v59 =	vor.u32 v45, v1;
	v51 =	vld.idx.msk [tilespmem:v2+s25+$0x0], $0xffff  }
0x100: {  	v2 =	vor.u32 v46, v0;
	_ =	sdelay $0x3  }
0x101: {  	[tilespmem:v59+s30+$0x0] =	vst.idx.msk vm1, v51  }
0x102: {  	v59 =	vor.u32 v46, v1;
	v51 =	vld.idx.msk [tilespmem:v2+s25+$0x0], $0xffff  }
0x103: {  	v2 =	vor.u32 v47, v0;
	_ =	sdelay $0x3  }
0x104: {  	[tilespmem:v59+s30+$0x0] =	vst.idx.msk vm1, v51  }
0x105: {  	v59 =	vor.u32 v47, v1;
	v51 =	vld.idx.msk [tilespmem:v2+s25+$0x0], $0xffff  }
0x106: {  	v2 =	vor.u32 v48, v0;
	_ =	sdelay $0x3  }
0x107: {  	[tilespmem:v59+s30+$0x0] =	vst.idx.msk vm1, v51  }
0x108: {  	v59 =	vor.u32 v48, v1;
	v51 =	vld.idx.msk [tilespmem:v2+s25+$0x0], $0xffff  }
0x109: {  	v2 =	vor.u32 v50, v0;
	_ =	sdelay $0x3  }
0x10a: {  	[tilespmem:v59+s30+$0x0] =	vst.idx.msk vm1, v51  }
0x10b: {  	v59 =	vor.u32 v50, v1;
	v51 =	vld.idx.msk [tilespmem:v2+s25+$0x0], $0xffff  }
0x10c: {  	v2 =	vor.u32 v56, v0;
	_ =	sdelay $0x3  }
0x10d: {  	[tilespmem:v59+s30+$0x0] =	vst.idx.msk vm1, v51  }
0x10e: {  	v59 =	vor.u32 v56, v1;
	v51 =	vld.idx.msk [tilespmem:v2+s25+$0x0], $0xffff  }
0x10f: {  	v2 =	vor.u32 v6, v0;
	_ =	sdelay $0x3  }
0x110: {  	[tilespmem:v59+s30+$0x0] =	vst.idx.msk vm1, v51  }
0x111: {  	v59 =	vor.u32 v6, v1;
	v51 =	vld.idx.msk [tilespmem:v2+s25+$0x0], $0xffff  }
0x112: {  	v2 =	vor.u32 v7, v0;
	_ =	sdelay $0x3  }
0x113: {  	[tilespmem:v59+s30+$0x0] =	vst.idx.msk vm1, v51  }
0x114: {  	v59 =	vor.u32 v7, v1;
	v51 =	vld.idx.msk [tilespmem:v2+s25+$0x0], $0xffff  }
0x115: {  	v2 =	vor.u32 v8, v0;
	_ =	sdelay $0x3  }
0x116: {  	[tilespmem:v59+s30+$0x0] =	vst.idx.msk vm1, v51  }
0x117: {  	v59 =	vor.u32 v8, v1;
	v51 =	vld.idx.msk [tilespmem:v2+s25+$0x0], $0xffff  }
0x118: {  	v2 =	vor.u32 v9, v0;
	_ =	sdelay $0x3  }
0x119: {  	[tilespmem:v59+s30+$0x0] =	vst.idx.msk vm1, v51  }
0x11a: {  	v59 =	vor.u32 v9, v1;
	v51 =	vld.idx.msk [tilespmem:v2+s25+$0x0], $0xffff  }
0x11b: {  	v2 =	vor.u32 v52, v0;
	_ =	sdelay $0x2  }
0x11c: {  	v3 =	vld [tilespmem:$0x1FEA0]  }
0x11d: {  	v63 =	vld [tilespmem:$0x1FEC0];
	[tilespmem:v59+s30+$0x0] =	vst.idx.msk vm1, v51  }
0x11e: {  	v59 =	vor.u32 v52, v1;
	v51 =	vld.idx.msk [tilespmem:v2+s25+$0x0], $0xffff  }
0x11f: {  	v60 =	vor.u32 v54, v0;
	_ =	sdelay $0x2  }
0x120: {  	v4 =	vld [tilespmem:$0x1FDA0];
	v2 =	vsel vm0, v63, v10  }
0x121: {  	[tilespmem:v59+s30+$0x0] =	vst.idx.msk vm1, v51;
	v51 =	vcombine.low v3, v2;
	v3 =	vld [tilespmem:$0x1FF90]  }
0x122: {  	v59 =	vld.idx.msk [tilespmem:v60+s25+$0x0], $0xffff;
	v60 =	vor.u32 v54, v1  }
0x123: {  	v61 =	vor.u32 v51, v0;
	_ =	sdelay $0x3  }
0x124: {  	v62 =	vsel vm0, v4, v3;
	v3 =	vld [tilespmem:$0x1FDF0];
	[tilespmem:v60+s30+$0x0] =	vst.idx.msk vm1, v59  }
0x125: {  	v60 =	vor.u32 v51, v1;
	v59 =	vld.idx.msk [tilespmem:v61+s25+$0x0], $0xffff;
	_ =	sdelay $0x3  }
0x126: {  	v4 =	vld [tilespmem:$0x1FDC0];
	v61 =	vor.u32 v11, v0  }
0x127: {  	[tilespmem:v60+s30+$0x0] =	vst.idx.msk vm1, v59;
	v59 =	vcombine.low v62, v3;
	v3 =	vld [tilespmem:$0x1FDB0];
	_ =	sdelay $0x3  }
0x128: {  	v60 =	vld.idx.msk [tilespmem:v61+s25+$0x0], $0xffff;
	v61 =	vor.u32 v11, v1  }
0x129: {  	v62 =	vor.u32 v59, v0;
	v63 =	vsel vm0, v4, v3;
	v3 =	vld [tilespmem:$0x1FE00];
	_ =	sdelay $0x3  }
0x12a: {  	[tilespmem:v61+s30+$0x0] =	vst.idx.msk vm1, v60  }
0x12b: {  	v60 =	vld.idx.msk [tilespmem:v62+s25+$0x0], $0xffff;
	v61 =	vcombine.low v63, v3  }
0x12c: {  	v62 =	vor.u32 v59, v1;
	v3 =	vld [tilespmem:$0x1FE90]  }
0x12d: {  	v4 =	vld [tilespmem:$0x1FED0];
	v63 =	vor.u32 v61, v0;
	_ =	sdelay $0x3  }
0x12e: {  	[tilespmem:v62+s30+$0x0] =	vst.idx.msk vm1, v60;
	v3 =	vsel vm0, v10, v3  }
0x12f: {  	v60 =	vor.u32 v61, v1;
	v62 =	vcombine.low v3, v4;
	v3 =	vld.idx.msk [tilespmem:v63+s25+$0x0], $0xffff;
	_ =	sdelay $0x2  }
0x130: {  	v5 =	vld [tilespmem:$0x1FE30]  }
0x131: {  	v63 =	vld [tilespmem:$0x1FDD0]  }
0x132: {  	[tilespmem:v60+s30+$0x0] =	vst.idx.msk vm1, v3;
	v3 =	vld [tilespmem:$0x1FEE0]  }
0x133: {  	v4 =	vor.u32 v62, v0;
	_ =	sdelay $0x2  }
0x134: {  	v63 =	vsel vm0, v5, v63  }
0x135: {  	v63 =	vcombine.low v63, v3  }
0x136: {  	v3 =	vld.idx.msk [tilespmem:v4+s25+$0x0], $0xffff;
	v4 =	vor.u32 v62, v1  }
0x137: {  	v60 =	vor.u32 v63, v0;
	_ =	sdelay $0x3  }
0x138: {  	[tilespmem:v4+s30+$0x0] =	vst.idx.msk vm1, v3  }
0x139: {  	v4 =	vor.u32 v63, v1;
	v3 =	vld.idx.msk [tilespmem:v60+s25+$0x0], $0xffff  }
0x13a: {  	v60 =	vor.u32 v58, v0;
	_ =	sdelay $0x3  }
0x13b: {  	[tilespmem:v4+s30+$0x0] =	vst.idx.msk vm1, v3  }
0x13c: {  	v4 =	vor.u32 v58, v1;
	v3 =	vld.idx.msk [tilespmem:v60+s25+$0x0], $0xffff;
	_ =	sdelay $0x4  }
0x13d: {  	[tilespmem:v4+s30+$0x0] =	vst.idx.msk vm1, v3;
	v3 =	vld [tilespmem:$0x1FEF0]  }
0x13e: {  	v5 =	vor.u32 v57, v0;
	_ =	sdelay $0x3  }
0x13f: {  	v60 =	vcombine.low v2, v3  }
0x140: {  	v2 =	vld.idx.msk [tilespmem:v5+s25+$0x0], $0xffff;
	v3 =	vor.u32 v57, v1  }
0x141: {  	v4 =	vor.u32 v60, v0;
	_ =	sdelay $0x3  }
0x142: {  	[tilespmem:v3+s30+$0x0] =	vst.idx.msk vm1, v2  }
0x143: {  	v3 =	vor.u32 v60, v1;
	v2 =	vld.idx.msk [tilespmem:v4+s25+$0x0], $0xffff  }
0x144: {  	v4 =	vor.u32 v36, v0;
	_ =	sdelay $0x3  }
0x145: {  	[tilespmem:v3+s30+$0x0] =	vst.idx.msk vm1, v2  }
0x146: {  	v3 =	vor.u32 v36, v1;
	v2 =	vld.idx.msk [tilespmem:v4+s25+$0x0], $0xffff  }
0x147: {  	v4 =	vor.u32 v37, v0;
	_ =	sdelay $0x3  }
0x148: {  	[tilespmem:v3+s30+$0x0] =	vst.idx.msk vm1, v2  }
0x149: {  	v3 =	vor.u32 v37, v1;
	v2 =	vld.idx.msk [tilespmem:v4+s25+$0x0], $0xffff  }
0x14a: {  	v4 =	vor.u32 v39, v0;
	_ =	sdelay $0x3  }
0x14b: {  	[tilespmem:v3+s30+$0x0] =	vst.idx.msk vm1, v2  }
0x14c: {  	v3 =	vor.u32 v39, v1;
	v2 =	vld.idx.msk [tilespmem:v4+s25+$0x0], $0xffff  }
0x14d: {  	v0 =	vor.u32 v40, v0;
	_ =	sdelay $0x3  }
0x14e: {  	[tilespmem:v3+s30+$0x0] =	vst.idx.msk vm1, v2  }
0x14f: {  	p1 =	sne.s32 s22, $0xD0;
	v1 =	vor.u32 v40, v1;
	v0 =	vld.idx.msk [tilespmem:v0+s25+$0x0], $0xffff  }
.Ltmp2:
0x150: {  	_ = 	snop;
	(pc) =	sbr.rel @p1 .LBB2_3-.Ltmp2, $2  }
0x151: {  	_ =	sdelay $0x2  }
0x152: {  	s22 =	sadd.s32 $0x10, s22;
	v5 =	vlaneseq.u32;
	[tilespmem:v1+s30+$0x0] =	vst.idx.msk vm1, v0  }
0x153: {  	s22 =	sadd.s32 s5, s10  }
0x154: {  	s22 =	sshll.u32 s22, $0x9  }
0x155: {  	s24 =	sadd.s32 s8, s22  }
0x156: {  	[hbm4b:s24+s4] =	stream.linear.scatter [tilespmem:s30], [sflag:$0x3], $0xD80, $0x38;
	[tilespmem:$0x13B80] =	vst v63  }
0x157: {  	s31 =	simm.s32 $0x4B00;
	s2 =	sadd.s32 s22, s13  }
0x158: {  	[hbm4b:s2+s4] =	stream.linear.scatter [tilespmem:s31], [sflag:$0x3], $0xD80, $0x38;
	[tilespmem:$0x13B80] =	vst v63  }
0x159: {  	s24 =	sadd.s32 s22, s14;
	s2 =	simm.s32 $0x5B00  }
0x15a: {  	[hbm4b:s24+s4] =	stream.linear.scatter [tilespmem:s2], [sflag:$0x3], $0xD80, $0x38;
	[tilespmem:$0x13B80] =	vst v63  }
0x15b: {  	s24 =	sadd.s32 s22, s15;
	s2 =	simm.s32 $0x6B00  }
0x15c: {  	[hbm4b:s24+s4] =	stream.linear.scatter [tilespmem:s2], [sflag:$0x3], $0xD80, $0x38;
	[tilespmem:$0x13B80] =	vst v63  }
0x15d: {  	s24 =	sadd.s32 s22, s16;
	s2 =	simm.s32 $0x7B00  }
0x15e: {  	[hbm4b:s24+s4] =	stream.linear.scatter [tilespmem:s2], [sflag:$0x3], $0xD80, $0x38;
	[tilespmem:$0x13B80] =	vst v63  }
0x15f: {  	s24 =	sadd.s32 s22, s17;
	s2 =	simm.s32 $0x8B00  }
0x160: {  	[hbm4b:s24+s4] =	stream.linear.scatter [tilespmem:s2], [sflag:$0x3], $0xD80, $0x38;
	[tilespmem:$0x13B80] =	vst v63  }
0x161: {  	p1 =	seq.s32 s9, $0x31;
	s24 =	sadd.s32 s22, s18;
	s2 =	simm.s32 $0x9B00  }
0x162: {  	[hbm4b:s24+s4] =	stream.linear.scatter [tilespmem:s2], [sflag:$0x3], $0xD80, $0x38;
	[tilespmem:$0x13B80] =	vst v63  }
0x163: {  	s24 =	sadd.s32 @!p1 s10, s20  }
0x164: {  	s22 =	sadd.s32 s22, s19;
	s2 =	simm.s32 $0xAB00;
	s31 =	smul.u32 @!p1 $0x1A, s24  }
0x165: {  	[hbm4b:s22+s4] =	stream.linear.scatter [tilespmem:s2], [sflag:$0x3], $0xD80, $0x38;
	[tilespmem:$0x13B80] =	vst v63  }
0x166: {  	s22 =	sshrl.u32 @!p1 s31, $0x3  }
0x167: {  	s24 =	smul.u32 @!p1 $0x70, s24;
	s31 =	simm.s32 @!p1 $0x0;
	s22 =	sadd.s32 @!p1 s7, s22  }
0x168: {  	[tilespmem:s31], [sflag:$0x1] =	stream.linear.gather @!p1 [hbm4b:s22+s31], $0xD0, $0x38;
	[tilespmem:$0x13B80] =	vst v63  }
0x169: {  	s22 =	sadd.s32 @!p1 s0, s24;
	s24 =	simm.s32 @!p1 $0x200  }
0x16a: {  	[tilespmem:s24], [sflag:$0x1] =	stream.linear.gather @!p1 [hbm4b:s22+s31], $0x1C00, $0x38;
	[tilespmem:$0x13B80] =	vst v63  }
0x16b: {  	_ =	swait.ge [sflag:s11], $0xD0  }
0x16c: {  	[sflag:s11] =	ssyncset.done $0x0  }
0x16d: {  	[sflag:s11] =	ssyncadd.s32 $0xFFFFFF30  }
0x16e: {  	_ =	swait.ge [sflag:s11], $0x1C00  }
0x16f: {  	[sflag:s11] =	ssyncset.done $0x0  }
0x170: {  	s22 =	simm.s32 @!p0 $0x4;
	[sflag:s11] =	ssyncadd.s32 $0xFFFFE400  }
0x171: {  	_ =	swait.ge @!p0 [sflag:s22], $0x6C00  }
0x172: {  	[sflag:s22] =	ssyncset.done @!p0 $0x0  }
0x173: {  	[sflag:s22] =	ssyncadd.s32 @!p0 $0xFFFF9400;
	s22 =	simm.s32 $0x0  }
.LBB2_5:
0x174: {  	v2 =	vor.u32 s22, v5  }
0x175: {  	vm1 =	vlt.s32 v2, $0xD7  }
0x176: {  	v0 =	vnsel vm1, $0xD7, v2  }
0x177: {  	v1 =	vmulhi.u32 $0x2F684BDB, v0;
	_ =	sdelay $0x1  }
0x178: {  	v3 =	vsub.s32 v0, v1  }
0x179: {  	v3 =	vshrl.u32 v3, $0x1  }
0x17a: {  	v1 =	vadd.s32 v1, v3  }
0x17b: {  	v1 =	vshrl.u32 v1, $0x4  }
0x17c: {  	v3 =	vmul.u32 $0xFFFFFFE5, v1  }
0x17d: {  	v4 =	vmul.u32 $0x1A, v1  }
0x17e: {  	v3 =	vadd.s32 v0, v3  }
0x17f: {  	v0 =	vadd.s32 v3, v4  }
0x180: {  	v0 =	vadd.s32 $0xFFFFFFFF, v0  }
0x181: {  	vm1 =	vgt.s32 v0, $0x0  }
0x182: {  	v0 =	vnsel vm1, $0x0, v0;
	_ =	sdelay $0x4  }
0x183: {  	v0 =	vld.idx.msk [tilespmem:v0+s26+$0x0], $0xffff;
	_ =	sdelay $0x2  }
0x184: {  	v4 =	vmul.u32 $0xE, v1;
	_ =	sdelay $0x1  }
0x185: {  	v5 =	vadd.s32 v4, v0  }
0x186: {  	vm1 =	vlt.s32 v0, $0xD;
	v0 =	vadd.s32 $0x1, v5  }
0x187: {  	vm2 =	veq.s32 v3, $0x0;
	v0 =	vnsel vm1, $0x70, v0  }
0x188: {  	v0 =	vsel vm2, v4, v0  }
0x189: {  	v5 =	vlaneseq.u32;
	v0 =	vshll.u32 v0, $0x6  }
0x18a: {  	v4 =	vor.u32 v5, v0;
	_ =	sdelay $0x2  }
0x18b: {  	v1 =	vshll.u32 v1, $0xC;
	v3 =	vshll.u32 v3, $0x7  }
0x18c: {  	v10 =	vld [tilespmem:$0x1FFF0];
	v1 =	vadd.s32 v1, v3;
	vm1 =	vlt.u32 v2, $0xD8  }
0x18d: {  	v3 =	vor.u32 v5, v1;
	v2 =	vld.idx.msk [tilespmem:v4+s28+$0x0], $0xffff;
	_ =	sdelay $0x3  }
0x18e: {  	v4 =	vor.u32 v10, v0  }
0x18f: {  	[tilespmem:v3+s12+$0x0] =	vst.idx.msk vm1, v2;
	v3 =	vor.u32 v10, v1;
	v10 =	vld [tilespmem:$0x1FFA0];
	_ =	sdelay $0x3  }
0x190: {  	v2 =	vld.idx.msk [tilespmem:v4+s28+$0x0], $0xffff  }
0x191: {  	v4 =	vor.u32 v10, v0;
	_ =	sdelay $0x3  }
0x192: {  	[tilespmem:v3+s12+$0x0] =	vst.idx.msk vm1, v2;
	v3 =	vor.u32 v10, v1;
	v10 =	vld [tilespmem:$0x1FFB0]  }
0x193: {  	v2 =	vld.idx.msk [tilespmem:v4+s28+$0x0], $0xffff;
	_ =	sdelay $0x3  }
0x194: {  	v4 =	vor.u32 v10, v0  }
0x195: {  	[tilespmem:v3+s12+$0x0] =	vst.idx.msk vm1, v2;
	v3 =	vor.u32 v10, v1;
	v10 =	vld [tilespmem:$0x1FFC0];
	_ =	sdelay $0x3  }
0x196: {  	v2 =	vld.idx.msk [tilespmem:v4+s28+$0x0], $0xffff  }
0x197: {  	v4 =	vor.u32 v10, v0;
	_ =	sdelay $0x3  }
0x198: {  	[tilespmem:v3+s12+$0x0] =	vst.idx.msk vm1, v2;
	v3 =	vor.u32 v10, v1;
	v10 =	vld [tilespmem:$0x1FFD0]  }
0x199: {  	v2 =	vld.idx.msk [tilespmem:v4+s28+$0x0], $0xffff;
	_ =	sdelay $0x3  }
0x19a: {  	v4 =	vor.u32 v10, v0  }
0x19b: {  	[tilespmem:v3+s12+$0x0] =	vst.idx.msk vm1, v2;
	v3 =	vor.u32 v10, v1;
	v10 =	vld [tilespmem:$0x1FFE0];
	_ =	sdelay $0x3  }
0x19c: {  	v2 =	vld.idx.msk [tilespmem:v4+s28+$0x0], $0xffff  }
0x19d: {  	v4 =	vor.u32 v10, v0;
	_ =	sdelay $0x3  }
0x19e: {  	[tilespmem:v3+s12+$0x0] =	vst.idx.msk vm1, v2  }
0x19f: {  	v3 =	vor.u32 v10, v1;
	v2 =	vld.idx.msk [tilespmem:v4+s28+$0x0], $0xffff  }
0x1a0: {  	v4 =	vor.u32 v12, v0;
	_ =	sdelay $0x3  }
0x1a1: {  	[tilespmem:v3+s12+$0x0] =	vst.idx.msk vm1, v2  }
0x1a2: {  	v3 =	vor.u32 v12, v1;
	v2 =	vld.idx.msk [tilespmem:v4+s28+$0x0], $0xffff  }
0x1a3: {  	v4 =	vor.u32 v13, v0;
	_ =	sdelay $0x3  }
0x1a4: {  	[tilespmem:v3+s12+$0x0] =	vst.idx.msk vm1, v2  }
0x1a5: {  	v3 =	vor.u32 v13, v1;
	v2 =	vld.idx.msk [tilespmem:v4+s28+$0x0], $0xffff  }
0x1a6: {  	v4 =	vor.u32 v14, v0;
	_ =	sdelay $0x3  }
0x1a7: {  	[tilespmem:v3+s12+$0x0] =	vst.idx.msk vm1, v2  }
0x1a8: {  	v3 =	vor.u32 v14, v1;
	v2 =	vld.idx.msk [tilespmem:v4+s28+$0x0], $0xffff  }
0x1a9: {  	v4 =	vor.u32 v15, v0;
	_ =	sdelay $0x3  }
0x1aa: {  	[tilespmem:v3+s12+$0x0] =	vst.idx.msk vm1, v2  }
0x1ab: {  	v3 =	vor.u32 v15, v1;
	v2 =	vld.idx.msk [tilespmem:v4+s28+$0x0], $0xffff  }
0x1ac: {  	v4 =	vor.u32 v16, v0;
	_ =	sdelay $0x3  }
0x1ad: {  	[tilespmem:v3+s12+$0x0] =	vst.idx.msk vm1, v2  }
0x1ae: {  	v3 =	vor.u32 v16, v1;
	v2 =	vld.idx.msk [tilespmem:v4+s28+$0x0], $0xffff  }
0x1af: {  	v4 =	vor.u32 v17, v0;
	_ =	sdelay $0x3  }
0x1b0: {  	[tilespmem:v3+s12+$0x0] =	vst.idx.msk vm1, v2  }
0x1b1: {  	v3 =	vor.u32 v17, v1;
	v2 =	vld.idx.msk [tilespmem:v4+s28+$0x0], $0xffff  }
0x1b2: {  	v4 =	vor.u32 v18, v0;
	_ =	sdelay $0x3  }
0x1b3: {  	[tilespmem:v3+s12+$0x0] =	vst.idx.msk vm1, v2  }
0x1b4: {  	v3 =	vor.u32 v18, v1;
	v2 =	vld.idx.msk [tilespmem:v4+s28+$0x0], $0xffff  }
0x1b5: {  	v4 =	vor.u32 v19, v0;
	_ =	sdelay $0x3  }
0x1b6: {  	[tilespmem:v3+s12+$0x0] =	vst.idx.msk vm1, v2  }
0x1b7: {  	v3 =	vor.u32 v19, v1;
	v2 =	vld.idx.msk [tilespmem:v4+s28+$0x0], $0xffff  }
0x1b8: {  	v4 =	vor.u32 v20, v0;
	_ =	sdelay $0x3  }
0x1b9: {  	[tilespmem:v3+s12+$0x0] =	vst.idx.msk vm1, v2  }
0x1ba: {  	v3 =	vor.u32 v20, v1;
	v2 =	vld.idx.msk [tilespmem:v4+s28+$0x0], $0xffff  }
0x1bb: {  	v4 =	vor.u32 v21, v0;
	_ =	sdelay $0x3  }
0x1bc: {  	[tilespmem:v3+s12+$0x0] =	vst.idx.msk vm1, v2  }
0x1bd: {  	v3 =	vor.u32 v21, v1;
	v2 =	vld.idx.msk [tilespmem:v4+s28+$0x0], $0xffff  }
0x1be: {  	v4 =	vor.u32 v24, v0;
	_ =	sdelay $0x3  }
0x1bf: {  	[tilespmem:v3+s12+$0x0] =	vst.idx.msk vm1, v2  }
0x1c0: {  	v3 =	vor.u32 v24, v1;
	v2 =	vld.idx.msk [tilespmem:v4+s28+$0x0], $0xffff  }
0x1c1: {  	v4 =	vor.u32 v28, v0;
	_ =	sdelay $0x3  }
0x1c2: {  	[tilespmem:v3+s12+$0x0] =	vst.idx.msk vm1, v2  }
0x1c3: {  	v3 =	vor.u32 v28, v1;
	v2 =	vld.idx.msk [tilespmem:v4+s28+$0x0], $0xffff  }
0x1c4: {  	v4 =	vor.u32 v38, v0;
	_ =	sdelay $0x3  }
0x1c5: {  	[tilespmem:v3+s12+$0x0] =	vst.idx.msk vm1, v2  }
0x1c6: {  	v3 =	vor.u32 v38, v1;
	v2 =	vld.idx.msk [tilespmem:v4+s28+$0x0], $0xffff  }
0x1c7: {  	v4 =	vor.u32 v22, v0;
	_ =	sdelay $0x3  }
0x1c8: {  	[tilespmem:v3+s12+$0x0] =	vst.idx.msk vm1, v2  }
0x1c9: {  	v3 =	vor.u32 v22, v1;
	v2 =	vld.idx.msk [tilespmem:v4+s28+$0x0], $0xffff  }
0x1ca: {  	v4 =	vor.u32 v26, v0;
	_ =	sdelay $0x3  }
0x1cb: {  	[tilespmem:v3+s12+$0x0] =	vst.idx.msk vm1, v2  }
0x1cc: {  	v3 =	vor.u32 v26, v1;
	v2 =	vld.idx.msk [tilespmem:v4+s28+$0x0], $0xffff  }
0x1cd: {  	v4 =	vor.u32 v23, v0;
	_ =	sdelay $0x3  }
0x1ce: {  	[tilespmem:v3+s12+$0x0] =	vst.idx.msk vm1, v2  }
0x1cf: {  	v3 =	vor.u32 v23, v1;
	v2 =	vld.idx.msk [tilespmem:v4+s28+$0x0], $0xffff  }
0x1d0: {  	v4 =	vor.u32 v30, v0;
	_ =	sdelay $0x3  }
0x1d1: {  	[tilespmem:v3+s12+$0x0] =	vst.idx.msk vm1, v2  }
0x1d2: {  	v3 =	vor.u32 v30, v1;
	v2 =	vld.idx.msk [tilespmem:v4+s28+$0x0], $0xffff  }
0x1d3: {  	v4 =	vor.u32 v25, v0;
	_ =	sdelay $0x3  }
0x1d4: {  	[tilespmem:v3+s12+$0x0] =	vst.idx.msk vm1, v2  }
0x1d5: {  	v3 =	vor.u32 v25, v1;
	v2 =	vld.idx.msk [tilespmem:v4+s28+$0x0], $0xffff  }
0x1d6: {  	v4 =	vor.u32 v32, v0;
	_ =	sdelay $0x3  }
0x1d7: {  	[tilespmem:v3+s12+$0x0] =	vst.idx.msk vm1, v2  }
0x1d8: {  	v3 =	vor.u32 v32, v1;
	v2 =	vld.idx.msk [tilespmem:v4+s28+$0x0], $0xffff  }
0x1d9: {  	v4 =	vor.u32 v27, v0;
	_ =	sdelay $0x3  }
0x1da: {  	[tilespmem:v3+s12+$0x0] =	vst.idx.msk vm1, v2  }
0x1db: {  	v3 =	vor.u32 v27, v1;
	v2 =	vld.idx.msk [tilespmem:v4+s28+$0x0], $0xffff  }
0x1dc: {  	v4 =	vor.u32 v34, v0;
	_ =	sdelay $0x3  }
0x1dd: {  	[tilespmem:v3+s12+$0x0] =	vst.idx.msk vm1, v2  }
0x1de: {  	v3 =	vor.u32 v34, v1;
	v2 =	vld.idx.msk [tilespmem:v4+s28+$0x0], $0xffff  }
0x1df: {  	v4 =	vor.u32 v29, v0;
	_ =	sdelay $0x3  }
0x1e0: {  	[tilespmem:v3+s12+$0x0] =	vst.idx.msk vm1, v2  }
0x1e1: {  	v3 =	vor.u32 v29, v1;
	v2 =	vld.idx.msk [tilespmem:v4+s28+$0x0], $0xffff  }
0x1e2: {  	v4 =	vor.u32 v35, v0;
	_ =	sdelay $0x3  }
0x1e3: {  	[tilespmem:v3+s12+$0x0] =	vst.idx.msk vm1, v2  }
0x1e4: {  	v3 =	vor.u32 v35, v1;
	v2 =	vld.idx.msk [tilespmem:v4+s28+$0x0], $0xffff  }
0x1e5: {  	v4 =	vor.u32 v31, v0;
	_ =	sdelay $0x3  }
0x1e6: {  	[tilespmem:v3+s12+$0x0] =	vst.idx.msk vm1, v2  }
0x1e7: {  	v3 =	vor.u32 v31, v1;
	v2 =	vld.idx.msk [tilespmem:v4+s28+$0x0], $0xffff  }
0x1e8: {  	v4 =	vor.u32 v41, v0;
	_ =	sdelay $0x3  }
0x1e9: {  	[tilespmem:v3+s12+$0x0] =	vst.idx.msk vm1, v2  }
0x1ea: {  	v3 =	vor.u32 v41, v1;
	v2 =	vld.idx.msk [tilespmem:v4+s28+$0x0], $0xffff  }
0x1eb: {  	v4 =	vor.u32 v33, v0;
	_ =	sdelay $0x3  }
0x1ec: {  	[tilespmem:v3+s12+$0x0] =	vst.idx.msk vm1, v2  }
0x1ed: {  	v3 =	vor.u32 v33, v1;
	v2 =	vld.idx.msk [tilespmem:v4+s28+$0x0], $0xffff  }
0x1ee: {  	v4 =	vor.u32 v42, v0;
	_ =	sdelay $0x3  }
0x1ef: {  	[tilespmem:v3+s12+$0x0] =	vst.idx.msk vm1, v2  }
0x1f0: {  	v3 =	vor.u32 v42, v1;
	v2 =	vld.idx.msk [tilespmem:v4+s28+$0x0], $0xffff  }
0x1f1: {  	v4 =	vor.u32 v43, v0;
	_ =	sdelay $0x3  }
0x1f2: {  	[tilespmem:v3+s12+$0x0] =	vst.idx.msk vm1, v2  }
0x1f3: {  	v3 =	vor.u32 v43, v1;
	v2 =	vld.idx.msk [tilespmem:v4+s28+$0x0], $0xffff  }
0x1f4: {  	v4 =	vor.u32 v44, v0;
	_ =	sdelay $0x3  }
0x1f5: {  	[tilespmem:v3+s12+$0x0] =	vst.idx.msk vm1, v2  }
0x1f6: {  	v3 =	vor.u32 v44, v1;
	v2 =	vld.idx.msk [tilespmem:v4+s28+$0x0], $0xffff  }
0x1f7: {  	v4 =	vor.u32 v49, v0;
	_ =	sdelay $0x3  }
0x1f8: {  	[tilespmem:v3+s12+$0x0] =	vst.idx.msk vm1, v2  }
0x1f9: {  	v3 =	vor.u32 v49, v1;
	v2 =	vld.idx.msk [tilespmem:v4+s28+$0x0], $0xffff  }
0x1fa: {  	v4 =	vor.u32 v55, v0;
	_ =	sdelay $0x3  }
0x1fb: {  	[tilespmem:v3+s12+$0x0] =	vst.idx.msk vm1, v2  }
0x1fc: {  	v3 =	vor.u32 v55, v1;
	v2 =	vld.idx.msk [tilespmem:v4+s28+$0x0], $0xffff  }
0x1fd: {  	v4 =	vor.u32 v53, v0;
	_ =	sdelay $0x3  }
0x1fe: {  	[tilespmem:v3+s12+$0x0] =	vst.idx.msk vm1, v2  }
0x1ff: {  	v3 =	vor.u32 v53, v1;
	v2 =	vld.idx.msk [tilespmem:v4+s28+$0x0], $0xffff  }
0x200: {  	v4 =	vor.u32 v45, v0;
	_ =	sdelay $0x3  }
0x201: {  	[tilespmem:v3+s12+$0x0] =	vst.idx.msk vm1, v2  }
0x202: {  	v3 =	vor.u32 v45, v1;
	v2 =	vld.idx.msk [tilespmem:v4+s28+$0x0], $0xffff  }
0x203: {  	v4 =	vor.u32 v46, v0;
	_ =	sdelay $0x3  }
0x204: {  	[tilespmem:v3+s12+$0x0] =	vst.idx.msk vm1, v2  }
0x205: {  	v3 =	vor.u32 v46, v1;
	v2 =	vld.idx.msk [tilespmem:v4+s28+$0x0], $0xffff  }
0x206: {  	v4 =	vor.u32 v47, v0;
	_ =	sdelay $0x3  }
0x207: {  	[tilespmem:v3+s12+$0x0] =	vst.idx.msk vm1, v2  }
0x208: {  	v3 =	vor.u32 v47, v1;
	v2 =	vld.idx.msk [tilespmem:v4+s28+$0x0], $0xffff  }
0x209: {  	v4 =	vor.u32 v48, v0;
	_ =	sdelay $0x3  }
0x20a: {  	[tilespmem:v3+s12+$0x0] =	vst.idx.msk vm1, v2  }
0x20b: {  	v3 =	vor.u32 v48, v1;
	v2 =	vld.idx.msk [tilespmem:v4+s28+$0x0], $0xffff  }
0x20c: {  	v4 =	vor.u32 v50, v0;
	_ =	sdelay $0x3  }
0x20d: {  	[tilespmem:v3+s12+$0x0] =	vst.idx.msk vm1, v2  }
0x20e: {  	v3 =	vor.u32 v50, v1;
	v2 =	vld.idx.msk [tilespmem:v4+s28+$0x0], $0xffff  }
0x20f: {  	v4 =	vor.u32 v56, v0;
	_ =	sdelay $0x3  }
0x210: {  	[tilespmem:v3+s12+$0x0] =	vst.idx.msk vm1, v2  }
0x211: {  	v3 =	vor.u32 v56, v1;
	v2 =	vld.idx.msk [tilespmem:v4+s28+$0x0], $0xffff  }
0x212: {  	v4 =	vor.u32 v6, v0;
	_ =	sdelay $0x3  }
0x213: {  	[tilespmem:v3+s12+$0x0] =	vst.idx.msk vm1, v2  }
0x214: {  	v3 =	vor.u32 v6, v1;
	v2 =	vld.idx.msk [tilespmem:v4+s28+$0x0], $0xffff  }
0x215: {  	v4 =	vor.u32 v7, v0;
	_ =	sdelay $0x3  }
0x216: {  	[tilespmem:v3+s12+$0x0] =	vst.idx.msk vm1, v2  }
0x217: {  	v3 =	vor.u32 v7, v1;
	v2 =	vld.idx.msk [tilespmem:v4+s28+$0x0], $0xffff  }
0x218: {  	v4 =	vor.u32 v8, v0;
	_ =	sdelay $0x3  }
0x219: {  	[tilespmem:v3+s12+$0x0] =	vst.idx.msk vm1, v2  }
0x21a: {  	v3 =	vor.u32 v8, v1;
	v2 =	vld.idx.msk [tilespmem:v4+s28+$0x0], $0xffff  }
0x21b: {  	v4 =	vor.u32 v9, v0;
	_ =	sdelay $0x3  }
0x21c: {  	[tilespmem:v3+s12+$0x0] =	vst.idx.msk vm1, v2  }
0x21d: {  	v3 =	vor.u32 v9, v1;
	v2 =	vld.idx.msk [tilespmem:v4+s28+$0x0], $0xffff  }
0x21e: {  	v4 =	vor.u32 v52, v0;
	_ =	sdelay $0x3  }
0x21f: {  	[tilespmem:v3+s12+$0x0] =	vst.idx.msk vm1, v2  }
0x220: {  	v3 =	vor.u32 v52, v1;
	v2 =	vld.idx.msk [tilespmem:v4+s28+$0x0], $0xffff  }
0x221: {  	v4 =	vor.u32 v54, v0;
	_ =	sdelay $0x3  }
0x222: {  	[tilespmem:v3+s12+$0x0] =	vst.idx.msk vm1, v2  }
0x223: {  	v3 =	vor.u32 v54, v1;
	v2 =	vld.idx.msk [tilespmem:v4+s28+$0x0], $0xffff  }
0x224: {  	v4 =	vor.u32 v51, v0;
	_ =	sdelay $0x3  }
0x225: {  	[tilespmem:v3+s12+$0x0] =	vst.idx.msk vm1, v2  }
0x226: {  	v3 =	vor.u32 v51, v1;
	v2 =	vld.idx.msk [tilespmem:v4+s28+$0x0], $0xffff  }
0x227: {  	v4 =	vor.u32 v11, v0;
	_ =	sdelay $0x3  }
0x228: {  	[tilespmem:v3+s12+$0x0] =	vst.idx.msk vm1, v2  }
0x229: {  	v3 =	vor.u32 v11, v1;
	v2 =	vld.idx.msk [tilespmem:v4+s28+$0x0], $0xffff  }
0x22a: {  	v4 =	vor.u32 v59, v0;
	_ =	sdelay $0x3  }
0x22b: {  	[tilespmem:v3+s12+$0x0] =	vst.idx.msk vm1, v2  }
0x22c: {  	v3 =	vor.u32 v59, v1;
	v2 =	vld.idx.msk [tilespmem:v4+s28+$0x0], $0xffff  }
0x22d: {  	v4 =	vor.u32 v61, v0;
	_ =	sdelay $0x3  }
0x22e: {  	[tilespmem:v3+s12+$0x0] =	vst.idx.msk vm1, v2  }
0x22f: {  	v3 =	vor.u32 v61, v1;
	v2 =	vld.idx.msk [tilespmem:v4+s28+$0x0], $0xffff  }
0x230: {  	v4 =	vor.u32 v62, v0;
	_ =	sdelay $0x3  }
0x231: {  	[tilespmem:v3+s12+$0x0] =	vst.idx.msk vm1, v2  }
0x232: {  	v3 =	vor.u32 v62, v1;
	v2 =	vld.idx.msk [tilespmem:v4+s28+$0x0], $0xffff  }
0x233: {  	v4 =	vor.u32 v63, v0;
	_ =	sdelay $0x3  }
0x234: {  	[tilespmem:v3+s12+$0x0] =	vst.idx.msk vm1, v2  }
0x235: {  	v3 =	vor.u32 v63, v1;
	v2 =	vld.idx.msk [tilespmem:v4+s28+$0x0], $0xffff  }
0x236: {  	v4 =	vor.u32 v58, v0;
	_ =	sdelay $0x3  }
0x237: {  	[tilespmem:v3+s12+$0x0] =	vst.idx.msk vm1, v2  }
0x238: {  	v3 =	vor.u32 v58, v1;
	v2 =	vld.idx.msk [tilespmem:v4+s28+$0x0], $0xffff  }
0x239: {  	v4 =	vor.u32 v57, v0;
	_ =	sdelay $0x3  }
0x23a: {  	[tilespmem:v3+s12+$0x0] =	vst.idx.msk vm1, v2  }
0x23b: {  	v3 =	vor.u32 v57, v1;
	v2 =	vld.idx.msk [tilespmem:v4+s28+$0x0], $0xffff  }
0x23c: {  	v4 =	vor.u32 v60, v0;
	_ =	sdelay $0x3  }
0x23d: {  	[tilespmem:v3+s12+$0x0] =	vst.idx.msk vm1, v2  }
0x23e: {  	v3 =	vor.u32 v60, v1;
	v2 =	vld.idx.msk [tilespmem:v4+s28+$0x0], $0xffff  }
0x23f: {  	v4 =	vor.u32 v36, v0;
	_ =	sdelay $0x3  }
0x240: {  	[tilespmem:v3+s12+$0x0] =	vst.idx.msk vm1, v2  }
0x241: {  	v3 =	vor.u32 v36, v1;
	v2 =	vld.idx.msk [tilespmem:v4+s28+$0x0], $0xffff  }
0x242: {  	v4 =	vor.u32 v37, v0;
	_ =	sdelay $0x3  }
0x243: {  	[tilespmem:v3+s12+$0x0] =	vst.idx.msk vm1, v2  }
0x244: {  	v3 =	vor.u32 v37, v1;
	v2 =	vld.idx.msk [tilespmem:v4+s28+$0x0], $0xffff  }
0x245: {  	v4 =	vor.u32 v39, v0;
	_ =	sdelay $0x3  }
0x246: {  	[tilespmem:v3+s12+$0x0] =	vst.idx.msk vm1, v2  }
0x247: {  	v3 =	vor.u32 v39, v1;
	v2 =	vld.idx.msk [tilespmem:v4+s28+$0x0], $0xffff  }
0x248: {  	v0 =	vor.u32 v40, v0;
	_ =	sdelay $0x3  }
0x249: {  	[tilespmem:v3+s12+$0x0] =	vst.idx.msk vm1, v2  }
0x24a: {  	p0 =	sne.s32 s22, $0xD0;
	v1 =	vor.u32 v40, v1;
	v0 =	vld.idx.msk [tilespmem:v0+s28+$0x0], $0xffff  }
.Ltmp3:
0x24b: {  	_ = 	snop;
	(pc) =	sbr.rel @p0 .LBB2_5-.Ltmp3, $2  }
0x24c: {  	_ =	sdelay $0x2  }
0x24d: {  	s22 =	sadd.s32 $0x10, s22;
	[tilespmem:v1+s12+$0x0] =	vst.idx.msk vm1, v0  }
0x24e: {  	s22 =	sadd.s32 s10, s6  }
0x24f: {  	s22 =	sshll.u32 s22, $0x9  }
0x250: {  	s22 =	sand.u32 $0x1FFFF000, s22  }
0x251: {  	s24 =	sadd.s32 s8, s22  }
0x252: {  	[hbm4b:s24+s4] =	stream.linear.scatter [tilespmem:s12], [sflag:$0x4], $0xD80, $0x38;
	[tilespmem:$0x13B80] =	vst v63  }
0x253: {  	s2 =	simm.s32 $0xCB00;
	s31 =	sadd.s32 s22, s13  }
0x254: {  	[hbm4b:s31+s4] =	stream.linear.scatter [tilespmem:s2], [sflag:$0x4], $0xD80, $0x38;
	[tilespmem:$0x13B80] =	vst v63  }
0x255: {  	s2 =	sadd.s32 s22, s14;
	s31 =	simm.s32 $0xDB00  }
0x256: {  	[hbm4b:s2+s4] =	stream.linear.scatter [tilespmem:s31], [sflag:$0x4], $0xD80, $0x38;
	[tilespmem:$0x13B80] =	vst v63  }
0x257: {  	s2 =	sadd.s32 s22, s15;
	s31 =	simm.s32 $0xEB00  }
0x258: {  	[hbm4b:s2+s4] =	stream.linear.scatter [tilespmem:s31], [sflag:$0x4], $0xD80, $0x38;
	[tilespmem:$0x13B80] =	vst v63  }
0x259: {  	s2 =	sadd.s32 s22, s16;
	s31 =	simm.s32 $0xFB00  }
0x25a: {  	[hbm4b:s2+s4] =	stream.linear.scatter [tilespmem:s31], [sflag:$0x4], $0xD80, $0x38;
	[tilespmem:$0x13B80] =	vst v63  }
0x25b: {  	s2 =	sadd.s32 s22, s17  }
0x25c: {  	[hbm4b:s2+s4] =	stream.linear.scatter [tilespmem:s1], [sflag:$0x4], $0xD80, $0x38;
	[tilespmem:$0x13B80] =	vst v63  }
.Ltmp4:
0x25d: {  	_ = 	snop;
	(pc) =	sbr.rel @p1 .LBB2_8-.Ltmp4, $4  }
0x25e: {  	s31 =	sadd.s32 s22, s18  }
0x25f: {  	[hbm4b:s31+s4] =	stream.linear.scatter [tilespmem:s3], [sflag:$0x4], $0xD80, $0x38;
	[tilespmem:$0x13B80] =	vst v63  }
0x260: {  	s22 =	sadd.s32 s22, s19  }
0x261: {  	[hbm4b:s22+s4] =	stream.linear.scatter [tilespmem:s23], [sflag:$0x4], $0xD80, $0x38;
	[tilespmem:$0x13B80] =	vst v63  }
0x262: {  	s10 =	sadd.s32 s10, s21  }
0x263: {  	s22 =	smul.u32 $0x1A, s10;
	_ =	sdelay $0x1  }
.Ltmp5:
0x264: {  	s22 =	sshrl.u32 s22, $0x3;
	(pc) =	sbr.rel .LBB2_2-.Ltmp5, $4  }
0x265: {  	s10 =	smul.u32 $0x70, s10;
	s22 =	sadd.s32 s7, s22  }
0x266: {  	[tilespmem:s26], [sflag:$0x2] =	stream.linear.gather [hbm4b:s22+s4], $0xD0, $0x38;
	[tilespmem:$0x13B80] =	vst v63  }
0x267: {  	s9 =	sadd.s32 $0x1, s9;
	s10 =	sadd.s32 s0, s10  }
0x268: {  	v2 =	vmov v41;
	v3 =	vmov v49;
	[tilespmem:s28], [sflag:$0x2] =	stream.linear.gather [hbm4b:s10+s4], $0x1C00, $0x38;
	[tilespmem:$0x13B80] =	vst v63  }
.LBB2_9:
0x269: {  	_ =	sfence.sel $0x180000  }
0x26a: {  	[bflag:$0x0] =	sbarrier.arrive $0xFFFF  }
0x26b: {  	_ =	strace $0x90000047  }
0x26c: {  	s0 =	stileid.u32;
	[bflag:$0x2] =	sbarrier.arrive $0xFFFF  }
0x26d: {  	p0 =	sne.s32 s0, $0x0;
	s0 =	rddreg [dreg:$0x3]  }
0x26e: {  	s0 =	sadd.s32 @!p0 $0x100000, s0  }
0x26f: {  	[sflag:s0] =	ssyncadd.tile.s32 @!p0 $0x1;
	_ =	shalt  }
.Lfunc_end2:
_tile_overlayer_lowered:
.L_overlay_start_2:
0x270: {  	(tag) =	ssettag $0x2  }
0x271: {  	s0 =	rddreg [dreg:$0x0];
	s2 =	stileid.u32  }
0x272: {  	s1 =	rddreg [dreg:$0x1];
	p0 =	sne.s32 s2, $0x0  }
0x273: {  	s3 =	rddreg [dreg:$0x2];
	[bflag:$0x3] =	sbarrier.arrive $0xFFFF;
	s2 =	simm.s32 @!p0 $0x1C05  }
0x274: {  	[timem:s3], [sflag:s2] =	dma.local @!p0 [hbm:s0], s1  }
0x275: {  	s0 =	simm.s32 @!p0 $0x5  }
0x276: {  	_ =	swait.ge @!p0 [sflag:s0], s1  }
0x277: {  	s1 =	ssub.s32 @!p0 $0x0, s1;
	[sflag:s0] =	ssyncset.done @!p0 $0x0  }
0x278: {  	[sflag:s0] =	ssyncadd.s32 @!p0 s1  }
0x279: {  	[bflag:$0x3] =	sbarrier.arrive $0xFFFF  }
0x27a: {  	_ =	shalt  }

// kernel: sparse-core-data-format-call.cloned.1.call-start
scs
called_computation_lowered:
.L_overlay_start_0:
0x0: {  	s2 =	sld [smem:$0x3FD9]  }
0x1: {  	s3 =	sld [smem:$0x3FFE];
	_ =	sdelay $0x1  }
0x2: {  	s1 =	srdreg.scid  }
0x3: {  	s0 =	sand.u32 $0x1, s1  }
0x4: {  	s18 =	sshll.u32 s0, $0xA;
	s2 =	sadd.s32 s3, s2  }
0x5: {  	s2 =	sadd.s32 s2, s18  }
0x6: {  	[smem:$0x3FC5] =	sst s2  }
0x7: {  	_ = 	snop  }
0x8: {  	s2 =	sld [smem:$0x3FD0];
	(tm) =	ssettm $0x1  }
0x9: {  	s19 =	sld [smem:$0x3FFB];
	_ =	sdelay $0x3  }
0xa: {  	_ =	strace s19  }
0xb: {  	s3 =	sld [smem:$0x3FFC];
	_ =	sdelay $0x3  }
0xc: {  	_ =	strace s3  }
0xd: {  	s3 =	sld [smem:$0x3FFD];
	_ =	sdelay $0x3  }
0xe: {  	_ =	strace s3  }
0xf: {  	_ =	strace $0x8FFFFFFF  }
0x10: {  	s20 =	sld [smem:$0x3FDB];
	_ =	sdelay $0x1  }
0x11: {  	s4 =	simm.s32 $_scs_section_size  }
0x12: {  	s5 =	simm.s32 $_size__tile_overlayer_lowered;
	s6 =	simm.s32 $_tile_overlayer_lowered  }
0x13: {  	s23 =	simm.s32 $0x1BFF;
	s22 =	sshll.u32 s6, $0x1;
	s3 =	sadd.s32 s4, s20  }
0x14: {  	s7 =	simm.s32 $0x0;
	s21 =	sshll.u32 s5, $0x1;
	s5 =	sadd.s32 s22, s3  }
0x15: {  	[timem:s7], [sflag:s23] =	dma.local [hbm:s5], s21  }
0x16: {  	_ =	swait.ge [sflag:s23], s21  }
0x17: {  	s4 =	ssub.s32 $0x0, s21;
	[sflag:s23] =	ssyncset.done $0x0  }
0x18: {  	[sflag:s23] =	ssyncadd.s32 s4;
	_ =	sdelay $0x1  }
0x19: {  	s24 =	simm.s32 $0x1B8B  }
0x1a: {  	_ =	swait.ge [sflag:s24], $0x1  }
0x1b: {  	[sflag:s24] =	ssyncset.done $0x0  }
0x1c: {  	s26 =	simm.s32 $0x1B8E;
	s25 =	sld [smem:$0x3FFE];
	[sflag:s24] =	ssyncadd.s32 $0xFFFFFFFF  }
0x1d: {  	s27 =	simm.s32 $execute0_lowered;
	[smem:$0x3FD2] =	sst s26  }
0x1e: {  	s5 =	sshll.u32 s27, $0x1;
	_ =	strace $0x80000049;
	[dreg:$0x1] =	wrdreg $0xFFFFFFFF  }
0x1f: {  	s28 =	simm.s32 $_size_execute0_lowered;
	s3 =	sadd.s32 s3, s5;
	[dreg:$0x0] =	wrdreg $0x0  }
0x20: {  	s5 =	sshll.u32 s28, $0x1;
	[dreg:$0x2] =	wrdreg s3  }
0x21: {  	[dreg:$0x3] =	wrdreg s5  }
0x22: {  	[dreg:$0x4] =	wrdreg $0xC0  }
0x23: {  	_ =	task [dreg:s7], $0x5FFFF  }
0x24: {  	[dreg:$0x1] =	wrdreg $0xFFFFFFFF  }
0x25: {  	[dreg:$0x0] =	wrdreg $0x60  }
0x26: {  	[dreg:$0x2] =	wrdreg s25  }
0x27: {  	[dreg:$0x3] =	wrdreg s2  }
0x28: {  	[dreg:$0x4] =	wrdreg $0x9  }
0x29: {  	_ =	task.clear_ibuf [dreg:s7], $0x5FFFF;
	_ =	strace $0x90000049  }
0x2a: {  	s29 =	simm.s32 $0x9;
	_ =	strace $0x8000004B  }
0x2b: {  	_ =	swait.ge [sflag:s29], $0x1  }
0x2c: {  	[sflag:s29] =	ssyncadd.s32 $0xFFFFFFFF  }
0x2d: {  	_ =	strace $0x9000004B  }
0x2e: {  	_ =	sfence  }
0x2f: {  	s30 =	sld [smem:$0x0];
	_ =	sdelay $0x2  }
0x30: {  	s31 =	sshll.u32 s1, $0xD;
	s1 =	sshrl.u32 s1, $0x2  }
0x31: {  	s3 =	sand.u32 $0x4000, s31;
	s1 =	sadd.s32 s1, s30  }
0x32: {  	s0 =	sor.u32 s3, s0;
	s1 =	sshll.u32 s1, $0x11  }
0x33: {  	s0 =	sor.u32 s1, s0  }
0x34: {  	s0 =	sadd.s32 $0x8F2B, s0  }
0x35: {  	[sflag:s0] =	ssyncadd.remote.s32 $0x1  }
0x36: {  	_ =	sfence.sel $0xFFFF  }
0x37: {  	[dreg:$0x0] =	wrdreg $0xFFFFFFFF;
	(pc) =	sbr.abs _section_cstart, $3  }
0x38: {  	[dreg:$0x1] =	wrdreg $0xFFFFFFFF  }
0x39: {  	_ =	task.clear_ibuf [dreg:s7], $0x2FFFF;
	_ =	strace $0x9FFFFFFF  }
0x3a: {  	(tm) =	ssettm $0x7FFFFFFF  }
0x3b: {  	_ =	shalt  }
tec
execute0_lowered:
.L_overlay_start_1:
0x0: {  	(tag) =	ssettag $0x1  }
0x1: {  	s0 =	stileid.u32  }
0x2: {  	s1 =	srdreg.scid;
	s2 =	sshll.u32 s0, $0x7  }
0x3: {  	s7 =	rddreg [dreg:$0x0];
	s3 =	sshll.u32 s1, $0x4;
	s1 =	sand.u32 $0x180, s2  }
0x4: {  	s8 =	simm.s32 $0x2;
	s30 =	sand.u32 $0x10, s3;
	s31 =	ssub.s32 $0x200, s1  }
0x5: {  	s14 =	simm.s32 $0x0;
	s2 =	sor.u32 s0, s30;
	s4 =	sand.u32 $0x180, s31  }
0x6: {  	s2 =	sshrl.u32 s2, $0x2;
	p0 =	sne.s32 s4, $0x0;
	s4 =	simm.s32 $0x1  }
0x7: {  	s3 =	sshrl.u32 s31, $0x9;
	s5 =	ssub.s32 $0x22, s2;
	s4 =	simm.s32 @!p0 $0x0  }
0x8: {  	s9 =	simm.s32 $0x1000;
	s5 =	sshrl.u32 s5, $0x3;
	s3 =	sadd.s32 s4, s3  }
0x9: {  	s16 =	simm.s32 $0x0;
	s15 =	simm.s32 $0x0;
	s6 =	smul.u32 s5, s3  }
.Ltmp0:
0xa: {  	s11 =	simm.s32 $0x0;
	s4 =	rddreg [dreg:$0x1];
	(pc) =	sbr.rel .LBB1_1-.Ltmp0, $4  }
0xb: {  	s13 =	simm.s32 $0x0;
	s7 =	sadd.s32 $0x14E00, s7;
	s3 =	rddreg [dreg:$0x2]  }
0xc: {  	_ =	strace $0x8000004A;
	s5 =	simm.s32 $0x1;
	s6 =	smul.u32 $0x32, s6  }
0xd: {  	s12 =	smov.u32 s1;
	s10 =	smov.u32 s2;
	[sflag:s5] =	ssyncpa.u1 $0x0  }
0xe: {  	p0 =	por $0x0, $0x0;
	[sflag:s8] =	ssyncpa.u1 $0x0;
	s8 =	sor.u32 $0x1, s6  }
.LBB1_4:
0xf: {  	s19 =	sand.u32 $0xF80, s15;
	s16 =	smul.u32 $0x1B000, s16  }
0x10: {  	s20 =	sshrl.u32 s15, $0x3;
	s19 =	sadd.s32 s4, s19  }
0x11: {  	[tilespmem:s18+$0x810 ss:$0x81] =	vst.msk $0xffff, v2;
	s31 =	sand.u32 $0x7, s15;
	s20 =	sand.u32 $0xF, s20;
	s16 =	sadd.s32 s16, s19  }
0x12: {  	[tilespmem:s18+$0x1020 ss:$0x81] =	vst.msk $0xffff, v0;
	s14 =	sshll.u32 s14, $0xC;
	s15 =	sshll.u32 s31, $0x12;
	s16 =	sadd.s32 s20, s16  }
0x13: {  	[tilespmem:s18+$0x0 ss:$0x81] =	vst.msk $0xffff, v1;
	s15 =	sor.u32 $0x400, s15;
	s14 =	sadd.s32 s14, s16  }
0x14: {  	[hbm4b:s14+s15] =	stream.strided.scatter [tilespmem:s17], [sflag:$0x2], $0x2000, s9, s15, $0x20;
	[tilespmem:$0x8080] =	vst v63  }
.LBB1_5:
0x15: {  	s17 =	sadd.s32 $0x8, s10  }
0x16: {  	s14 =	simm.s32 $0x1;
	p2 =	sgt.s32 s17, $0x1A  }
0x17: {  	s14 =	simm.s32 @!p2 $0x0  }
0x18: {  	s18 =	sadd.s32 s14, s11  }
0x19: {  	s20 =	smov.u32 s12;
	s14 =	sadd.s32 $0x200, s12;
	p3 =	sgt.s32 s18, $0x31  }
0x1a: {  	s20 =	smov.u32 @p3 s14  }
0x1b: {  	p1 =	slt.u32 s13, $0x2;
	s17 =	smov.u32 @p2 s2;
	p2 =	sgt.s32 s20, $0x1FF  }
0x1c: {  	s19 =	simm.s32 @!p1 $0x2;
	s20 =	smov.u32 @p2 s1;
	p2 =	sne.s32 s13, s8  }
.Ltmp1:
0x1d: {  	_ =	swait.ge @!p1 [sflag:s19], $0x2000;
	(pc) =	sbr.rel @!p2 .LBB1_6-.Ltmp1, $4  }
0x1e: {  	s16 =	smov.u32 s11;
	[sflag:s19] =	ssyncset.done @!p1 $0x0  }
0x1f: {  	s15 =	smov.u32 s12;
	p0 =	por !p0, !p0;
	[sflag:s19] =	ssyncadd.s32 @!p1 $0xFFFFE000  }
0x20: {  	s18 =	simm.s32 @p3 $0x0;
	s14 =	smov.u32 s10;
	s10 =	smov.u32 s17  }
0x21: {  	s11 =	smov.u32 s18;
	s13 =	sadd.s32 $0x1, s13;
	s12 =	smov.u32 s20  }
.LBB1_1:
0x22: {  	p1 =	sge.u32 s13, s6  }
0x23: {  	s18 =	smul.u32 @!p1 $0x6400, s12  }
0x24: {  	s31 =	sadd.s32 $0xFFFFFFFF, s13;
	s17 =	sxor.u32 @!p1 $0xFFFFFFFF, s13;
	s19 =	sshll.u32 @!p1 s11, $0x9  }
0x25: {  	s20 =	sshll.u32 @!p1 s10, $0x4;
	s17 =	sshll.u32 @!p1 s17, $0xD;
	s18 =	sadd.s32 @!p1 s7, s18  }
0x26: {  	s20 =	sand.u32 @!p1 $0x1F0, s20;
	s17 =	sand.u32 @!p1 $0x2000, s17;
	s18 =	sadd.s32 @!p1 s19, s18  }
0x27: {  	s19 =	simm.s32 @!p1 $0x40;
	s18 =	sadd.s32 @!p1 s20, s18;
	s20 =	simm.s32 @!p1 $0x32000  }
0x28: {  	[tilespmem:s17], [sflag:$0x1] =	stream.strided.gather @!p1 [hbm4b:s18+s19], $0x2000, s20, s19, $0x38;
	[tilespmem:$0x8080] =	vst v63  }
0x29: {  	p1 =	sge.u32 s31, s6  }
.Ltmp2:
0x2a: {  	_ = 	snop;
	(pc) =	sbr.rel @p1 .LBB1_5-.Ltmp2, $1  }
0x2b: {  	_ =	sdelay $0x3  }
0x2c: {  	s17 =	simm.s32 $0x1  }
0x2d: {  	_ =	swait.ge [sflag:s5], $0x2000;
	s17 =	simm.s32 @!p0 $0x0  }
0x2e: {  	[sflag:s5] =	ssyncset.done $0x0;
	s18 =	sshll.u32 s17, $0xD  }
0x2f: {  	[sflag:s5] =	ssyncadd.s32 $0xFFFFE000;
	s21 =	sor.u32 $0x20, s18  }
0x30: {  	s17 =	smul.u32 $0x8100, s17;
	v3 =	vld [tilespmem:s21+$0x10]  }
0x31: {  	s30 =	sand.u32 $0x1, s13;
	v2 =	vld [tilespmem:s21+$0xFFFFFFF0]  }
0x32: {  	s18 =	smul.u32 $0x8100, s30;
	s17 =	sshrl.u32 s17, $0x2;
	v0 =	vld [tilespmem:s21+$0x0]  }
0x33: {  	v1 =	vld [tilespmem:s21+$0xFFFFFFE0];
	s19 =	sor.u32 $0x4000, s17  }
0x34: {  	s31 =	sshrl.u32 s18, $0x2;
	s18 =	sadd.s32 $0x0, s19  }
0x35: {  	s20 =	simm.s32 $0x4;
	s21 =	sadd.s32 $0x40, s21;
	s17 =	sor.u32 $0x4000, s31;
	[tilespmem:s18+$0x1830 ss:$0x81] =	vst.msk $0xffff, v3  }
.LBB1_3:
0x36: {  	v3 =	vld [tilespmem:s21+$0x10];
	p1 =	sne.s32 s20, $0x1FC;
	[tilespmem:s18+$0x810 ss:$0x81] =	vst.msk $0xffff, v2;
	s22 =	smov.u32 s20;
	s20 =	sadd.s32 $0x4, s20  }
.Ltmp3:
0x37: {  	v2 =	vld [tilespmem:s21+$0xFFFFFFF0];
	[tilespmem:s18+$0x1020 ss:$0x81] =	vst.msk $0xffff, v0;
	(pc) =	sbr.rel @p1 .LBB1_3-.Ltmp3, $4  }
0x38: {  	v0 =	vld [tilespmem:s21+$0x0];
	[tilespmem:s18+$0x0 ss:$0x81] =	vst.msk $0xffff, v1  }
0x39: {  	s18 =	sshra.s32 s22, $0x2;
	v1 =	vld [tilespmem:s21+$0xFFFFFFE0]  }
0x3a: {  	s18 =	sadd.s32 s18, s19  }
0x3b: {  	s21 =	sadd.s32 $0x40, s21;
	[tilespmem:s18+$0x1830 ss:$0x81] =	vst.msk $0xffff, v3  }
.Ltmp4:
0x3c: {  	_ = 	snop;
	(pc) =	sbr.rel .LBB1_4-.Ltmp4, $1  }
0x3d: {  	_ =	sdelay $0x3  }
.LBB1_6:
0x3e: {  	_ =	sfence.sel $0x180000  }
0x3f: {  	s1 =	simm.s32 $0x1;
	[bflag:$0x0] =	sbarrier.arrive $0xFFFF  }
0x40: {  	s31 =	simm.s32 $0x2;
	[sflag:s1] =	ssyncpa.u1 $0x1  }
0x41: {  	[sflag:s31] =	ssyncpa.u1 $0x1  }
0x42: {  	p0 =	sne.s32 s0, $0x0;
	_ =	strace $0x9000004A  }
0x43: {  	s0 =	sadd.s32 @!p0 $0x100000, s3;
	[bflag:$0x2] =	sbarrier.arrive $0xFFFF  }
0x44: {  	[sflag:s0] =	ssyncadd.tile.s32 @!p0 $0x1;
	_ =	shalt  }
.Lfunc_end1:
_tile_overlayer_lowered:
.L_overlay_start_2:
0x45: {  	(tag) =	ssettag $0x2  }
0x46: {  	s0 =	rddreg [dreg:$0x0];
	s2 =	stileid.u32  }
0x47: {  	s1 =	rddreg [dreg:$0x1];
	p0 =	sne.s32 s2, $0x0  }
0x48: {  	s3 =	rddreg [dreg:$0x2];
	[bflag:$0x3] =	sbarrier.arrive $0xFFFF;
	s2 =	simm.s32 @!p0 $0x1C01  }
0x49: {  	[timem:s3], [sflag:s2] =	dma.local @!p0 [hbm:s0], s1  }
0x4a: {  	s0 =	simm.s32 @!p0 $0x1  }
0x4b: {  	_ =	swait.ge @!p0 [sflag:s0], s1  }
0x4c: {  	s1 =	ssub.s32 @!p0 $0x0, s1;
	[sflag:s0] =	ssyncset.done @!p0 $0x0  }
0x4d: {  	[sflag:s0] =	ssyncadd.s32 @!p0 s1  }
0x4e: {  	[bflag:$0x3] =	sbarrier.arrive $0xFFFF  }
0x4f: {  	_ =	shalt  }

</sc_bundles>
